<compile_context>
chip_gen: v7x
topology: tpu7x:2x2x1
jax: 0.10.2.dev20260603
libtpu: 0.0.44.dev20260713+nightly
codegen_flags: <defaults>
</compile_context>

<pallas_src>
import functools

import jax
import jax.numpy as jnp
from jax import lax
from jax.experimental import pallas as pl
from jax.experimental.pallas import tpu as pltpu
from jax.experimental.pallas import tpu_sc as plsc

N_ROWS = 131072
N_FEAT = 128
NUM_CORES = 2
NUM_SUBCORES = 16
NUM_WORKERS = NUM_CORES * NUM_SUBCORES
ROWS_PER_WORKER = N_ROWS // NUM_WORKERS
CHUNK_ROWS = 256
NUM_CHUNKS = ROWS_PER_WORKER // CHUNK_ROWS
NBUF = 3
LANES = 16
BLOCKS = N_FEAT // LANES
CHUNK_ELEMS = CHUNK_ROWS * N_FEAT


def _permute_body(inputs_hbm, perm_hbm, out_hbm, perm_v,
                  buf0, buf1, buf2,
                  sem_in0, sem_in1, sem_in2,
                  sem_out0, sem_out1, sem_out2):
    c = lax.axis_index("c")
    s = lax.axis_index("s")
    wid = s * NUM_CORES + c
    base = wid * ROWS_PER_WORKER

    bufs = (buf0, buf1, buf2)
    sems_in = (sem_in0, sem_in1, sem_in2)
    sems_out = (sem_out0, sem_out1, sem_out2)

    pltpu.sync_copy(perm_hbm, perm_v)
    idxs = [perm_v[pl.ds(k * LANES, LANES)] for k in range(BLOCKS)]

    def copy_in(g):
        elem0 = (base + g * CHUNK_ROWS) * N_FEAT
        return pltpu.make_async_copy(
            inputs_hbm.at[pl.ds(elem0, CHUNK_ELEMS)], bufs[g % NBUF],
            sems_in[g % NBUF])

    def copy_out(g):
        elem0 = (base + g * CHUNK_ROWS) * N_FEAT
        return pltpu.make_async_copy(
            bufs[g % NBUF], out_hbm.at[pl.ds(elem0, CHUNK_ELEMS)],
            sems_out[g % NBUF])

    def compute(g):
        buf = bufs[g % NBUF]

        def row_body(r, carry2):
            row = buf.at[pl.ds(r * N_FEAT, N_FEAT)]
            vals = [plsc.load_gather(row, [idxs[k]])
                    for k in range(BLOCKS)]
            for k in range(BLOCKS):
                buf[pl.ds(r * N_FEAT + k * LANES, LANES)] = vals[k]
            return carry2

        lax.fori_loop(0, CHUNK_ROWS, row_body, 0)

    copy_in(0).start()
    copy_in(1).start()
    for g in range(NUM_CHUNKS):
        copy_in(g).wait()
        compute(g)
        copy_out(g).start()
        if g + 2 < NUM_CHUNKS:
            if g >= 1:
                copy_out(g - 1).wait()
            copy_in(g + 2).start()
    copy_out(NUM_CHUNKS - 3).wait()
    copy_out(NUM_CHUNKS - 2).wait()
    copy_out(NUM_CHUNKS - 1).wait()


@jax.jit
def _permute(inputs_flat, permutation):
    mesh = plsc.VectorSubcoreMesh(core_axis_name="c", subcore_axis_name="s")
    fn = functools.partial(
        pl.kernel,
        out_type=jax.ShapeDtypeStruct((N_ROWS * N_FEAT,), jnp.float32),
        mesh=mesh,
        scratch_types=[
            pltpu.VMEM((N_FEAT,), jnp.int32),
            pltpu.VMEM((CHUNK_ELEMS,), jnp.float32),
            pltpu.VMEM((CHUNK_ELEMS,), jnp.float32),
            pltpu.VMEM((CHUNK_ELEMS,), jnp.float32),
            pltpu.SemaphoreType.DMA,
            pltpu.SemaphoreType.DMA,
            pltpu.SemaphoreType.DMA,
            pltpu.SemaphoreType.DMA,
            pltpu.SemaphoreType.DMA,
            pltpu.SemaphoreType.DMA,
        ],
        compiler_params=pltpu.CompilerParams(needs_layout_passes=False),
    )(_permute_body)
    return fn(inputs_flat, permutation)


def kernel(inputs, permutation):
    out_flat = _permute(inputs.reshape(-1), permutation)
    outputs = out_flat.reshape(N_ROWS, N_FEAT)
    logabsdet = jnp.zeros((inputs.shape[0],), dtype=inputs.dtype)
    return (outputs, logabsdet)

# --- scband reference (transcript-rebuilt; emitter-appended) ---
"""Pipeline reference for scband-permutation-36498632081894 (READ-ONLY COPY).

The authoritative reference and input builder live on the scoring server;
editing this copy changes nothing except your own understanding.
"""

import jax, jax.numpy as jnp
import numpy as np


def setup_inputs(seed: int = 0) -> dict:
    key = jax.random.key(seed)
    inputs = jax.random.normal(key, (131072, 128), dtype=jnp.float32)
    # permutation buffer from init_kwargs: reversed arange over feature dim
    permutation = jnp.arange(127, -1, -1, dtype=jnp.int32)
    return {"inputs": inputs, "permutation": permutation}


def reference(inputs, permutation):
    # Permutation.forward: torch.index_select(inputs, dim=1, permutation)
    outputs = jnp.take(inputs, permutation, axis=1)
    # logabsdet of a permutation is zero for every batch element
    logabsdet = jnp.zeros((inputs.shape[0],), dtype=inputs.dtype)
    return (outputs, logabsdet)

if __name__ == "__main__":
    import jax
    _d = setup_inputs()
    print(jax.jit(kernel)(*tuple(_d.values())))

</pallas_src>

<mosaic_0001>
#map = affine_map<(d0, d1) -> (0)>
module attributes {stable_mosaic.version = 14 : i64} {
  func.func @_permute_body(%arg0: i32, %arg1: i32, %arg2: memref<16777216xf32, #tpu.memory_space<hbm>>, %arg3: memref<128xi32, #tpu.memory_space<hbm>>, %arg4: memref<16777216xf32, #tpu.memory_space<hbm>>, %arg5: memref<128xi32, #tpu.memory_space<vmem>>, %arg6: memref<32768xf32, #tpu.memory_space<vmem>>, %arg7: memref<32768xf32, #tpu.memory_space<vmem>>, %arg8: memref<32768xf32, #tpu.memory_space<vmem>>, %arg9: memref<!tpu.dma_semaphore, #tpu.memory_space<semaphore_mem>>, %arg10: memref<!tpu.dma_semaphore, #tpu.memory_space<semaphore_mem>>, %arg11: memref<!tpu.dma_semaphore, #tpu.memory_space<semaphore_mem>>, %arg12: memref<!tpu.dma_semaphore, #tpu.memory_space<semaphore_mem>>, %arg13: memref<!tpu.dma_semaphore, #tpu.memory_space<semaphore_mem>>, %arg14: memref<!tpu.dma_semaphore, #tpu.memory_space<semaphore_mem>>) attributes {dimension_semantics = [#tpu.dimension_semantics<core_parallel>, #tpu.dimension_semantics<subcore_parallel>], iteration_bounds = array<i64: 2, 16>, scalar_prefetch = 0 : i64, scratch_operands = 10 : i64, tpu.core_type = #tpu.core_type<sc_vector_subcore>, window_params = [{transform_indices = #map}, {transform_indices = #map}, {transform_indices = #map}]} {
    %mul3A = arith.constant 2 : i32
    %mul3A_0 = arith.muli %arg1, %mul3A : i32
    %add3A = arith.addi %mul3A_0, %arg0 : i32
    %mul3A_1 = arith.constant 4096 : i32
    %mul3A_2 = arith.muli %add3A, %mul3A_1 : i32
    "tpu.region"() ({
      %run_scoped3A = tpu.sem_alloc : memref<!tpu.dma_semaphore, #tpu.memory_space<semaphore_mem>>
      tpu.enqueue_dma source(%arg3 : memref<128xi32, #tpu.memory_space<hbm>>) target(%arg5 : memref<128xi32, #tpu.memory_space<vmem>>) target_semaphore(%run_scoped3A : memref<!tpu.dma_semaphore, #tpu.memory_space<semaphore_mem>>)
      tpu.wait_dma2 semaphore(%run_scoped3A : memref<!tpu.dma_semaphore, #tpu.memory_space<semaphore_mem>>) src(%arg3 : memref<128xi32, #tpu.memory_space<hbm>>) dst(%arg5 : memref<128xi32, #tpu.memory_space<vmem>>)
      tpu.yield
    }) : () -> ()
    %get3A = arith.constant 0 : index
    %get3A_3 = tpu.vector_load %arg5[%get3A] {strides = array<i32>} : memref<128xi32, #tpu.memory_space<vmem>>, vector<16xi32>,
    %get3A_4 = arith.constant 16 : index
    %get3A_5 = tpu.vector_load %arg5[%get3A_4] {strides = array<i32>} : memref<128xi32, #tpu.memory_space<vmem>>, vector<16xi32>,
    %get3A_6 = arith.constant 32 : index
    %get3A_7 = tpu.vector_load %arg5[%get3A_6] {strides = array<i32>} : memref<128xi32, #tpu.memory_space<vmem>>, vector<16xi32>,
    %get3A_8 = arith.constant 48 : index
    %get3A_9 = tpu.vector_load %arg5[%get3A_8] {strides = array<i32>} : memref<128xi32, #tpu.memory_space<vmem>>, vector<16xi32>,
    %get3A_10 = arith.constant 64 : index
    %get3A_11 = tpu.vector_load %arg5[%get3A_10] {strides = array<i32>} : memref<128xi32, #tpu.memory_space<vmem>>, vector<16xi32>,
    %get3A_12 = arith.constant 80 : index
    %get3A_13 = tpu.vector_load %arg5[%get3A_12] {strides = array<i32>} : memref<128xi32, #tpu.memory_space<vmem>>, vector<16xi32>,
    %get3A_14 = arith.constant 96 : index
    %get3A_15 = tpu.vector_load %arg5[%get3A_14] {strides = array<i32>} : memref<128xi32, #tpu.memory_space<vmem>>, vector<16xi32>,
    %get3A_16 = arith.constant 112 : index
    %get3A_17 = tpu.vector_load %arg5[%get3A_16] {strides = array<i32>} : memref<128xi32, #tpu.memory_space<vmem>>, vector<16xi32>,
    %add3A_18 = arith.constant 0 : i32
    %add3A_19 = arith.addi %mul3A_2, %add3A_18 : i32
    %mul3A_20 = arith.constant 128 : i32
    %mul3A_21 = arith.muli %add3A_19, %mul3A_20 : i32
    %dma_start3A = tpu.memref_slice %arg2[%mul3A_21] : memref<16777216xf32, #tpu.memory_space<hbm>> -> memref<32768xf32, #tpu.memory_space<hbm>>
    %dma_start3A_22 = tpu.memref_slice %arg2[%mul3A_21] : memref<16777216xf32, #tpu.memory_space<hbm>> -> memref<32768xf32, #tpu.memory_space<hbm>>
    tpu.enqueue_dma source(%dma_start3A_22 : memref<32768xf32, #tpu.memory_space<hbm>>) target(%arg6 : memref<32768xf32, #tpu.memory_space<vmem>>) target_semaphore(%arg9 : memref<!tpu.dma_semaphore, #tpu.memory_space<semaphore_mem>>)
    %add3A_23 = arith.constant 256 : i32
    %add3A_24 = arith.addi %mul3A_2, %add3A_23 : i32
    %mul3A_25 = arith.constant 128 : i32
    %mul3A_26 = arith.muli %add3A_24, %mul3A_25 : i32
    %dma_start3A_27 = tpu.memref_slice %arg2[%mul3A_26] : memref<16777216xf32, #tpu.memory_space<hbm>> -> memref<32768xf32, #tpu.memory_space<hbm>>
    %dma_start3A_28 = tpu.memref_slice %arg2[%mul3A_26] : memref<16777216xf32, #tpu.memory_space<hbm>> -> memref<32768xf32, #tpu.memory_space<hbm>>
    tpu.enqueue_dma source(%dma_start3A_28 : memref<32768xf32, #tpu.memory_space<hbm>>) target(%arg7 : memref<32768xf32, #tpu.memory_space<vmem>>) target_semaphore(%arg10 : memref<!tpu.dma_semaphore, #tpu.memory_space<semaphore_mem>>)
    %add3A_29 = arith.constant 0 : i32
    %add3A_30 = arith.addi %mul3A_2, %add3A_29 : i32
    %mul3A_31 = arith.constant 128 : i32
    %mul3A_32 = arith.muli %add3A_30, %mul3A_31 : i32
    %dma_wait3A = tpu.memref_slice %arg2[%mul3A_32] : memref<16777216xf32, #tpu.memory_space<hbm>> -> memref<32768xf32, #tpu.memory_space<hbm>>
    %dma_wait3A_33 = tpu.memref_slice %arg2[%mul3A_32] : memref<16777216xf32, #tpu.memory_space<hbm>> -> memref<32768xf32, #tpu.memory_space<hbm>>
    tpu.wait_dma2 semaphore(%arg9 : memref<!tpu.dma_semaphore, #tpu.memory_space<semaphore_mem>>) src(%dma_wait3A_33 : memref<32768xf32, #tpu.memory_space<hbm>>) dst(%arg6 : memref<32768xf32, #tpu.memory_space<vmem>>)
    %scan3A = arith.constant 0 : i32
    %scan3A_34 = arith.constant 0 : i32
    %scan3A_35 = arith.constant 256 : i32
    %scan3A_36 = arith.addi %scan3A_34, %scan3A_35 : i32
    %scan3A_37 = arith.constant 1 : i32
    scf.for %scan3A_495 = %scan3A_34 to %scan3A_36 step %scan3A_37  : i32 {
      %mul3A_496 = arith.constant 128 : i32
      %mul3A_497 = arith.muli %scan3A_495, %mul3A_496 : i32
      %gather3A = tpu.memref_slice %arg6[%mul3A_497] : memref<32768xf32, #tpu.memory_space<vmem>> -> memref<128xf32, #tpu.memory_space<vmem>>
      %gather3A_498 = tpu.vector_load_idx %gather3A[%get3A_3] : memref<128xf32, #tpu.memory_space<vmem>>[vector<16xi32>], vector<16xf32>,
      %gather3A_499 = tpu.memref_slice %arg6[%mul3A_497] : memref<32768xf32, #tpu.memory_space<vmem>> -> memref<128xf32, #tpu.memory_space<vmem>>
      %gather3A_500 = tpu.vector_load_idx %gather3A_499[%get3A_5] : memref<128xf32, #tpu.memory_space<vmem>>[vector<16xi32>], vector<16xf32>,
      %gather3A_501 = tpu.memref_slice %arg6[%mul3A_497] : memref<32768xf32, #tpu.memory_space<vmem>> -> memref<128xf32, #tpu.memory_space<vmem>>
      %gather3A_502 = tpu.vector_load_idx %gather3A_501[%get3A_7] : memref<128xf32, #tpu.memory_space<vmem>>[vector<16xi32>], vector<16xf32>,
      %gather3A_503 = tpu.memref_slice %arg6[%mul3A_497] : memref<32768xf32, #tpu.memory_space<vmem>> -> memref<128xf32, #tpu.memory_space<vmem>>
      %gather3A_504 = tpu.vector_load_idx %gather3A_503[%get3A_9] : memref<128xf32, #tpu.memory_space<vmem>>[vector<16xi32>], vector<16xf32>,
      %gather3A_505 = tpu.memref_slice %arg6[%mul3A_497] : memref<32768xf32, #tpu.memory_space<vmem>> -> memref<128xf32, #tpu.memory_space<vmem>>
      %gather3A_506 = tpu.vector_load_idx %gather3A_505[%get3A_11] : memref<128xf32, #tpu.memory_space<vmem>>[vector<16xi32>], vector<16xf32>,
      %gather3A_507 = tpu.memref_slice %arg6[%mul3A_497] : memref<32768xf32, #tpu.memory_space<vmem>> -> memref<128xf32, #tpu.memory_space<vmem>>
      %gather3A_508 = tpu.vector_load_idx %gather3A_507[%get3A_13] : memref<128xf32, #tpu.memory_space<vmem>>[vector<16xi32>], vector<16xf32>,
      %gather3A_509 = tpu.memref_slice %arg6[%mul3A_497] : memref<32768xf32, #tpu.memory_space<vmem>> -> memref<128xf32, #tpu.memory_space<vmem>>
      %gather3A_510 = tpu.vector_load_idx %gather3A_509[%get3A_15] : memref<128xf32, #tpu.memory_space<vmem>>[vector<16xi32>], vector<16xf32>,
      %gather3A_511 = tpu.memref_slice %arg6[%mul3A_497] : memref<32768xf32, #tpu.memory_space<vmem>> -> memref<128xf32, #tpu.memory_space<vmem>>
      %gather3A_512 = tpu.vector_load_idx %gather3A_511[%get3A_17] : memref<128xf32, #tpu.memory_space<vmem>>[vector<16xi32>], vector<16xf32>,
      %mul3A_513 = arith.constant 128 : i32
      %mul3A_514 = arith.muli %scan3A_495, %mul3A_513 : i32
      %add3A_515 = arith.constant 0 : i32
      %add3A_516 = arith.addi %mul3A_514, %add3A_515 : i32
      %swap3A = arith.index_cast %add3A_516 : i32 to index
      %swap3A_517 = tpu.vector_load %arg6[%swap3A] {strides = array<i32>} : memref<32768xf32, #tpu.memory_space<vmem>>, vector<16xf32>,
      tpu.vector_store %arg6[%swap3A], %gather3A_498 {strides = array<i32>} : memref<32768xf32, #tpu.memory_space<vmem>>, vector<16xf32>,
      %mul3A_518 = arith.constant 128 : i32
      %mul3A_519 = arith.muli %scan3A_495, %mul3A_518 : i32
      %add3A_520 = arith.constant 16 : i32
      %add3A_521 = arith.addi %mul3A_519, %add3A_520 : i32
      %swap3A_522 = arith.index_cast %add3A_521 : i32 to index
      %swap3A_523 = tpu.vector_load %arg6[%swap3A_522] {strides = array<i32>} : memref<32768xf32, #tpu.memory_space<vmem>>, vector<16xf32>,
      tpu.vector_store %arg6[%swap3A_522], %gather3A_500 {strides = array<i32>} : memref<32768xf32, #tpu.memory_space<vmem>>, vector<16xf32>,
      %mul3A_524 = arith.constant 128 : i32
      %mul3A_525 = arith.muli %scan3A_495, %mul3A_524 : i32
      %add3A_526 = arith.constant 32 : i32
      %add3A_527 = arith.addi %mul3A_525, %add3A_526 : i32
      %swap3A_528 = arith.index_cast %add3A_527 : i32 to index
      %swap3A_529 = tpu.vector_load %arg6[%swap3A_528] {strides = array<i32>} : memref<32768xf32, #tpu.memory_space<vmem>>, vector<16xf32>,
      tpu.vector_store %arg6[%swap3A_528], %gather3A_502 {strides = array<i32>} : memref<32768xf32, #tpu.memory_space<vmem>>, vector<16xf32>,
      %mul3A_530 = arith.constant 128 : i32
      %mul3A_531 = arith.muli %scan3A_495, %mul3A_530 : i32
      %add3A_532 = arith.constant 48 : i32
      %add3A_533 = arith.addi %mul3A_531, %add3A_532 : i32
      %swap3A_534 = arith.index_cast %add3A_533 : i32 to index
      %swap3A_535 = tpu.vector_load %arg6[%swap3A_534] {strides = array<i32>} : memref<32768xf32, #tpu.memory_space<vmem>>, vector<16xf32>,
      tpu.vector_store %arg6[%swap3A_534], %gather3A_504 {strides = array<i32>} : memref<32768xf32, #tpu.memory_space<vmem>>, vector<16xf32>,
      %mul3A_536 = arith.constant 128 : i32
      %mul3A_537 = arith.muli %scan3A_495, %mul3A_536 : i32
      %add3A_538 = arith.constant 64 : i32
      %add3A_539 = arith.addi %mul3A_537, %add3A_538 : i32
      %swap3A_540 = arith.index_cast %add3A_539 : i32 to index
      %swap3A_541 = tpu.vector_load %arg6[%swap3A_540] {strides = array<i32>} : memref<32768xf32, #tpu.memory_space<vmem>>, vector<16xf32>,
      tpu.vector_store %arg6[%swap3A_540], %gather3A_506 {strides = array<i32>} : memref<32768xf32, #tpu.memory_space<vmem>>, vector<16xf32>,
      %mul3A_542 = arith.constant 128 : i32
      %mul3A_543 = arith.muli %scan3A_495, %mul3A_542 : i32
      %add3A_544 = arith.constant 80 : i32
      %add3A_545 = arith.addi %mul3A_543, %add3A_544 : i32
      %swap3A_546 = arith.index_cast %add3A_545 : i32 to index
      %swap3A_547 = tpu.vector_load %arg6[%swap3A_546] {strides = array<i32>} : memref<32768xf32, #tpu.memory_space<vmem>>, vector<16xf32>,
      tpu.vector_store %arg6[%swap3A_546], %gather3A_508 {strides = array<i32>} : memref<32768xf32, #tpu.memory_space<vmem>>, vector<16xf32>,
      %mul3A_548 = arith.constant 128 : i32
      %mul3A_549 = arith.muli %scan3A_495, %mul3A_548 : i32
      %add3A_550 = arith.constant 96 : i32
      %add3A_551 = arith.addi %mul3A_549, %add3A_550 : i32
      %swap3A_552 = arith.index_cast %add3A_551 : i32 to index
      %swap3A_553 = tpu.vector_load %arg6[%swap3A_552] {strides = array<i32>} : memref<32768xf32, #tpu.memory_space<vmem>>, vector<16xf32>,
      tpu.vector_store %arg6[%swap3A_552], %gather3A_510 {strides = array<i32>} : memref<32768xf32, #tpu.memory_space<vmem>>, vector<16xf32>,
      %mul3A_554 = arith.constant 128 : i32
      %mul3A_555 = arith.muli %scan3A_495, %mul3A_554 : i32
      %add3A_556 = arith.constant 112 : i32
      %add3A_557 = arith.addi %mul3A_555, %add3A_556 : i32
      %swap3A_558 = arith.index_cast %add3A_557 : i32 to index
      %swap3A_559 = tpu.vector_load %arg6[%swap3A_558] {strides = array<i32>} : memref<32768xf32, #tpu.memory_space<vmem>>, vector<16xf32>,
      tpu.vector_store %arg6[%swap3A_558], %gather3A_512 {strides = array<i32>} : memref<32768xf32, #tpu.memory_space<vmem>>, vector<16xf32>,
    }
    %scan3A_38 = arith.constant 256 : i32
    %add3A_39 = arith.constant 0 : i32
    %add3A_40 = arith.addi %mul3A_2, %add3A_39 : i32
    %mul3A_41 = arith.constant 128 : i32
    %mul3A_42 = arith.muli %add3A_40, %mul3A_41 : i32
    %dma_start3A_43 = tpu.memref_slice %arg4[%mul3A_42] : memref<16777216xf32, #tpu.memory_space<hbm>> -> memref<32768xf32, #tpu.memory_space<hbm>>
    %dma_start3A_44 = tpu.memref_slice %arg4[%mul3A_42] : memref<16777216xf32, #tpu.memory_space<hbm>> -> memref<32768xf32, #tpu.memory_space<hbm>>
    tpu.enqueue_dma source(%arg6 : memref<32768xf32, #tpu.memory_space<vmem>>) target(%dma_start3A_44 : memref<32768xf32, #tpu.memory_space<hbm>>) target_semaphore(%arg12 : memref<!tpu.dma_semaphore, #tpu.memory_space<semaphore_mem>>)
    %add3A_45 = arith.constant 512 : i32
    %add3A_46 = arith.addi %mul3A_2, %add3A_45 : i32
    %mul3A_47 = arith.constant 128 : i32
    %mul3A_48 = arith.muli %add3A_46, %mul3A_47 : i32
    %dma_start3A_49 = tpu.memref_slice %arg2[%mul3A_48] : memref<16777216xf32, #tpu.memory_space<hbm>> -> memref<32768xf32, #tpu.memory_space<hbm>>
    %dma_start3A_50 = tpu.memref_slice %arg2[%mul3A_48] : memref<16777216xf32, #tpu.memory_space<hbm>> -> memref<32768xf32, #tpu.memory_space<hbm>>
    tpu.enqueue_dma source(%dma_start3A_50 : memref<32768xf32, #tpu.memory_space<hbm>>) target(%arg8 : memref<32768xf32, #tpu.memory_space<vmem>>) target_semaphore(%arg11 : memref<!tpu.dma_semaphore, #tpu.memory_space<semaphore_mem>>)
    %add3A_51 = arith.constant 256 : i32
    %add3A_52 = arith.addi %mul3A_2, %add3A_51 : i32
    %mul3A_53 = arith.constant 128 : i32
    %mul3A_54 = arith.muli %add3A_52, %mul3A_53 : i32
    %dma_wait3A_55 = tpu.memref_slice %arg2[%mul3A_54] : memref<16777216xf32, #tpu.memory_space<hbm>> -> memref<32768xf32, #tpu.memory_space<hbm>>
    %dma_wait3A_56 = tpu.memref_slice %arg2[%mul3A_54] : memref<16777216xf32, #tpu.memory_space<hbm>> -> memref<32768xf32, #tpu.memory_space<hbm>>
    tpu.wait_dma2 semaphore(%arg10 : memref<!tpu.dma_semaphore, #tpu.memory_space<semaphore_mem>>) src(%dma_wait3A_56 : memref<32768xf32, #tpu.memory_space<hbm>>) dst(%arg7 : memref<32768xf32, #tpu.memory_space<vmem>>)
    %scan3A_57 = arith.constant 0 : i32
    %scan3A_58 = arith.constant 0 : i32
    %scan3A_59 = arith.constant 256 : i32
    %scan3A_60 = arith.addi %scan3A_58, %scan3A_59 : i32
    %scan3A_61 = arith.constant 1 : i32
    scf.for %scan3A_495 = %scan3A_58 to %scan3A_60 step %scan3A_61  : i32 {
      %mul3A_496 = arith.constant 128 : i32
      %mul3A_497 = arith.muli %scan3A_495, %mul3A_496 : i32
      %gather3A = tpu.memref_slice %arg7[%mul3A_497] : memref<32768xf32, #tpu.memory_space<vmem>> -> memref<128xf32, #tpu.memory_space<vmem>>
      %gather3A_498 = tpu.vector_load_idx %gather3A[%get3A_3] : memref<128xf32, #tpu.memory_space<vmem>>[vector<16xi32>], vector<16xf32>,
      %gather3A_499 = tpu.memref_slice %arg7[%mul3A_497] : memref<32768xf32, #tpu.memory_space<vmem>> -> memref<128xf32, #tpu.memory_space<vmem>>
      %gather3A_500 = tpu.vector_load_idx %gather3A_499[%get3A_5] : memref<128xf32, #tpu.memory_space<vmem>>[vector<16xi32>], vector<16xf32>,
      %gather3A_501 = tpu.memref_slice %arg7[%mul3A_497] : memref<32768xf32, #tpu.memory_space<vmem>> -> memref<128xf32, #tpu.memory_space<vmem>>
      %gather3A_502 = tpu.vector_load_idx %gather3A_501[%get3A_7] : memref<128xf32, #tpu.memory_space<vmem>>[vector<16xi32>], vector<16xf32>,
      %gather3A_503 = tpu.memref_slice %arg7[%mul3A_497] : memref<32768xf32, #tpu.memory_space<vmem>> -> memref<128xf32, #tpu.memory_space<vmem>>
      %gather3A_504 = tpu.vector_load_idx %gather3A_503[%get3A_9] : memref<128xf32, #tpu.memory_space<vmem>>[vector<16xi32>], vector<16xf32>,
      %gather3A_505 = tpu.memref_slice %arg7[%mul3A_497] : memref<32768xf32, #tpu.memory_space<vmem>> -> memref<128xf32, #tpu.memory_space<vmem>>
      %gather3A_506 = tpu.vector_load_idx %gather3A_505[%get3A_11] : memref<128xf32, #tpu.memory_space<vmem>>[vector<16xi32>], vector<16xf32>,
      %gather3A_507 = tpu.memref_slice %arg7[%mul3A_497] : memref<32768xf32, #tpu.memory_space<vmem>> -> memref<128xf32, #tpu.memory_space<vmem>>
      %gather3A_508 = tpu.vector_load_idx %gather3A_507[%get3A_13] : memref<128xf32, #tpu.memory_space<vmem>>[vector<16xi32>], vector<16xf32>,
      %gather3A_509 = tpu.memref_slice %arg7[%mul3A_497] : memref<32768xf32, #tpu.memory_space<vmem>> -> memref<128xf32, #tpu.memory_space<vmem>>
      %gather3A_510 = tpu.vector_load_idx %gather3A_509[%get3A_15] : memref<128xf32, #tpu.memory_space<vmem>>[vector<16xi32>], vector<16xf32>,
      %gather3A_511 = tpu.memref_slice %arg7[%mul3A_497] : memref<32768xf32, #tpu.memory_space<vmem>> -> memref<128xf32, #tpu.memory_space<vmem>>
      %gather3A_512 = tpu.vector_load_idx %gather3A_511[%get3A_17] : memref<128xf32, #tpu.memory_space<vmem>>[vector<16xi32>], vector<16xf32>,
      %mul3A_513 = arith.constant 128 : i32
      %mul3A_514 = arith.muli %scan3A_495, %mul3A_513 : i32
      %add3A_515 = arith.constant 0 : i32
      %add3A_516 = arith.addi %mul3A_514, %add3A_515 : i32
      %swap3A = arith.index_cast %add3A_516 : i32 to index
      %swap3A_517 = tpu.vector_load %arg7[%swap3A] {strides = array<i32>} : memref<32768xf32, #tpu.memory_space<vmem>>, vector<16xf32>,
      tpu.vector_store %arg7[%swap3A], %gather3A_498 {strides = array<i32>} : memref<32768xf32, #tpu.memory_space<vmem>>, vector<16xf32>,
      %mul3A_518 = arith.constant 128 : i32
      %mul3A_519 = arith.muli %scan3A_495, %mul3A_518 : i32
      %add3A_520 = arith.constant 16 : i32
      %add3A_521 = arith.addi %mul3A_519, %add3A_520 : i32
      %swap3A_522 = arith.index_cast %add3A_521 : i32 to index
      %swap3A_523 = tpu.vector_load %arg7[%swap3A_522] {strides = array<i32>} : memref<32768xf32, #tpu.memory_space<vmem>>, vector<16xf32>,
      tpu.vector_store %arg7[%swap3A_522], %gather3A_500 {strides = array<i32>} : memref<32768xf32, #tpu.memory_space<vmem>>, vector<16xf32>,
      %mul3A_524 = arith.constant 128 : i32
      %mul3A_525 = arith.muli %scan3A_495, %mul3A_524 : i32
      %add3A_526 = arith.constant 32 : i32
      %add3A_527 = arith.addi %mul3A_525, %add3A_526 : i32
      %swap3A_528 = arith.index_cast %add3A_527 : i32 to index
      %swap3A_529 = tpu.vector_load %arg7[%swap3A_528] {strides = array<i32>} : memref<32768xf32, #tpu.memory_space<vmem>>, vector<16xf32>,
      tpu.vector_store %arg7[%swap3A_528], %gather3A_502 {strides = array<i32>} : memref<32768xf32, #tpu.memory_space<vmem>>, vector<16xf32>,
      %mul3A_530 = arith.constant 128 : i32
      %mul3A_531 = arith.muli %scan3A_495, %mul3A_530 : i32
      %add3A_532 = arith.constant 48 : i32
      %add3A_533 = arith.addi %mul3A_531, %add3A_532 : i32
      %swap3A_534 = arith.index_cast %add3A_533 : i32 to index
      %swap3A_535 = tpu.vector_load %arg7[%swap3A_534] {strides = array<i32>} : memref<32768xf32, #tpu.memory_space<vmem>>, vector<16xf32>,
      tpu.vector_store %arg7[%swap3A_534], %gather3A_504 {strides = array<i32>} : memref<32768xf32, #tpu.memory_space<vmem>>, vector<16xf32>,
      %mul3A_536 = arith.constant 128 : i32
      %mul3A_537 = arith.muli %scan3A_495, %mul3A_536 : i32
      %add3A_538 = arith.constant 64 : i32
      %add3A_539 = arith.addi %mul3A_537, %add3A_538 : i32
      %swap3A_540 = arith.index_cast %add3A_539 : i32 to index
      %swap3A_541 = tpu.vector_load %arg7[%swap3A_540] {strides = array<i32>} : memref<32768xf32, #tpu.memory_space<vmem>>, vector<16xf32>,
      tpu.vector_store %arg7[%swap3A_540], %gather3A_506 {strides = array<i32>} : memref<32768xf32, #tpu.memory_space<vmem>>, vector<16xf32>,
      %mul3A_542 = arith.constant 128 : i32
      %mul3A_543 = arith.muli %scan3A_495, %mul3A_542 : i32
      %add3A_544 = arith.constant 80 : i32
      %add3A_545 = arith.addi %mul3A_543, %add3A_544 : i32
      %swap3A_546 = arith.index_cast %add3A_545 : i32 to index
      %swap3A_547 = tpu.vector_load %arg7[%swap3A_546] {strides = array<i32>} : memref<32768xf32, #tpu.memory_space<vmem>>, vector<16xf32>,
      tpu.vector_store %arg7[%swap3A_546], %gather3A_508 {strides = array<i32>} : memref<32768xf32, #tpu.memory_space<vmem>>, vector<16xf32>,
      %mul3A_548 = arith.constant 128 : i32
      %mul3A_549 = arith.muli %scan3A_495, %mul3A_548 : i32
      %add3A_550 = arith.constant 96 : i32
      %add3A_551 = arith.addi %mul3A_549, %add3A_550 : i32
      %swap3A_552 = arith.index_cast %add3A_551 : i32 to index
      %swap3A_553 = tpu.vector_load %arg7[%swap3A_552] {strides = array<i32>} : memref<32768xf32, #tpu.memory_space<vmem>>, vector<16xf32>,
      tpu.vector_store %arg7[%swap3A_552], %gather3A_510 {strides = array<i32>} : memref<32768xf32, #tpu.memory_space<vmem>>, vector<16xf32>,
      %mul3A_554 = arith.constant 128 : i32
      %mul3A_555 = arith.muli %scan3A_495, %mul3A_554 : i32
      %add3A_556 = arith.constant 112 : i32
      %add3A_557 = arith.addi %mul3A_555, %add3A_556 : i32
      %swap3A_558 = arith.index_cast %add3A_557 : i32 to index
      %swap3A_559 = tpu.vector_load %arg7[%swap3A_558] {strides = array<i32>} : memref<32768xf32, #tpu.memory_space<vmem>>, vector<16xf32>,
      tpu.vector_store %arg7[%swap3A_558], %gather3A_512 {strides = array<i32>} : memref<32768xf32, #tpu.memory_space<vmem>>, vector<16xf32>,
    }
    %scan3A_62 = arith.constant 256 : i32
    %add3A_63 = arith.constant 256 : i32
    %add3A_64 = arith.addi %mul3A_2, %add3A_63 : i32
    %mul3A_65 = arith.constant 128 : i32
    %mul3A_66 = arith.muli %add3A_64, %mul3A_65 : i32
    %dma_start3A_67 = tpu.memref_slice %arg4[%mul3A_66] : memref<16777216xf32, #tpu.memory_space<hbm>> -> memref<32768xf32, #tpu.memory_space<hbm>>
    %dma_start3A_68 = tpu.memref_slice %arg4[%mul3A_66] : memref<16777216xf32, #tpu.memory_space<hbm>> -> memref<32768xf32, #tpu.memory_space<hbm>>
    tpu.enqueue_dma source(%arg7 : memref<32768xf32, #tpu.memory_space<vmem>>) target(%dma_start3A_68 : memref<32768xf32, #tpu.memory_space<hbm>>) target_semaphore(%arg13 : memref<!tpu.dma_semaphore, #tpu.memory_space<semaphore_mem>>)
    %add3A_69 = arith.constant 0 : i32
    %add3A_70 = arith.addi %mul3A_2, %add3A_69 : i32
    %mul3A_71 = arith.constant 128 : i32
    %mul3A_72 = arith.muli %add3A_70, %mul3A_71 : i32
    %dma_wait3A_73 = tpu.memref_slice %arg4[%mul3A_72] : memref<16777216xf32, #tpu.memory_space<hbm>> -> memref<32768xf32, #tpu.memory_space<hbm>>
    %dma_wait3A_74 = tpu.memref_slice %arg4[%mul3A_72] : memref<16777216xf32, #tpu.memory_space<hbm>> -> memref<32768xf32, #tpu.memory_space<hbm>>
    tpu.wait_dma2 semaphore(%arg12 : memref<!tpu.dma_semaphore, #tpu.memory_space<semaphore_mem>>) src(%arg6 : memref<32768xf32, #tpu.memory_space<vmem>>) dst(%dma_wait3A_74 : memref<32768xf32, #tpu.memory_space<hbm>>)
    %add3A_75 = arith.constant 768 : i32
    %add3A_76 = arith.addi %mul3A_2, %add3A_75 : i32
    %mul3A_77 = arith.constant 128 : i32
    %mul3A_78 = arith.muli %add3A_76, %mul3A_77 : i32
    %dma_start3A_79 = tpu.memref_slice %arg2[%mul3A_78] : memref<16777216xf32, #tpu.memory_space<hbm>> -> memref<32768xf32, #tpu.memory_space<hbm>>
    %dma_start3A_80 = tpu.memref_slice %arg2[%mul3A_78] : memref<16777216xf32, #tpu.memory_space<hbm>> -> memref<32768xf32, #tpu.memory_space<hbm>>
    tpu.enqueue_dma source(%dma_start3A_80 : memref<32768xf32, #tpu.memory_space<hbm>>) target(%arg6 : memref<32768xf32, #tpu.memory_space<vmem>>) target_semaphore(%arg9 : memref<!tpu.dma_semaphore, #tpu.memory_space<semaphore_mem>>)
    %add3A_81 = arith.constant 512 : i32
    %add3A_82 = arith.addi %mul3A_2, %add3A_81 : i32
    %mul3A_83 = arith.constant 128 : i32
    %mul3A_84 = arith.muli %add3A_82, %mul3A_83 : i32
    %dma_wait3A_85 = tpu.memref_slice %arg2[%mul3A_84] : memref<16777216xf32, #tpu.memory_space<hbm>> -> memref<32768xf32, #tpu.memory_space<hbm>>
    %dma_wait3A_86 = tpu.memref_slice %arg2[%mul3A_84] : memref<16777216xf32, #tpu.memory_space<hbm>> -> memref<32768xf32, #tpu.memory_space<hbm>>
    tpu.wait_dma2 semaphore(%arg11 : memref<!tpu.dma_semaphore, #tpu.memory_space<semaphore_mem>>) src(%dma_wait3A_86 : memref<32768xf32, #tpu.memory_space<hbm>>) dst(%arg8 : memref<32768xf32, #tpu.memory_space<vmem>>)
    %scan3A_87 = arith.constant 0 : i32
    %scan3A_88 = arith.constant 0 : i32
    %scan3A_89 = arith.constant 256 : i32
    %scan3A_90 = arith.addi %scan3A_88, %scan3A_89 : i32
    %scan3A_91 = arith.constant 1 : i32
    scf.for %scan3A_495 = %scan3A_88 to %scan3A_90 step %scan3A_91  : i32 {
      %mul3A_496 = arith.constant 128 : i32
      %mul3A_497 = arith.muli %scan3A_495, %mul3A_496 : i32
      %gather3A = tpu.memref_slice %arg8[%mul3A_497] : memref<32768xf32, #tpu.memory_space<vmem>> -> memref<128xf32, #tpu.memory_space<vmem>>
      %gather3A_498 = tpu.vector_load_idx %gather3A[%get3A_3] : memref<128xf32, #tpu.memory_space<vmem>>[vector<16xi32>], vector<16xf32>,
      %gather3A_499 = tpu.memref_slice %arg8[%mul3A_497] : memref<32768xf32, #tpu.memory_space<vmem>> -> memref<128xf32, #tpu.memory_space<vmem>>
      %gather3A_500 = tpu.vector_load_idx %gather3A_499[%get3A_5] : memref<128xf32, #tpu.memory_space<vmem>>[vector<16xi32>], vector<16xf32>,
      %gather3A_501 = tpu.memref_slice %arg8[%mul3A_497] : memref<32768xf32, #tpu.memory_space<vmem>> -> memref<128xf32, #tpu.memory_space<vmem>>
      %gather3A_502 = tpu.vector_load_idx %gather3A_501[%get3A_7] : memref<128xf32, #tpu.memory_space<vmem>>[vector<16xi32>], vector<16xf32>,
      %gather3A_503 = tpu.memref_slice %arg8[%mul3A_497] : memref<32768xf32, #tpu.memory_space<vmem>> -> memref<128xf32, #tpu.memory_space<vmem>>
      %gather3A_504 = tpu.vector_load_idx %gather3A_503[%get3A_9] : memref<128xf32, #tpu.memory_space<vmem>>[vector<16xi32>], vector<16xf32>,
      %gather3A_505 = tpu.memref_slice %arg8[%mul3A_497] : memref<32768xf32, #tpu.memory_space<vmem>> -> memref<128xf32, #tpu.memory_space<vmem>>
      %gather3A_506 = tpu.vector_load_idx %gather3A_505[%get3A_11] : memref<128xf32, #tpu.memory_space<vmem>>[vector<16xi32>], vector<16xf32>,
      %gather3A_507 = tpu.memref_slice %arg8[%mul3A_497] : memref<32768xf32, #tpu.memory_space<vmem>> -> memref<128xf32, #tpu.memory_space<vmem>>
      %gather3A_508 = tpu.vector_load_idx %gather3A_507[%get3A_13] : memref<128xf32, #tpu.memory_space<vmem>>[vector<16xi32>], vector<16xf32>,
      %gather3A_509 = tpu.memref_slice %arg8[%mul3A_497] : memref<32768xf32, #tpu.memory_space<vmem>> -> memref<128xf32, #tpu.memory_space<vmem>>
      %gather3A_510 = tpu.vector_load_idx %gather3A_509[%get3A_15] : memref<128xf32, #tpu.memory_space<vmem>>[vector<16xi32>], vector<16xf32>,
      %gather3A_511 = tpu.memref_slice %arg8[%mul3A_497] : memref<32768xf32, #tpu.memory_space<vmem>> -> memref<128xf32, #tpu.memory_space<vmem>>
      %gather3A_512 = tpu.vector_load_idx %gather3A_511[%get3A_17] : memref<128xf32, #tpu.memory_space<vmem>>[vector<16xi32>], vector<16xf32>,
      %mul3A_513 = arith.constant 128 : i32
      %mul3A_514 = arith.muli %scan3A_495, %mul3A_513 : i32
      %add3A_515 = arith.constant 0 : i32
      %add3A_516 = arith.addi %mul3A_514, %add3A_515 : i32
      %swap3A = arith.index_cast %add3A_516 : i32 to index
      %swap3A_517 = tpu.vector_load %arg8[%swap3A] {strides = array<i32>} : memref<32768xf32, #tpu.memory_space<vmem>>, vector<16xf32>,
      tpu.vector_store %arg8[%swap3A], %gather3A_498 {strides = array<i32>} : memref<32768xf32, #tpu.memory_space<vmem>>, vector<16xf32>,
      %mul3A_518 = arith.constant 128 : i32
      %mul3A_519 = arith.muli %scan3A_495, %mul3A_518 : i32
      %add3A_520 = arith.constant 16 : i32
      %add3A_521 = arith.addi %mul3A_519, %add3A_520 : i32
      %swap3A_522 = arith.index_cast %add3A_521 : i32 to index
      %swap3A_523 = tpu.vector_load %arg8[%swap3A_522] {strides = array<i32>} : memref<32768xf32, #tpu.memory_space<vmem>>, vector<16xf32>,
      tpu.vector_store %arg8[%swap3A_522], %gather3A_500 {strides = array<i32>} : memref<32768xf32, #tpu.memory_space<vmem>>, vector<16xf32>,
      %mul3A_524 = arith.constant 128 : i32
      %mul3A_525 = arith.muli %scan3A_495, %mul3A_524 : i32
      %add3A_526 = arith.constant 32 : i32
      %add3A_527 = arith.addi %mul3A_525, %add3A_526 : i32
      %swap3A_528 = arith.index_cast %add3A_527 : i32 to index
      %swap3A_529 = tpu.vector_load %arg8[%swap3A_528] {strides = array<i32>} : memref<32768xf32, #tpu.memory_space<vmem>>, vector<16xf32>,
      tpu.vector_store %arg8[%swap3A_528], %gather3A_502 {strides = array<i32>} : memref<32768xf32, #tpu.memory_space<vmem>>, vector<16xf32>,
      %mul3A_530 = arith.constant 128 : i32
      %mul3A_531 = arith.muli %scan3A_495, %mul3A_530 : i32
      %add3A_532 = arith.constant 48 : i32
      %add3A_533 = arith.addi %mul3A_531, %add3A_532 : i32
      %swap3A_534 = arith.index_cast %add3A_533 : i32 to index
      %swap3A_535 = tpu.vector_load %arg8[%swap3A_534] {strides = array<i32>} : memref<32768xf32, #tpu.memory_space<vmem>>, vector<16xf32>,
      tpu.vector_store %arg8[%swap3A_534], %gather3A_504 {strides = array<i32>} : memref<32768xf32, #tpu.memory_space<vmem>>, vector<16xf32>,
      %mul3A_536 = arith.constant 128 : i32
      %mul3A_537 = arith.muli %scan3A_495, %mul3A_536 : i32
      %add3A_538 = arith.constant 64 : i32
      %add3A_539 = arith.addi %mul3A_537, %add3A_538 : i32
      %swap3A_540 = arith.index_cast %add3A_539 : i32 to index
      %swap3A_541 = tpu.vector_load %arg8[%swap3A_540] {strides = array<i32>} : memref<32768xf32, #tpu.memory_space<vmem>>, vector<16xf32>,
      tpu.vector_store %arg8[%swap3A_540], %gather3A_506 {strides = array<i32>} : memref<32768xf32, #tpu.memory_space<vmem>>, vector<16xf32>,
      %mul3A_542 = arith.constant 128 : i32
      %mul3A_543 = arith.muli %scan3A_495, %mul3A_542 : i32
      %add3A_544 = arith.constant 80 : i32
      %add3A_545 = arith.addi %mul3A_543, %add3A_544 : i32
      %swap3A_546 = arith.index_cast %add3A_545 : i32 to index
      %swap3A_547 = tpu.vector_load %arg8[%swap3A_546] {strides = array<i32>} : memref<32768xf32, #tpu.memory_space<vmem>>, vector<16xf32>,
      tpu.vector_store %arg8[%swap3A_546], %gather3A_508 {strides = array<i32>} : memref<32768xf32, #tpu.memory_space<vmem>>, vector<16xf32>,
      %mul3A_548 = arith.constant 128 : i32
      %mul3A_549 = arith.muli %scan3A_495, %mul3A_548 : i32
      %add3A_550 = arith.constant 96 : i32
      %add3A_551 = arith.addi %mul3A_549, %add3A_550 : i32
      %swap3A_552 = arith.index_cast %add3A_551 : i32 to index
      %swap3A_553 = tpu.vector_load %arg8[%swap3A_552] {strides = array<i32>} : memref<32768xf32, #tpu.memory_space<vmem>>, vector<16xf32>,
      tpu.vector_store %arg8[%swap3A_552], %gather3A_510 {strides = array<i32>} : memref<32768xf32, #tpu.memory_space<vmem>>, vector<16xf32>,
      %mul3A_554 = arith.constant 128 : i32
      %mul3A_555 = arith.muli %scan3A_495, %mul3A_554 : i32
      %add3A_556 = arith.constant 112 : i32
      %add3A_557 = arith.addi %mul3A_555, %add3A_556 : i32
      %swap3A_558 = arith.index_cast %add3A_557 : i32 to index
      %swap3A_559 = tpu.vector_load %arg8[%swap3A_558] {strides = array<i32>} : memref<32768xf32, #tpu.memory_space<vmem>>, vector<16xf32>,
      tpu.vector_store %arg8[%swap3A_558], %gather3A_512 {strides = array<i32>} : memref<32768xf32, #tpu.memory_space<vmem>>, vector<16xf32>,
    }
    %scan3A_92 = arith.constant 256 : i32
    %add3A_93 = arith.constant 512 : i32
    %add3A_94 = arith.addi %mul3A_2, %add3A_93 : i32
    %mul3A_95 = arith.constant 128 : i32
    %mul3A_96 = arith.muli %add3A_94, %mul3A_95 : i32
    %dma_start3A_97 = tpu.memref_slice %arg4[%mul3A_96] : memref<16777216xf32, #tpu.memory_space<hbm>> -> memref<32768xf32, #tpu.memory_space<hbm>>
    %dma_start3A_98 = tpu.memref_slice %arg4[%mul3A_96] : memref<16777216xf32, #tpu.memory_space<hbm>> -> memref<32768xf32, #tpu.memory_space<hbm>>
    tpu.enqueue_dma source(%arg8 : memref<32768xf32, #tpu.memory_space<vmem>>) target(%dma_start3A_98 : memref<32768xf32, #tpu.memory_space<hbm>>) target_semaphore(%arg14 : memref<!tpu.dma_semaphore, #tpu.memory_space<semaphore_mem>>)
    %add3A_99 = arith.constant 256 : i32
    %add3A_100 = arith.addi %mul3A_2, %add3A_99 : i32
    %mul3A_101 = arith.constant 128 : i32
    %mul3A_102 = arith.muli %add3A_100, %mul3A_101 : i32
    %dma_wait3A_103 = tpu.memref_slice %arg4[%mul3A_102] : memref<16777216xf32, #tpu.memory_space<hbm>> -> memref<32768xf32, #tpu.memory_space<hbm>>
    %dma_wait3A_104 = tpu.memref_slice %arg4[%mul3A_102] : memref<16777216xf32, #tpu.memory_space<hbm>> -> memref<32768xf32, #tpu.memory_space<hbm>>
    tpu.wait_dma2 semaphore(%arg13 : memref<!tpu.dma_semaphore, #tpu.memory_space<semaphore_mem>>) src(%arg7 : memref<32768xf32, #tpu.memory_space<vmem>>) dst(%dma_wait3A_104 : memref<32768xf32, #tpu.memory_space<hbm>>)
    %add3A_105 = arith.constant 1024 : i32
    %add3A_106 = arith.addi %mul3A_2, %add3A_105 : i32
    %mul3A_107 = arith.constant 128 : i32
    %mul3A_108 = arith.muli %add3A_106, %mul3A_107 : i32
    %dma_start3A_109 = tpu.memref_slice %arg2[%mul3A_108] : memref<16777216xf32, #tpu.memory_space<hbm>> -> memref<32768xf32, #tpu.memory_space<hbm>>
    %dma_start3A_110 = tpu.memref_slice %arg2[%mul3A_108] : memref<16777216xf32, #tpu.memory_space<hbm>> -> memref<32768xf32, #tpu.memory_space<hbm>>
    tpu.enqueue_dma source(%dma_start3A_110 : memref<32768xf32, #tpu.memory_space<hbm>>) target(%arg7 : memref<32768xf32, #tpu.memory_space<vmem>>) target_semaphore(%arg10 : memref<!tpu.dma_semaphore, #tpu.memory_space<semaphore_mem>>)
    %add3A_111 = arith.constant 768 : i32
    %add3A_112 = arith.addi %mul3A_2, %add3A_111 : i32
    %mul3A_113 = arith.constant 128 : i32
    %mul3A_114 = arith.muli %add3A_112, %mul3A_113 : i32
    %dma_wait3A_115 = tpu.memref_slice %arg2[%mul3A_114] : memref<16777216xf32, #tpu.memory_space<hbm>> -> memref<32768xf32, #tpu.memory_space<hbm>>
    %dma_wait3A_116 = tpu.memref_slice %arg2[%mul3A_114] : memref<16777216xf32, #tpu.memory_space<hbm>> -> memref<32768xf32, #tpu.memory_space<hbm>>
    tpu.wait_dma2 semaphore(%arg9 : memref<!tpu.dma_semaphore, #tpu.memory_space<semaphore_mem>>) src(%dma_wait3A_116 : memref<32768xf32, #tpu.memory_space<hbm>>) dst(%arg6 : memref<32768xf32, #tpu.memory_space<vmem>>)
    %scan3A_117 = arith.constant 0 : i32
    %scan3A_118 = arith.constant 0 : i32
    %scan3A_119 = arith.constant 256 : i32
    %scan3A_120 = arith.addi %scan3A_118, %scan3A_119 : i32
    %scan3A_121 = arith.constant 1 : i32
    scf.for %scan3A_495 = %scan3A_118 to %scan3A_120 step %scan3A_121  : i32 {
      %mul3A_496 = arith.constant 128 : i32
      %mul3A_497 = arith.muli %scan3A_495, %mul3A_496 : i32
      %gather3A = tpu.memref_slice %arg6[%mul3A_497] : memref<32768xf32, #tpu.memory_space<vmem>> -> memref<128xf32, #tpu.memory_space<vmem>>
      %gather3A_498 = tpu.vector_load_idx %gather3A[%get3A_3] : memref<128xf32, #tpu.memory_space<vmem>>[vector<16xi32>], vector<16xf32>,
      %gather3A_499 = tpu.memref_slice %arg6[%mul3A_497] : memref<32768xf32, #tpu.memory_space<vmem>> -> memref<128xf32, #tpu.memory_space<vmem>>
      %gather3A_500 = tpu.vector_load_idx %gather3A_499[%get3A_5] : memref<128xf32, #tpu.memory_space<vmem>>[vector<16xi32>], vector<16xf32>,
      %gather3A_501 = tpu.memref_slice %arg6[%mul3A_497] : memref<32768xf32, #tpu.memory_space<vmem>> -> memref<128xf32, #tpu.memory_space<vmem>>
      %gather3A_502 = tpu.vector_load_idx %gather3A_501[%get3A_7] : memref<128xf32, #tpu.memory_space<vmem>>[vector<16xi32>], vector<16xf32>,
      %gather3A_503 = tpu.memref_slice %arg6[%mul3A_497] : memref<32768xf32, #tpu.memory_space<vmem>> -> memref<128xf32, #tpu.memory_space<vmem>>
      %gather3A_504 = tpu.vector_load_idx %gather3A_503[%get3A_9] : memref<128xf32, #tpu.memory_space<vmem>>[vector<16xi32>], vector<16xf32>,
      %gather3A_505 = tpu.memref_slice %arg6[%mul3A_497] : memref<32768xf32, #tpu.memory_space<vmem>> -> memref<128xf32, #tpu.memory_space<vmem>>
      %gather3A_506 = tpu.vector_load_idx %gather3A_505[%get3A_11] : memref<128xf32, #tpu.memory_space<vmem>>[vector<16xi32>], vector<16xf32>,
      %gather3A_507 = tpu.memref_slice %arg6[%mul3A_497] : memref<32768xf32, #tpu.memory_space<vmem>> -> memref<128xf32, #tpu.memory_space<vmem>>
      %gather3A_508 = tpu.vector_load_idx %gather3A_507[%get3A_13] : memref<128xf32, #tpu.memory_space<vmem>>[vector<16xi32>], vector<16xf32>,
      %gather3A_509 = tpu.memref_slice %arg6[%mul3A_497] : memref<32768xf32, #tpu.memory_space<vmem>> -> memref<128xf32, #tpu.memory_space<vmem>>
      %gather3A_510 = tpu.vector_load_idx %gather3A_509[%get3A_15] : memref<128xf32, #tpu.memory_space<vmem>>[vector<16xi32>], vector<16xf32>,
      %gather3A_511 = tpu.memref_slice %arg6[%mul3A_497] : memref<32768xf32, #tpu.memory_space<vmem>> -> memref<128xf32, #tpu.memory_space<vmem>>
      %gather3A_512 = tpu.vector_load_idx %gather3A_511[%get3A_17] : memref<128xf32, #tpu.memory_space<vmem>>[vector<16xi32>], vector<16xf32>,
      %mul3A_513 = arith.constant 128 : i32
      %mul3A_514 = arith.muli %scan3A_495, %mul3A_513 : i32
      %add3A_515 = arith.constant 0 : i32
      %add3A_516 = arith.addi %mul3A_514, %add3A_515 : i32
      %swap3A = arith.index_cast %add3A_516 : i32 to index
      %swap3A_517 = tpu.vector_load %arg6[%swap3A] {strides = array<i32>} : memref<32768xf32, #tpu.memory_space<vmem>>, vector<16xf32>,
      tpu.vector_store %arg6[%swap3A], %gather3A_498 {strides = array<i32>} : memref<32768xf32, #tpu.memory_space<vmem>>, vector<16xf32>,
      %mul3A_518 = arith.constant 128 : i32
      %mul3A_519 = arith.muli %scan3A_495, %mul3A_518 : i32
      %add3A_520 = arith.constant 16 : i32
      %add3A_521 = arith.addi %mul3A_519, %add3A_520 : i32
      %swap3A_522 = arith.index_cast %add3A_521 : i32 to index
      %swap3A_523 = tpu.vector_load %arg6[%swap3A_522] {strides = array<i32>} : memref<32768xf32, #tpu.memory_space<vmem>>, vector<16xf32>,
      tpu.vector_store %arg6[%swap3A_522], %gather3A_500 {strides = array<i32>} : memref<32768xf32, #tpu.memory_space<vmem>>, vector<16xf32>,
      %mul3A_524 = arith.constant 128 : i32
      %mul3A_525 = arith.muli %scan3A_495, %mul3A_524 : i32
      %add3A_526 = arith.constant 32 : i32
      %add3A_527 = arith.addi %mul3A_525, %add3A_526 : i32
      %swap3A_528 = arith.index_cast %add3A_527 : i32 to index
      %swap3A_529 = tpu.vector_load %arg6[%swap3A_528] {strides = array<i32>} : memref<32768xf32, #tpu.memory_space<vmem>>, vector<16xf32>,
      tpu.vector_store %arg6[%swap3A_528], %gather3A_502 {strides = array<i32>} : memref<32768xf32, #tpu.memory_space<vmem>>, vector<16xf32>,
      %mul3A_530 = arith.constant 128 : i32
      %mul3A_531 = arith.muli %scan3A_495, %mul3A_530 : i32
      %add3A_532 = arith.constant 48 : i32
      %add3A_533 = arith.addi %mul3A_531, %add3A_532 : i32
      %swap3A_534 = arith.index_cast %add3A_533 : i32 to index
      %swap3A_535 = tpu.vector_load %arg6[%swap3A_534] {strides = array<i32>} : memref<32768xf32, #tpu.memory_space<vmem>>, vector<16xf32>,
      tpu.vector_store %arg6[%swap3A_534], %gather3A_504 {strides = array<i32>} : memref<32768xf32, #tpu.memory_space<vmem>>, vector<16xf32>,
      %mul3A_536 = arith.constant 128 : i32
      %mul3A_537 = arith.muli %scan3A_495, %mul3A_536 : i32
      %add3A_538 = arith.constant 64 : i32
      %add3A_539 = arith.addi %mul3A_537, %add3A_538 : i32
      %swap3A_540 = arith.index_cast %add3A_539 : i32 to index
      %swap3A_541 = tpu.vector_load %arg6[%swap3A_540] {strides = array<i32>} : memref<32768xf32, #tpu.memory_space<vmem>>, vector<16xf32>,
      tpu.vector_store %arg6[%swap3A_540], %gather3A_506 {strides = array<i32>} : memref<32768xf32, #tpu.memory_space<vmem>>, vector<16xf32>,
      %mul3A_542 = arith.constant 128 : i32
      %mul3A_543 = arith.muli %scan3A_495, %mul3A_542 : i32
      %add3A_544 = arith.constant 80 : i32
      %add3A_545 = arith.addi %mul3A_543, %add3A_544 : i32
      %swap3A_546 = arith.index_cast %add3A_545 : i32 to index
      %swap3A_547 = tpu.vector_load %arg6[%swap3A_546] {strides = array<i32>} : memref<32768xf32, #tpu.memory_space<vmem>>, vector<16xf32>,
      tpu.vector_store %arg6[%swap3A_546], %gather3A_508 {strides = array<i32>} : memref<32768xf32, #tpu.memory_space<vmem>>, vector<16xf32>,
      %mul3A_548 = arith.constant 128 : i32
      %mul3A_549 = arith.muli %scan3A_495, %mul3A_548 : i32
      %add3A_550 = arith.constant 96 : i32
      %add3A_551 = arith.addi %mul3A_549, %add3A_550 : i32
      %swap3A_552 = arith.index_cast %add3A_551 : i32 to index
      %swap3A_553 = tpu.vector_load %arg6[%swap3A_552] {strides = array<i32>} : memref<32768xf32, #tpu.memory_space<vmem>>, vector<16xf32>,
      tpu.vector_store %arg6[%swap3A_552], %gather3A_510 {strides = array<i32>} : memref<32768xf32, #tpu.memory_space<vmem>>, vector<16xf32>,
      %mul3A_554 = arith.constant 128 : i32
      %mul3A_555 = arith.muli %scan3A_495, %mul3A_554 : i32
      %add3A_556 = arith.constant 112 : i32
      %add3A_557 = arith.addi %mul3A_555, %add3A_556 : i32
      %swap3A_558 = arith.index_cast %add3A_557 : i32 to index
      %swap3A_559 = tpu.vector_load %arg6[%swap3A_558] {strides = array<i32>} : memref<32768xf32, #tpu.memory_space<vmem>>, vector<16xf32>,
      tpu.vector_store %arg6[%swap3A_558], %gather3A_512 {strides = array<i32>} : memref<32768xf32, #tpu.memory_space<vmem>>, vector<16xf32>,
    }
    %scan3A_122 = arith.constant 256 : i32
    %add3A_123 = arith.constant 768 : i32
    %add3A_124 = arith.addi %mul3A_2, %add3A_123 : i32
    %mul3A_125 = arith.constant 128 : i32
    %mul3A_126 = arith.muli %add3A_124, %mul3A_125 : i32
    %dma_start3A_127 = tpu.memref_slice %arg4[%mul3A_126] : memref<16777216xf32, #tpu.memory_space<hbm>> -> memref<32768xf32, #tpu.memory_space<hbm>>
    %dma_start3A_128 = tpu.memref_slice %arg4[%mul3A_126] : memref<16777216xf32, #tpu.memory_space<hbm>> -> memref<32768xf32, #tpu.memory_space<hbm>>
    tpu.enqueue_dma source(%arg6 : memref<32768xf32, #tpu.memory_space<vmem>>) target(%dma_start3A_128 : memref<32768xf32, #tpu.memory_space<hbm>>) target_semaphore(%arg12 : memref<!tpu.dma_semaphore, #tpu.memory_space<semaphore_mem>>)
    %add3A_129 = arith.constant 512 : i32
    %add3A_130 = arith.addi %mul3A_2, %add3A_129 : i32
    %mul3A_131 = arith.constant 128 : i32
    %mul3A_132 = arith.muli %add3A_130, %mul3A_131 : i32
    %dma_wait3A_133 = tpu.memref_slice %arg4[%mul3A_132] : memref<16777216xf32, #tpu.memory_space<hbm>> -> memref<32768xf32, #tpu.memory_space<hbm>>
    %dma_wait3A_134 = tpu.memref_slice %arg4[%mul3A_132] : memref<16777216xf32, #tpu.memory_space<hbm>> -> memref<32768xf32, #tpu.memory_space<hbm>>
    tpu.wait_dma2 semaphore(%arg14 : memref<!tpu.dma_semaphore, #tpu.memory_space<semaphore_mem>>) src(%arg8 : memref<32768xf32, #tpu.memory_space<vmem>>) dst(%dma_wait3A_134 : memref<32768xf32, #tpu.memory_space<hbm>>)
    %add3A_135 = arith.constant 1280 : i32
    %add3A_136 = arith.addi %mul3A_2, %add3A_135 : i32
    %mul3A_137 = arith.constant 128 : i32
    %mul3A_138 = arith.muli %add3A_136, %mul3A_137 : i32
    %dma_start3A_139 = tpu.memref_slice %arg2[%mul3A_138] : memref<16777216xf32, #tpu.memory_space<hbm>> -> memref<32768xf32, #tpu.memory_space<hbm>>
    %dma_start3A_140 = tpu.memref_slice %arg2[%mul3A_138] : memref<16777216xf32, #tpu.memory_space<hbm>> -> memref<32768xf32, #tpu.memory_space<hbm>>
    tpu.enqueue_dma source(%dma_start3A_140 : memref<32768xf32, #tpu.memory_space<hbm>>) target(%arg8 : memref<32768xf32, #tpu.memory_space<vmem>>) target_semaphore(%arg11 : memref<!tpu.dma_semaphore, #tpu.memory_space<semaphore_mem>>)
    %add3A_141 = arith.constant 1024 : i32
    %add3A_142 = arith.addi %mul3A_2, %add3A_141 : i32
    %mul3A_143 = arith.constant 128 : i32
    %mul3A_144 = arith.muli %add3A_142, %mul3A_143 : i32
    %dma_wait3A_145 = tpu.memref_slice %arg2[%mul3A_144] : memref<16777216xf32, #tpu.memory_space<hbm>> -> memref<32768xf32, #tpu.memory_space<hbm>>
    %dma_wait3A_146 = tpu.memref_slice %arg2[%mul3A_144] : memref<16777216xf32, #tpu.memory_space<hbm>> -> memref<32768xf32, #tpu.memory_space<hbm>>
    tpu.wait_dma2 semaphore(%arg10 : memref<!tpu.dma_semaphore, #tpu.memory_space<semaphore_mem>>) src(%dma_wait3A_146 : memref<32768xf32, #tpu.memory_space<hbm>>) dst(%arg7 : memref<32768xf32, #tpu.memory_space<vmem>>)
    %scan3A_147 = arith.constant 0 : i32
    %scan3A_148 = arith.constant 0 : i32
    %scan3A_149 = arith.constant 256 : i32
    %scan3A_150 = arith.addi %scan3A_148, %scan3A_149 : i32
    %scan3A_151 = arith.constant 1 : i32
    scf.for %scan3A_495 = %scan3A_148 to %scan3A_150 step %scan3A_151  : i32 {
      %mul3A_496 = arith.constant 128 : i32
      %mul3A_497 = arith.muli %scan3A_495, %mul3A_496 : i32
      %gather3A = tpu.memref_slice %arg7[%mul3A_497] : memref<32768xf32, #tpu.memory_space<vmem>> -> memref<128xf32, #tpu.memory_space<vmem>>
      %gather3A_498 = tpu.vector_load_idx %gather3A[%get3A_3] : memref<128xf32, #tpu.memory_space<vmem>>[vector<16xi32>], vector<16xf32>,
      %gather3A_499 = tpu.memref_slice %arg7[%mul3A_497] : memref<32768xf32, #tpu.memory_space<vmem>> -> memref<128xf32, #tpu.memory_space<vmem>>
      %gather3A_500 = tpu.vector_load_idx %gather3A_499[%get3A_5] : memref<128xf32, #tpu.memory_space<vmem>>[vector<16xi32>], vector<16xf32>,
      %gather3A_501 = tpu.memref_slice %arg7[%mul3A_497] : memref<32768xf32, #tpu.memory_space<vmem>> -> memref<128xf32, #tpu.memory_space<vmem>>
      %gather3A_502 = tpu.vector_load_idx %gather3A_501[%get3A_7] : memref<128xf32, #tpu.memory_space<vmem>>[vector<16xi32>], vector<16xf32>,
      %gather3A_503 = tpu.memref_slice %arg7[%mul3A_497] : memref<32768xf32, #tpu.memory_space<vmem>> -> memref<128xf32, #tpu.memory_space<vmem>>
      %gather3A_504 = tpu.vector_load_idx %gather3A_503[%get3A_9] : memref<128xf32, #tpu.memory_space<vmem>>[vector<16xi32>], vector<16xf32>,
      %gather3A_505 = tpu.memref_slice %arg7[%mul3A_497] : memref<32768xf32, #tpu.memory_space<vmem>> -> memref<128xf32, #tpu.memory_space<vmem>>
      %gather3A_506 = tpu.vector_load_idx %gather3A_505[%get3A_11] : memref<128xf32, #tpu.memory_space<vmem>>[vector<16xi32>], vector<16xf32>,
      %gather3A_507 = tpu.memref_slice %arg7[%mul3A_497] : memref<32768xf32, #tpu.memory_space<vmem>> -> memref<128xf32, #tpu.memory_space<vmem>>
      %gather3A_508 = tpu.vector_load_idx %gather3A_507[%get3A_13] : memref<128xf32, #tpu.memory_space<vmem>>[vector<16xi32>], vector<16xf32>,
      %gather3A_509 = tpu.memref_slice %arg7[%mul3A_497] : memref<32768xf32, #tpu.memory_space<vmem>> -> memref<128xf32, #tpu.memory_space<vmem>>
      %gather3A_510 = tpu.vector_load_idx %gather3A_509[%get3A_15] : memref<128xf32, #tpu.memory_space<vmem>>[vector<16xi32>], vector<16xf32>,
      %gather3A_511 = tpu.memref_slice %arg7[%mul3A_497] : memref<32768xf32, #tpu.memory_space<vmem>> -> memref<128xf32, #tpu.memory_space<vmem>>
      %gather3A_512 = tpu.vector_load_idx %gather3A_511[%get3A_17] : memref<128xf32, #tpu.memory_space<vmem>>[vector<16xi32>], vector<16xf32>,
      %mul3A_513 = arith.constant 128 : i32
      %mul3A_514 = arith.muli %scan3A_495, %mul3A_513 : i32
      %add3A_515 = arith.constant 0 : i32
      %add3A_516 = arith.addi %mul3A_514, %add3A_515 : i32
      %swap3A = arith.index_cast %add3A_516 : i32 to index
      %swap3A_517 = tpu.vector_load %arg7[%swap3A] {strides = array<i32>} : memref<32768xf32, #tpu.memory_space<vmem>>, vector<16xf32>,
      tpu.vector_store %arg7[%swap3A], %gather3A_498 {strides = array<i32>} : memref<32768xf32, #tpu.memory_space<vmem>>, vector<16xf32>,
      %mul3A_518 = arith.constant 128 : i32
      %mul3A_519 = arith.muli %scan3A_495, %mul3A_518 : i32
      %add3A_520 = arith.constant 16 : i32
      %add3A_521 = arith.addi %mul3A_519, %add3A_520 : i32
      %swap3A_522 = arith.index_cast %add3A_521 : i32 to index
      %swap3A_523 = tpu.vector_load %arg7[%swap3A_522] {strides = array<i32>} : memref<32768xf32, #tpu.memory_space<vmem>>, vector<16xf32>,
      tpu.vector_store %arg7[%swap3A_522], %gather3A_500 {strides = array<i32>} : memref<32768xf32, #tpu.memory_space<vmem>>, vector<16xf32>,
      %mul3A_524 = arith.constant 128 : i32
      %mul3A_525 = arith.muli %scan3A_495, %mul3A_524 : i32
      %add3A_526 = arith.constant 32 : i32
      %add3A_527 = arith.addi %mul3A_525, %add3A_526 : i32
      %swap3A_528 = arith.index_cast %add3A_527 : i32 to index
      %swap3A_529 = tpu.vector_load %arg7[%swap3A_528] {strides = array<i32>} : memref<32768xf32, #tpu.memory_space<vmem>>, vector<16xf32>,
      tpu.vector_store %arg7[%swap3A_528], %gather3A_502 {strides = array<i32>} : memref<32768xf32, #tpu.memory_space<vmem>>, vector<16xf32>,
      %mul3A_530 = arith.constant 128 : i32
      %mul3A_531 = arith.muli %scan3A_495, %mul3A_530 : i32
      %add3A_532 = arith.constant 48 : i32
      %add3A_533 = arith.addi %mul3A_531, %add3A_532 : i32
      %swap3A_534 = arith.index_cast %add3A_533 : i32 to index
      %swap3A_535 = tpu.vector_load %arg7[%swap3A_534] {strides = array<i32>} : memref<32768xf32, #tpu.memory_space<vmem>>, vector<16xf32>,
      tpu.vector_store %arg7[%swap3A_534], %gather3A_504 {strides = array<i32>} : memref<32768xf32, #tpu.memory_space<vmem>>, vector<16xf32>,
      %mul3A_536 = arith.constant 128 : i32
      %mul3A_537 = arith.muli %scan3A_495, %mul3A_536 : i32
      %add3A_538 = arith.constant 64 : i32
      %add3A_539 = arith.addi %mul3A_537, %add3A_538 : i32
      %swap3A_540 = arith.index_cast %add3A_539 : i32 to index
      %swap3A_541 = tpu.vector_load %arg7[%swap3A_540] {strides = array<i32>} : memref<32768xf32, #tpu.memory_space<vmem>>, vector<16xf32>,
      tpu.vector_store %arg7[%swap3A_540], %gather3A_506 {strides = array<i32>} : memref<32768xf32, #tpu.memory_space<vmem>>, vector<16xf32>,
      %mul3A_542 = arith.constant 128 : i32
      %mul3A_543 = arith.muli %scan3A_495, %mul3A_542 : i32
      %add3A_544 = arith.constant 80 : i32
      %add3A_545 = arith.addi %mul3A_543, %add3A_544 : i32
      %swap3A_546 = arith.index_cast %add3A_545 : i32 to index
      %swap3A_547 = tpu.vector_load %arg7[%swap3A_546] {strides = array<i32>} : memref<32768xf32, #tpu.memory_space<vmem>>, vector<16xf32>,
      tpu.vector_store %arg7[%swap3A_546], %gather3A_508 {strides = array<i32>} : memref<32768xf32, #tpu.memory_space<vmem>>, vector<16xf32>,
      %mul3A_548 = arith.constant 128 : i32
      %mul3A_549 = arith.muli %scan3A_495, %mul3A_548 : i32
      %add3A_550 = arith.constant 96 : i32
      %add3A_551 = arith.addi %mul3A_549, %add3A_550 : i32
      %swap3A_552 = arith.index_cast %add3A_551 : i32 to index
      %swap3A_553 = tpu.vector_load %arg7[%swap3A_552] {strides = array<i32>} : memref<32768xf32, #tpu.memory_space<vmem>>, vector<16xf32>,
      tpu.vector_store %arg7[%swap3A_552], %gather3A_510 {strides = array<i32>} : memref<32768xf32, #tpu.memory_space<vmem>>, vector<16xf32>,
      %mul3A_554 = arith.constant 128 : i32
      %mul3A_555 = arith.muli %scan3A_495, %mul3A_554 : i32
      %add3A_556 = arith.constant 112 : i32
      %add3A_557 = arith.addi %mul3A_555, %add3A_556 : i32
      %swap3A_558 = arith.index_cast %add3A_557 : i32 to index
      %swap3A_559 = tpu.vector_load %arg7[%swap3A_558] {strides = array<i32>} : memref<32768xf32, #tpu.memory_space<vmem>>, vector<16xf32>,
      tpu.vector_store %arg7[%swap3A_558], %gather3A_512 {strides = array<i32>} : memref<32768xf32, #tpu.memory_space<vmem>>, vector<16xf32>,
    }
    %scan3A_152 = arith.constant 256 : i32
    %add3A_153 = arith.constant 1024 : i32
    %add3A_154 = arith.addi %mul3A_2, %add3A_153 : i32
    %mul3A_155 = arith.constant 128 : i32
    %mul3A_156 = arith.muli %add3A_154, %mul3A_155 : i32
    %dma_start3A_157 = tpu.memref_slice %arg4[%mul3A_156] : memref<16777216xf32, #tpu.memory_space<hbm>> -> memref<32768xf32, #tpu.memory_space<hbm>>
    %dma_start3A_158 = tpu.memref_slice %arg4[%mul3A_156] : memref<16777216xf32, #tpu.memory_space<hbm>> -> memref<32768xf32, #tpu.memory_space<hbm>>
    tpu.enqueue_dma source(%arg7 : memref<32768xf32, #tpu.memory_space<vmem>>) target(%dma_start3A_158 : memref<32768xf32, #tpu.memory_space<hbm>>) target_semaphore(%arg13 : memref<!tpu.dma_semaphore, #tpu.memory_space<semaphore_mem>>)
    %add3A_159 = arith.constant 768 : i32
    %add3A_160 = arith.addi %mul3A_2, %add3A_159 : i32
    %mul3A_161 = arith.constant 128 : i32
    %mul3A_162 = arith.muli %add3A_160, %mul3A_161 : i32
    %dma_wait3A_163 = tpu.memref_slice %arg4[%mul3A_162] : memref<16777216xf32, #tpu.memory_space<hbm>> -> memref<32768xf32, #tpu.memory_space<hbm>>
    %dma_wait3A_164 = tpu.memref_slice %arg4[%mul3A_162] : memref<16777216xf32, #tpu.memory_space<hbm>> -> memref<32768xf32, #tpu.memory_space<hbm>>
    tpu.wait_dma2 semaphore(%arg12 : memref<!tpu.dma_semaphore, #tpu.memory_space<semaphore_mem>>) src(%arg6 : memref<32768xf32, #tpu.memory_space<vmem>>) dst(%dma_wait3A_164 : memref<32768xf32, #tpu.memory_space<hbm>>)
    %add3A_165 = arith.constant 1536 : i32
    %add3A_166 = arith.addi %mul3A_2, %add3A_165 : i32
    %mul3A_167 = arith.constant 128 : i32
    %mul3A_168 = arith.muli %add3A_166, %mul3A_167 : i32
    %dma_start3A_169 = tpu.memref_slice %arg2[%mul3A_168] : memref<16777216xf32, #tpu.memory_space<hbm>> -> memref<32768xf32, #tpu.memory_space<hbm>>
    %dma_start3A_170 = tpu.memref_slice %arg2[%mul3A_168] : memref<16777216xf32, #tpu.memory_space<hbm>> -> memref<32768xf32, #tpu.memory_space<hbm>>
    tpu.enqueue_dma source(%dma_start3A_170 : memref<32768xf32, #tpu.memory_space<hbm>>) target(%arg6 : memref<32768xf32, #tpu.memory_space<vmem>>) target_semaphore(%arg9 : memref<!tpu.dma_semaphore, #tpu.memory_space<semaphore_mem>>)
    %add3A_171 = arith.constant 1280 : i32
    %add3A_172 = arith.addi %mul3A_2, %add3A_171 : i32
    %mul3A_173 = arith.constant 128 : i32
    %mul3A_174 = arith.muli %add3A_172, %mul3A_173 : i32
    %dma_wait3A_175 = tpu.memref_slice %arg2[%mul3A_174] : memref<16777216xf32, #tpu.memory_space<hbm>> -> memref<32768xf32, #tpu.memory_space<hbm>>
    %dma_wait3A_176 = tpu.memref_slice %arg2[%mul3A_174] : memref<16777216xf32, #tpu.memory_space<hbm>> -> memref<32768xf32, #tpu.memory_space<hbm>>
    tpu.wait_dma2 semaphore(%arg11 : memref<!tpu.dma_semaphore, #tpu.memory_space<semaphore_mem>>) src(%dma_wait3A_176 : memref<32768xf32, #tpu.memory_space<hbm>>) dst(%arg8 : memref<32768xf32, #tpu.memory_space<vmem>>)
    %scan3A_177 = arith.constant 0 : i32
    %scan3A_178 = arith.constant 0 : i32
    %scan3A_179 = arith.constant 256 : i32
    %scan3A_180 = arith.addi %scan3A_178, %scan3A_179 : i32
    %scan3A_181 = arith.constant 1 : i32
    scf.for %scan3A_495 = %scan3A_178 to %scan3A_180 step %scan3A_181  : i32 {
      %mul3A_496 = arith.constant 128 : i32
      %mul3A_497 = arith.muli %scan3A_495, %mul3A_496 : i32
      %gather3A = tpu.memref_slice %arg8[%mul3A_497] : memref<32768xf32, #tpu.memory_space<vmem>> -> memref<128xf32, #tpu.memory_space<vmem>>
      %gather3A_498 = tpu.vector_load_idx %gather3A[%get3A_3] : memref<128xf32, #tpu.memory_space<vmem>>[vector<16xi32>], vector<16xf32>,
      %gather3A_499 = tpu.memref_slice %arg8[%mul3A_497] : memref<32768xf32, #tpu.memory_space<vmem>> -> memref<128xf32, #tpu.memory_space<vmem>>
      %gather3A_500 = tpu.vector_load_idx %gather3A_499[%get3A_5] : memref<128xf32, #tpu.memory_space<vmem>>[vector<16xi32>], vector<16xf32>,
      %gather3A_501 = tpu.memref_slice %arg8[%mul3A_497] : memref<32768xf32, #tpu.memory_space<vmem>> -> memref<128xf32, #tpu.memory_space<vmem>>
      %gather3A_502 = tpu.vector_load_idx %gather3A_501[%get3A_7] : memref<128xf32, #tpu.memory_space<vmem>>[vector<16xi32>], vector<16xf32>,
      %gather3A_503 = tpu.memref_slice %arg8[%mul3A_497] : memref<32768xf32, #tpu.memory_space<vmem>> -> memref<128xf32, #tpu.memory_space<vmem>>
      %gather3A_504 = tpu.vector_load_idx %gather3A_503[%get3A_9] : memref<128xf32, #tpu.memory_space<vmem>>[vector<16xi32>], vector<16xf32>,
      %gather3A_505 = tpu.memref_slice %arg8[%mul3A_497] : memref<32768xf32, #tpu.memory_space<vmem>> -> memref<128xf32, #tpu.memory_space<vmem>>
      %gather3A_506 = tpu.vector_load_idx %gather3A_505[%get3A_11] : memref<128xf32, #tpu.memory_space<vmem>>[vector<16xi32>], vector<16xf32>,
      %gather3A_507 = tpu.memref_slice %arg8[%mul3A_497] : memref<32768xf32, #tpu.memory_space<vmem>> -> memref<128xf32, #tpu.memory_space<vmem>>
      %gather3A_508 = tpu.vector_load_idx %gather3A_507[%get3A_13] : memref<128xf32, #tpu.memory_space<vmem>>[vector<16xi32>], vector<16xf32>,
      %gather3A_509 = tpu.memref_slice %arg8[%mul3A_497] : memref<32768xf32, #tpu.memory_space<vmem>> -> memref<128xf32, #tpu.memory_space<vmem>>
      %gather3A_510 = tpu.vector_load_idx %gather3A_509[%get3A_15] : memref<128xf32, #tpu.memory_space<vmem>>[vector<16xi32>], vector<16xf32>,
      %gather3A_511 = tpu.memref_slice %arg8[%mul3A_497] : memref<32768xf32, #tpu.memory_space<vmem>> -> memref<128xf32, #tpu.memory_space<vmem>>
      %gather3A_512 = tpu.vector_load_idx %gather3A_511[%get3A_17] : memref<128xf32, #tpu.memory_space<vmem>>[vector<16xi32>], vector<16xf32>,
      %mul3A_513 = arith.constant 128 : i32
      %mul3A_514 = arith.muli %scan3A_495, %mul3A_513 : i32
      %add3A_515 = arith.constant 0 : i32
      %add3A_516 = arith.addi %mul3A_514, %add3A_515 : i32
      %swap3A = arith.index_cast %add3A_516 : i32 to index
      %swap3A_517 = tpu.vector_load %arg8[%swap3A] {strides = array<i32>} : memref<32768xf32, #tpu.memory_space<vmem>>, vector<16xf32>,
      tpu.vector_store %arg8[%swap3A], %gather3A_498 {strides = array<i32>} : memref<32768xf32, #tpu.memory_space<vmem>>, vector<16xf32>,
      %mul3A_518 = arith.constant 128 : i32
      %mul3A_519 = arith.muli %scan3A_495, %mul3A_518 : i32
      %add3A_520 = arith.constant 16 : i32
      %add3A_521 = arith.addi %mul3A_519, %add3A_520 : i32
      %swap3A_522 = arith.index_cast %add3A_521 : i32 to index
      %swap3A_523 = tpu.vector_load %arg8[%swap3A_522] {strides = array<i32>} : memref<32768xf32, #tpu.memory_space<vmem>>, vector<16xf32>,
      tpu.vector_store %arg8[%swap3A_522], %gather3A_500 {strides = array<i32>} : memref<32768xf32, #tpu.memory_space<vmem>>, vector<16xf32>,
      %mul3A_524 = arith.constant 128 : i32
      %mul3A_525 = arith.muli %scan3A_495, %mul3A_524 : i32
      %add3A_526 = arith.constant 32 : i32
      %add3A_527 = arith.addi %mul3A_525, %add3A_526 : i32
      %swap3A_528 = arith.index_cast %add3A_527 : i32 to index
      %swap3A_529 = tpu.vector_load %arg8[%swap3A_528] {strides = array<i32>} : memref<32768xf32, #tpu.memory_space<vmem>>, vector<16xf32>,
      tpu.vector_store %arg8[%swap3A_528], %gather3A_502 {strides = array<i32>} : memref<32768xf32, #tpu.memory_space<vmem>>, vector<16xf32>,
      %mul3A_530 = arith.constant 128 : i32
      %mul3A_531 = arith.muli %scan3A_495, %mul3A_530 : i32
      %add3A_532 = arith.constant 48 : i32
      %add3A_533 = arith.addi %mul3A_531, %add3A_532 : i32
      %swap3A_534 = arith.index_cast %add3A_533 : i32 to index
      %swap3A_535 = tpu.vector_load %arg8[%swap3A_534] {strides = array<i32>} : memref<32768xf32, #tpu.memory_space<vmem>>, vector<16xf32>,
      tpu.vector_store %arg8[%swap3A_534], %gather3A_504 {strides = array<i32>} : memref<32768xf32, #tpu.memory_space<vmem>>, vector<16xf32>,
      %mul3A_536 = arith.constant 128 : i32
      %mul3A_537 = arith.muli %scan3A_495, %mul3A_536 : i32
      %add3A_538 = arith.constant 64 : i32
      %add3A_539 = arith.addi %mul3A_537, %add3A_538 : i32
      %swap3A_540 = arith.index_cast %add3A_539 : i32 to index
      %swap3A_541 = tpu.vector_load %arg8[%swap3A_540] {strides = array<i32>} : memref<32768xf32, #tpu.memory_space<vmem>>, vector<16xf32>,
      tpu.vector_store %arg8[%swap3A_540], %gather3A_506 {strides = array<i32>} : memref<32768xf32, #tpu.memory_space<vmem>>, vector<16xf32>,
      %mul3A_542 = arith.constant 128 : i32
      %mul3A_543 = arith.muli %scan3A_495, %mul3A_542 : i32
      %add3A_544 = arith.constant 80 : i32
      %add3A_545 = arith.addi %mul3A_543, %add3A_544 : i32
      %swap3A_546 = arith.index_cast %add3A_545 : i32 to index
      %swap3A_547 = tpu.vector_load %arg8[%swap3A_546] {strides = array<i32>} : memref<32768xf32, #tpu.memory_space<vmem>>, vector<16xf32>,
      tpu.vector_store %arg8[%swap3A_546], %gather3A_508 {strides = array<i32>} : memref<32768xf32, #tpu.memory_space<vmem>>, vector<16xf32>,
      %mul3A_548 = arith.constant 128 : i32
      %mul3A_549 = arith.muli %scan3A_495, %mul3A_548 : i32
      %add3A_550 = arith.constant 96 : i32
      %add3A_551 = arith.addi %mul3A_549, %add3A_550 : i32
      %swap3A_552 = arith.index_cast %add3A_551 : i32 to index
      %swap3A_553 = tpu.vector_load %arg8[%swap3A_552] {strides = array<i32>} : memref<32768xf32, #tpu.memory_space<vmem>>, vector<16xf32>,
      tpu.vector_store %arg8[%swap3A_552], %gather3A_510 {strides = array<i32>} : memref<32768xf32, #tpu.memory_space<vmem>>, vector<16xf32>,
      %mul3A_554 = arith.constant 128 : i32
      %mul3A_555 = arith.muli %scan3A_495, %mul3A_554 : i32
      %add3A_556 = arith.constant 112 : i32
      %add3A_557 = arith.addi %mul3A_555, %add3A_556 : i32
      %swap3A_558 = arith.index_cast %add3A_557 : i32 to index
      %swap3A_559 = tpu.vector_load %arg8[%swap3A_558] {strides = array<i32>} : memref<32768xf32, #tpu.memory_space<vmem>>, vector<16xf32>,
      tpu.vector_store %arg8[%swap3A_558], %gather3A_512 {strides = array<i32>} : memref<32768xf32, #tpu.memory_space<vmem>>, vector<16xf32>,
    }
    %scan3A_182 = arith.constant 256 : i32
    %add3A_183 = arith.constant 1280 : i32
    %add3A_184 = arith.addi %mul3A_2, %add3A_183 : i32
    %mul3A_185 = arith.constant 128 : i32
    %mul3A_186 = arith.muli %add3A_184, %mul3A_185 : i32
    %dma_start3A_187 = tpu.memref_slice %arg4[%mul3A_186] : memref<16777216xf32, #tpu.memory_space<hbm>> -> memref<32768xf32, #tpu.memory_space<hbm>>
    %dma_start3A_188 = tpu.memref_slice %arg4[%mul3A_186] : memref<16777216xf32, #tpu.memory_space<hbm>> -> memref<32768xf32, #tpu.memory_space<hbm>>
    tpu.enqueue_dma source(%arg8 : memref<32768xf32, #tpu.memory_space<vmem>>) target(%dma_start3A_188 : memref<32768xf32, #tpu.memory_space<hbm>>) target_semaphore(%arg14 : memref<!tpu.dma_semaphore, #tpu.memory_space<semaphore_mem>>)
    %add3A_189 = arith.constant 1024 : i32
    %add3A_190 = arith.addi %mul3A_2, %add3A_189 : i32
    %mul3A_191 = arith.constant 128 : i32
    %mul3A_192 = arith.muli %add3A_190, %mul3A_191 : i32
    %dma_wait3A_193 = tpu.memref_slice %arg4[%mul3A_192] : memref<16777216xf32, #tpu.memory_space<hbm>> -> memref<32768xf32, #tpu.memory_space<hbm>>
    %dma_wait3A_194 = tpu.memref_slice %arg4[%mul3A_192] : memref<16777216xf32, #tpu.memory_space<hbm>> -> memref<32768xf32, #tpu.memory_space<hbm>>
    tpu.wait_dma2 semaphore(%arg13 : memref<!tpu.dma_semaphore, #tpu.memory_space<semaphore_mem>>) src(%arg7 : memref<32768xf32, #tpu.memory_space<vmem>>) dst(%dma_wait3A_194 : memref<32768xf32, #tpu.memory_space<hbm>>)
    %add3A_195 = arith.constant 1792 : i32
    %add3A_196 = arith.addi %mul3A_2, %add3A_195 : i32
    %mul3A_197 = arith.constant 128 : i32
    %mul3A_198 = arith.muli %add3A_196, %mul3A_197 : i32
    %dma_start3A_199 = tpu.memref_slice %arg2[%mul3A_198] : memref<16777216xf32, #tpu.memory_space<hbm>> -> memref<32768xf32, #tpu.memory_space<hbm>>
    %dma_start3A_200 = tpu.memref_slice %arg2[%mul3A_198] : memref<16777216xf32, #tpu.memory_space<hbm>> -> memref<32768xf32, #tpu.memory_space<hbm>>
    tpu.enqueue_dma source(%dma_start3A_200 : memref<32768xf32, #tpu.memory_space<hbm>>) target(%arg7 : memref<32768xf32, #tpu.memory_space<vmem>>) target_semaphore(%arg10 : memref<!tpu.dma_semaphore, #tpu.memory_space<semaphore_mem>>)
    %add3A_201 = arith.constant 1536 : i32
    %add3A_202 = arith.addi %mul3A_2, %add3A_201 : i32
    %mul3A_203 = arith.constant 128 : i32
    %mul3A_204 = arith.muli %add3A_202, %mul3A_203 : i32
    %dma_wait3A_205 = tpu.memref_slice %arg2[%mul3A_204] : memref<16777216xf32, #tpu.memory_space<hbm>> -> memref<32768xf32, #tpu.memory_space<hbm>>
    %dma_wait3A_206 = tpu.memref_slice %arg2[%mul3A_204] : memref<16777216xf32, #tpu.memory_space<hbm>> -> memref<32768xf32, #tpu.memory_space<hbm>>
    tpu.wait_dma2 semaphore(%arg9 : memref<!tpu.dma_semaphore, #tpu.memory_space<semaphore_mem>>) src(%dma_wait3A_206 : memref<32768xf32, #tpu.memory_space<hbm>>) dst(%arg6 : memref<32768xf32, #tpu.memory_space<vmem>>)
    %scan3A_207 = arith.constant 0 : i32
    %scan3A_208 = arith.constant 0 : i32
    %scan3A_209 = arith.constant 256 : i32
    %scan3A_210 = arith.addi %scan3A_208, %scan3A_209 : i32
    %scan3A_211 = arith.constant 1 : i32
    scf.for %scan3A_495 = %scan3A_208 to %scan3A_210 step %scan3A_211  : i32 {
      %mul3A_496 = arith.constant 128 : i32
      %mul3A_497 = arith.muli %scan3A_495, %mul3A_496 : i32
      %gather3A = tpu.memref_slice %arg6[%mul3A_497] : memref<32768xf32, #tpu.memory_space<vmem>> -> memref<128xf32, #tpu.memory_space<vmem>>
      %gather3A_498 = tpu.vector_load_idx %gather3A[%get3A_3] : memref<128xf32, #tpu.memory_space<vmem>>[vector<16xi32>], vector<16xf32>,
      %gather3A_499 = tpu.memref_slice %arg6[%mul3A_497] : memref<32768xf32, #tpu.memory_space<vmem>> -> memref<128xf32, #tpu.memory_space<vmem>>
      %gather3A_500 = tpu.vector_load_idx %gather3A_499[%get3A_5] : memref<128xf32, #tpu.memory_space<vmem>>[vector<16xi32>], vector<16xf32>,
      %gather3A_501 = tpu.memref_slice %arg6[%mul3A_497] : memref<32768xf32, #tpu.memory_space<vmem>> -> memref<128xf32, #tpu.memory_space<vmem>>
      %gather3A_502 = tpu.vector_load_idx %gather3A_501[%get3A_7] : memref<128xf32, #tpu.memory_space<vmem>>[vector<16xi32>], vector<16xf32>,
      %gather3A_503 = tpu.memref_slice %arg6[%mul3A_497] : memref<32768xf32, #tpu.memory_space<vmem>> -> memref<128xf32, #tpu.memory_space<vmem>>
      %gather3A_504 = tpu.vector_load_idx %gather3A_503[%get3A_9] : memref<128xf32, #tpu.memory_space<vmem>>[vector<16xi32>], vector<16xf32>,
      %gather3A_505 = tpu.memref_slice %arg6[%mul3A_497] : memref<32768xf32, #tpu.memory_space<vmem>> -> memref<128xf32, #tpu.memory_space<vmem>>
      %gather3A_506 = tpu.vector_load_idx %gather3A_505[%get3A_11] : memref<128xf32, #tpu.memory_space<vmem>>[vector<16xi32>], vector<16xf32>,
      %gather3A_507 = tpu.memref_slice %arg6[%mul3A_497] : memref<32768xf32, #tpu.memory_space<vmem>> -> memref<128xf32, #tpu.memory_space<vmem>>
      %gather3A_508 = tpu.vector_load_idx %gather3A_507[%get3A_13] : memref<128xf32, #tpu.memory_space<vmem>>[vector<16xi32>], vector<16xf32>,
      %gather3A_509 = tpu.memref_slice %arg6[%mul3A_497] : memref<32768xf32, #tpu.memory_space<vmem>> -> memref<128xf32, #tpu.memory_space<vmem>>
      %gather3A_510 = tpu.vector_load_idx %gather3A_509[%get3A_15] : memref<128xf32, #tpu.memory_space<vmem>>[vector<16xi32>], vector<16xf32>,
      %gather3A_511 = tpu.memref_slice %arg6[%mul3A_497] : memref<32768xf32, #tpu.memory_space<vmem>> -> memref<128xf32, #tpu.memory_space<vmem>>
      %gather3A_512 = tpu.vector_load_idx %gather3A_511[%get3A_17] : memref<128xf32, #tpu.memory_space<vmem>>[vector<16xi32>], vector<16xf32>,
      %mul3A_513 = arith.constant 128 : i32
      %mul3A_514 = arith.muli %scan3A_495, %mul3A_513 : i32
      %add3A_515 = arith.constant 0 : i32
      %add3A_516 = arith.addi %mul3A_514, %add3A_515 : i32
      %swap3A = arith.index_cast %add3A_516 : i32 to index
      %swap3A_517 = tpu.vector_load %arg6[%swap3A] {strides = array<i32>} : memref<32768xf32, #tpu.memory_space<vmem>>, vector<16xf32>,
      tpu.vector_store %arg6[%swap3A], %gather3A_498 {strides = array<i32>} : memref<32768xf32, #tpu.memory_space<vmem>>, vector<16xf32>,
      %mul3A_518 = arith.constant 128 : i32
      %mul3A_519 = arith.muli %scan3A_495, %mul3A_518 : i32
      %add3A_520 = arith.constant 16 : i32
      %add3A_521 = arith.addi %mul3A_519, %add3A_520 : i32
      %swap3A_522 = arith.index_cast %add3A_521 : i32 to index
      %swap3A_523 = tpu.vector_load %arg6[%swap3A_522] {strides = array<i32>} : memref<32768xf32, #tpu.memory_space<vmem>>, vector<16xf32>,
      tpu.vector_store %arg6[%swap3A_522], %gather3A_500 {strides = array<i32>} : memref<32768xf32, #tpu.memory_space<vmem>>, vector<16xf32>,
      %mul3A_524 = arith.constant 128 : i32
      %mul3A_525 = arith.muli %scan3A_495, %mul3A_524 : i32
      %add3A_526 = arith.constant 32 : i32
      %add3A_527 = arith.addi %mul3A_525, %add3A_526 : i32
      %swap3A_528 = arith.index_cast %add3A_527 : i32 to index
      %swap3A_529 = tpu.vector_load %arg6[%swap3A_528] {strides = array<i32>} : memref<32768xf32, #tpu.memory_space<vmem>>, vector<16xf32>,
      tpu.vector_store %arg6[%swap3A_528], %gather3A_502 {strides = array<i32>} : memref<32768xf32, #tpu.memory_space<vmem>>, vector<16xf32>,
      %mul3A_530 = arith.constant 128 : i32
      %mul3A_531 = arith.muli %scan3A_495, %mul3A_530 : i32
      %add3A_532 = arith.constant 48 : i32
      %add3A_533 = arith.addi %mul3A_531, %add3A_532 : i32
      %swap3A_534 = arith.index_cast %add3A_533 : i32 to index
      %swap3A_535 = tpu.vector_load %arg6[%swap3A_534] {strides = array<i32>} : memref<32768xf32, #tpu.memory_space<vmem>>, vector<16xf32>,
      tpu.vector_store %arg6[%swap3A_534], %gather3A_504 {strides = array<i32>} : memref<32768xf32, #tpu.memory_space<vmem>>, vector<16xf32>,
      %mul3A_536 = arith.constant 128 : i32
      %mul3A_537 = arith.muli %scan3A_495, %mul3A_536 : i32
      %add3A_538 = arith.constant 64 : i32
      %add3A_539 = arith.addi %mul3A_537, %add3A_538 : i32
      %swap3A_540 = arith.index_cast %add3A_539 : i32 to index
      %swap3A_541 = tpu.vector_load %arg6[%swap3A_540] {strides = array<i32>} : memref<32768xf32, #tpu.memory_space<vmem>>, vector<16xf32>,
      tpu.vector_store %arg6[%swap3A_540], %gather3A_506 {strides = array<i32>} : memref<32768xf32, #tpu.memory_space<vmem>>, vector<16xf32>,
      %mul3A_542 = arith.constant 128 : i32
      %mul3A_543 = arith.muli %scan3A_495, %mul3A_542 : i32
      %add3A_544 = arith.constant 80 : i32
      %add3A_545 = arith.addi %mul3A_543, %add3A_544 : i32
      %swap3A_546 = arith.index_cast %add3A_545 : i32 to index
      %swap3A_547 = tpu.vector_load %arg6[%swap3A_546] {strides = array<i32>} : memref<32768xf32, #tpu.memory_space<vmem>>, vector<16xf32>,
      tpu.vector_store %arg6[%swap3A_546], %gather3A_508 {strides = array<i32>} : memref<32768xf32, #tpu.memory_space<vmem>>, vector<16xf32>,
      %mul3A_548 = arith.constant 128 : i32
      %mul3A_549 = arith.muli %scan3A_495, %mul3A_548 : i32
      %add3A_550 = arith.constant 96 : i32
      %add3A_551 = arith.addi %mul3A_549, %add3A_550 : i32
      %swap3A_552 = arith.index_cast %add3A_551 : i32 to index
      %swap3A_553 = tpu.vector_load %arg6[%swap3A_552] {strides = array<i32>} : memref<32768xf32, #tpu.memory_space<vmem>>, vector<16xf32>,
      tpu.vector_store %arg6[%swap3A_552], %gather3A_510 {strides = array<i32>} : memref<32768xf32, #tpu.memory_space<vmem>>, vector<16xf32>,
      %mul3A_554 = arith.constant 128 : i32
      %mul3A_555 = arith.muli %scan3A_495, %mul3A_554 : i32
      %add3A_556 = arith.constant 112 : i32
      %add3A_557 = arith.addi %mul3A_555, %add3A_556 : i32
      %swap3A_558 = arith.index_cast %add3A_557 : i32 to index
      %swap3A_559 = tpu.vector_load %arg6[%swap3A_558] {strides = array<i32>} : memref<32768xf32, #tpu.memory_space<vmem>>, vector<16xf32>,
      tpu.vector_store %arg6[%swap3A_558], %gather3A_512 {strides = array<i32>} : memref<32768xf32, #tpu.memory_space<vmem>>, vector<16xf32>,
    }
    %scan3A_212 = arith.constant 256 : i32
    %add3A_213 = arith.constant 1536 : i32
    %add3A_214 = arith.addi %mul3A_2, %add3A_213 : i32
    %mul3A_215 = arith.constant 128 : i32
    %mul3A_216 = arith.muli %add3A_214, %mul3A_215 : i32
    %dma_start3A_217 = tpu.memref_slice %arg4[%mul3A_216] : memref<16777216xf32, #tpu.memory_space<hbm>> -> memref<32768xf32, #tpu.memory_space<hbm>>
    %dma_start3A_218 = tpu.memref_slice %arg4[%mul3A_216] : memref<16777216xf32, #tpu.memory_space<hbm>> -> memref<32768xf32, #tpu.memory_space<hbm>>
    tpu.enqueue_dma source(%arg6 : memref<32768xf32, #tpu.memory_space<vmem>>) target(%dma_start3A_218 : memref<32768xf32, #tpu.memory_space<hbm>>) target_semaphore(%arg12 : memref<!tpu.dma_semaphore, #tpu.memory_space<semaphore_mem>>)
    %add3A_219 = arith.constant 1280 : i32
    %add3A_220 = arith.addi %mul3A_2, %add3A_219 : i32
    %mul3A_221 = arith.constant 128 : i32
    %mul3A_222 = arith.muli %add3A_220, %mul3A_221 : i32
    %dma_wait3A_223 = tpu.memref_slice %arg4[%mul3A_222] : memref<16777216xf32, #tpu.memory_space<hbm>> -> memref<32768xf32, #tpu.memory_space<hbm>>
    %dma_wait3A_224 = tpu.memref_slice %arg4[%mul3A_222] : memref<16777216xf32, #tpu.memory_space<hbm>> -> memref<32768xf32, #tpu.memory_space<hbm>>
    tpu.wait_dma2 semaphore(%arg14 : memref<!tpu.dma_semaphore, #tpu.memory_space<semaphore_mem>>) src(%arg8 : memref<32768xf32, #tpu.memory_space<vmem>>) dst(%dma_wait3A_224 : memref<32768xf32, #tpu.memory_space<hbm>>)
    %add3A_225 = arith.constant 2048 : i32
    %add3A_226 = arith.addi %mul3A_2, %add3A_225 : i32
    %mul3A_227 = arith.constant 128 : i32
    %mul3A_228 = arith.muli %add3A_226, %mul3A_227 : i32
    %dma_start3A_229 = tpu.memref_slice %arg2[%mul3A_228] : memref<16777216xf32, #tpu.memory_space<hbm>> -> memref<32768xf32, #tpu.memory_space<hbm>>
    %dma_start3A_230 = tpu.memref_slice %arg2[%mul3A_228] : memref<16777216xf32, #tpu.memory_space<hbm>> -> memref<32768xf32, #tpu.memory_space<hbm>>
    tpu.enqueue_dma source(%dma_start3A_230 : memref<32768xf32, #tpu.memory_space<hbm>>) target(%arg8 : memref<32768xf32, #tpu.memory_space<vmem>>) target_semaphore(%arg11 : memref<!tpu.dma_semaphore, #tpu.memory_space<semaphore_mem>>)
    %add3A_231 = arith.constant 1792 : i32
    %add3A_232 = arith.addi %mul3A_2, %add3A_231 : i32
    %mul3A_233 = arith.constant 128 : i32
    %mul3A_234 = arith.muli %add3A_232, %mul3A_233 : i32
    %dma_wait3A_235 = tpu.memref_slice %arg2[%mul3A_234] : memref<16777216xf32, #tpu.memory_space<hbm>> -> memref<32768xf32, #tpu.memory_space<hbm>>
    %dma_wait3A_236 = tpu.memref_slice %arg2[%mul3A_234] : memref<16777216xf32, #tpu.memory_space<hbm>> -> memref<32768xf32, #tpu.memory_space<hbm>>
    tpu.wait_dma2 semaphore(%arg10 : memref<!tpu.dma_semaphore, #tpu.memory_space<semaphore_mem>>) src(%dma_wait3A_236 : memref<32768xf32, #tpu.memory_space<hbm>>) dst(%arg7 : memref<32768xf32, #tpu.memory_space<vmem>>)
    %scan3A_237 = arith.constant 0 : i32
    %scan3A_238 = arith.constant 0 : i32
    %scan3A_239 = arith.constant 256 : i32
    %scan3A_240 = arith.addi %scan3A_238, %scan3A_239 : i32
    %scan3A_241 = arith.constant 1 : i32
    scf.for %scan3A_495 = %scan3A_238 to %scan3A_240 step %scan3A_241  : i32 {
      %mul3A_496 = arith.constant 128 : i32
      %mul3A_497 = arith.muli %scan3A_495, %mul3A_496 : i32
      %gather3A = tpu.memref_slice %arg7[%mul3A_497] : memref<32768xf32, #tpu.memory_space<vmem>> -> memref<128xf32, #tpu.memory_space<vmem>>
      %gather3A_498 = tpu.vector_load_idx %gather3A[%get3A_3] : memref<128xf32, #tpu.memory_space<vmem>>[vector<16xi32>], vector<16xf32>,
      %gather3A_499 = tpu.memref_slice %arg7[%mul3A_497] : memref<32768xf32, #tpu.memory_space<vmem>> -> memref<128xf32, #tpu.memory_space<vmem>>
      %gather3A_500 = tpu.vector_load_idx %gather3A_499[%get3A_5] : memref<128xf32, #tpu.memory_space<vmem>>[vector<16xi32>], vector<16xf32>,
      %gather3A_501 = tpu.memref_slice %arg7[%mul3A_497] : memref<32768xf32, #tpu.memory_space<vmem>> -> memref<128xf32, #tpu.memory_space<vmem>>
      %gather3A_502 = tpu.vector_load_idx %gather3A_501[%get3A_7] : memref<128xf32, #tpu.memory_space<vmem>>[vector<16xi32>], vector<16xf32>,
      %gather3A_503 = tpu.memref_slice %arg7[%mul3A_497] : memref<32768xf32, #tpu.memory_space<vmem>> -> memref<128xf32, #tpu.memory_space<vmem>>
      %gather3A_504 = tpu.vector_load_idx %gather3A_503[%get3A_9] : memref<128xf32, #tpu.memory_space<vmem>>[vector<16xi32>], vector<16xf32>,
      %gather3A_505 = tpu.memref_slice %arg7[%mul3A_497] : memref<32768xf32, #tpu.memory_space<vmem>> -> memref<128xf32, #tpu.memory_space<vmem>>
      %gather3A_506 = tpu.vector_load_idx %gather3A_505[%get3A_11] : memref<128xf32, #tpu.memory_space<vmem>>[vector<16xi32>], vector<16xf32>,
      %gather3A_507 = tpu.memref_slice %arg7[%mul3A_497] : memref<32768xf32, #tpu.memory_space<vmem>> -> memref<128xf32, #tpu.memory_space<vmem>>
      %gather3A_508 = tpu.vector_load_idx %gather3A_507[%get3A_13] : memref<128xf32, #tpu.memory_space<vmem>>[vector<16xi32>], vector<16xf32>,
      %gather3A_509 = tpu.memref_slice %arg7[%mul3A_497] : memref<32768xf32, #tpu.memory_space<vmem>> -> memref<128xf32, #tpu.memory_space<vmem>>
      %gather3A_510 = tpu.vector_load_idx %gather3A_509[%get3A_15] : memref<128xf32, #tpu.memory_space<vmem>>[vector<16xi32>], vector<16xf32>,
      %gather3A_511 = tpu.memref_slice %arg7[%mul3A_497] : memref<32768xf32, #tpu.memory_space<vmem>> -> memref<128xf32, #tpu.memory_space<vmem>>
      %gather3A_512 = tpu.vector_load_idx %gather3A_511[%get3A_17] : memref<128xf32, #tpu.memory_space<vmem>>[vector<16xi32>], vector<16xf32>,
      %mul3A_513 = arith.constant 128 : i32
      %mul3A_514 = arith.muli %scan3A_495, %mul3A_513 : i32
      %add3A_515 = arith.constant 0 : i32
      %add3A_516 = arith.addi %mul3A_514, %add3A_515 : i32
      %swap3A = arith.index_cast %add3A_516 : i32 to index
      %swap3A_517 = tpu.vector_load %arg7[%swap3A] {strides = array<i32>} : memref<32768xf32, #tpu.memory_space<vmem>>, vector<16xf32>,
      tpu.vector_store %arg7[%swap3A], %gather3A_498 {strides = array<i32>} : memref<32768xf32, #tpu.memory_space<vmem>>, vector<16xf32>,
      %mul3A_518 = arith.constant 128 : i32
      %mul3A_519 = arith.muli %scan3A_495, %mul3A_518 : i32
      %add3A_520 = arith.constant 16 : i32
      %add3A_521 = arith.addi %mul3A_519, %add3A_520 : i32
      %swap3A_522 = arith.index_cast %add3A_521 : i32 to index
      %swap3A_523 = tpu.vector_load %arg7[%swap3A_522] {strides = array<i32>} : memref<32768xf32, #tpu.memory_space<vmem>>, vector<16xf32>,
      tpu.vector_store %arg7[%swap3A_522], %gather3A_500 {strides = array<i32>} : memref<32768xf32, #tpu.memory_space<vmem>>, vector<16xf32>,
      %mul3A_524 = arith.constant 128 : i32
      %mul3A_525 = arith.muli %scan3A_495, %mul3A_524 : i32
      %add3A_526 = arith.constant 32 : i32
      %add3A_527 = arith.addi %mul3A_525, %add3A_526 : i32
      %swap3A_528 = arith.index_cast %add3A_527 : i32 to index
      %swap3A_529 = tpu.vector_load %arg7[%swap3A_528] {strides = array<i32>} : memref<32768xf32, #tpu.memory_space<vmem>>, vector<16xf32>,
      tpu.vector_store %arg7[%swap3A_528], %gather3A_502 {strides = array<i32>} : memref<32768xf32, #tpu.memory_space<vmem>>, vector<16xf32>,
      %mul3A_530 = arith.constant 128 : i32
      %mul3A_531 = arith.muli %scan3A_495, %mul3A_530 : i32
      %add3A_532 = arith.constant 48 : i32
      %add3A_533 = arith.addi %mul3A_531, %add3A_532 : i32
      %swap3A_534 = arith.index_cast %add3A_533 : i32 to index
      %swap3A_535 = tpu.vector_load %arg7[%swap3A_534] {strides = array<i32>} : memref<32768xf32, #tpu.memory_space<vmem>>, vector<16xf32>,
      tpu.vector_store %arg7[%swap3A_534], %gather3A_504 {strides = array<i32>} : memref<32768xf32, #tpu.memory_space<vmem>>, vector<16xf32>,
      %mul3A_536 = arith.constant 128 : i32
      %mul3A_537 = arith.muli %scan3A_495, %mul3A_536 : i32
      %add3A_538 = arith.constant 64 : i32
      %add3A_539 = arith.addi %mul3A_537, %add3A_538 : i32
      %swap3A_540 = arith.index_cast %add3A_539 : i32 to index
      %swap3A_541 = tpu.vector_load %arg7[%swap3A_540] {strides = array<i32>} : memref<32768xf32, #tpu.memory_space<vmem>>, vector<16xf32>,
      tpu.vector_store %arg7[%swap3A_540], %gather3A_506 {strides = array<i32>} : memref<32768xf32, #tpu.memory_space<vmem>>, vector<16xf32>,
      %mul3A_542 = arith.constant 128 : i32
      %mul3A_543 = arith.muli %scan3A_495, %mul3A_542 : i32
      %add3A_544 = arith.constant 80 : i32
      %add3A_545 = arith.addi %mul3A_543, %add3A_544 : i32
      %swap3A_546 = arith.index_cast %add3A_545 : i32 to index
      %swap3A_547 = tpu.vector_load %arg7[%swap3A_546] {strides = array<i32>} : memref<32768xf32, #tpu.memory_space<vmem>>, vector<16xf32>,
      tpu.vector_store %arg7[%swap3A_546], %gather3A_508 {strides = array<i32>} : memref<32768xf32, #tpu.memory_space<vmem>>, vector<16xf32>,
      %mul3A_548 = arith.constant 128 : i32
      %mul3A_549 = arith.muli %scan3A_495, %mul3A_548 : i32
      %add3A_550 = arith.constant 96 : i32
      %add3A_551 = arith.addi %mul3A_549, %add3A_550 : i32
      %swap3A_552 = arith.index_cast %add3A_551 : i32 to index
      %swap3A_553 = tpu.vector_load %arg7[%swap3A_552] {strides = array<i32>} : memref<32768xf32, #tpu.memory_space<vmem>>, vector<16xf32>,
      tpu.vector_store %arg7[%swap3A_552], %gather3A_510 {strides = array<i32>} : memref<32768xf32, #tpu.memory_space<vmem>>, vector<16xf32>,
      %mul3A_554 = arith.constant 128 : i32
      %mul3A_555 = arith.muli %scan3A_495, %mul3A_554 : i32
      %add3A_556 = arith.constant 112 : i32
      %add3A_557 = arith.addi %mul3A_555, %add3A_556 : i32
      %swap3A_558 = arith.index_cast %add3A_557 : i32 to index
      %swap3A_559 = tpu.vector_load %arg7[%swap3A_558] {strides = array<i32>} : memref<32768xf32, #tpu.memory_space<vmem>>, vector<16xf32>,
      tpu.vector_store %arg7[%swap3A_558], %gather3A_512 {strides = array<i32>} : memref<32768xf32, #tpu.memory_space<vmem>>, vector<16xf32>,
    }
    %scan3A_242 = arith.constant 256 : i32
    %add3A_243 = arith.constant 1792 : i32
    %add3A_244 = arith.addi %mul3A_2, %add3A_243 : i32
    %mul3A_245 = arith.constant 128 : i32
    %mul3A_246 = arith.muli %add3A_244, %mul3A_245 : i32
    %dma_start3A_247 = tpu.memref_slice %arg4[%mul3A_246] : memref<16777216xf32, #tpu.memory_space<hbm>> -> memref<32768xf32, #tpu.memory_space<hbm>>
    %dma_start3A_248 = tpu.memref_slice %arg4[%mul3A_246] : memref<16777216xf32, #tpu.memory_space<hbm>> -> memref<32768xf32, #tpu.memory_space<hbm>>
    tpu.enqueue_dma source(%arg7 : memref<32768xf32, #tpu.memory_space<vmem>>) target(%dma_start3A_248 : memref<32768xf32, #tpu.memory_space<hbm>>) target_semaphore(%arg13 : memref<!tpu.dma_semaphore, #tpu.memory_space<semaphore_mem>>)
    %add3A_249 = arith.constant 1536 : i32
    %add3A_250 = arith.addi %mul3A_2, %add3A_249 : i32
    %mul3A_251 = arith.constant 128 : i32
    %mul3A_252 = arith.muli %add3A_250, %mul3A_251 : i32
    %dma_wait3A_253 = tpu.memref_slice %arg4[%mul3A_252] : memref<16777216xf32, #tpu.memory_space<hbm>> -> memref<32768xf32, #tpu.memory_space<hbm>>
    %dma_wait3A_254 = tpu.memref_slice %arg4[%mul3A_252] : memref<16777216xf32, #tpu.memory_space<hbm>> -> memref<32768xf32, #tpu.memory_space<hbm>>
    tpu.wait_dma2 semaphore(%arg12 : memref<!tpu.dma_semaphore, #tpu.memory_space<semaphore_mem>>) src(%arg6 : memref<32768xf32, #tpu.memory_space<vmem>>) dst(%dma_wait3A_254 : memref<32768xf32, #tpu.memory_space<hbm>>)
    %add3A_255 = arith.constant 2304 : i32
    %add3A_256 = arith.addi %mul3A_2, %add3A_255 : i32
    %mul3A_257 = arith.constant 128 : i32
    %mul3A_258 = arith.muli %add3A_256, %mul3A_257 : i32
    %dma_start3A_259 = tpu.memref_slice %arg2[%mul3A_258] : memref<16777216xf32, #tpu.memory_space<hbm>> -> memref<32768xf32, #tpu.memory_space<hbm>>
    %dma_start3A_260 = tpu.memref_slice %arg2[%mul3A_258] : memref<16777216xf32, #tpu.memory_space<hbm>> -> memref<32768xf32, #tpu.memory_space<hbm>>
    tpu.enqueue_dma source(%dma_start3A_260 : memref<32768xf32, #tpu.memory_space<hbm>>) target(%arg6 : memref<32768xf32, #tpu.memory_space<vmem>>) target_semaphore(%arg9 : memref<!tpu.dma_semaphore, #tpu.memory_space<semaphore_mem>>)
    %add3A_261 = arith.constant 2048 : i32
    %add3A_262 = arith.addi %mul3A_2, %add3A_261 : i32
    %mul3A_263 = arith.constant 128 : i32
    %mul3A_264 = arith.muli %add3A_262, %mul3A_263 : i32
    %dma_wait3A_265 = tpu.memref_slice %arg2[%mul3A_264] : memref<16777216xf32, #tpu.memory_space<hbm>> -> memref<32768xf32, #tpu.memory_space<hbm>>
    %dma_wait3A_266 = tpu.memref_slice %arg2[%mul3A_264] : memref<16777216xf32, #tpu.memory_space<hbm>> -> memref<32768xf32, #tpu.memory_space<hbm>>
    tpu.wait_dma2 semaphore(%arg11 : memref<!tpu.dma_semaphore, #tpu.memory_space<semaphore_mem>>) src(%dma_wait3A_266 : memref<32768xf32, #tpu.memory_space<hbm>>) dst(%arg8 : memref<32768xf32, #tpu.memory_space<vmem>>)
    %scan3A_267 = arith.constant 0 : i32
    %scan3A_268 = arith.constant 0 : i32
    %scan3A_269 = arith.constant 256 : i32
    %scan3A_270 = arith.addi %scan3A_268, %scan3A_269 : i32
    %scan3A_271 = arith.constant 1 : i32
    scf.for %scan3A_495 = %scan3A_268 to %scan3A_270 step %scan3A_271  : i32 {
      %mul3A_496 = arith.constant 128 : i32
      %mul3A_497 = arith.muli %scan3A_495, %mul3A_496 : i32
      %gather3A = tpu.memref_slice %arg8[%mul3A_497] : memref<32768xf32, #tpu.memory_space<vmem>> -> memref<128xf32, #tpu.memory_space<vmem>>
      %gather3A_498 = tpu.vector_load_idx %gather3A[%get3A_3] : memref<128xf32, #tpu.memory_space<vmem>>[vector<16xi32>], vector<16xf32>,
      %gather3A_499 = tpu.memref_slice %arg8[%mul3A_497] : memref<32768xf32, #tpu.memory_space<vmem>> -> memref<128xf32, #tpu.memory_space<vmem>>
      %gather3A_500 = tpu.vector_load_idx %gather3A_499[%get3A_5] : memref<128xf32, #tpu.memory_space<vmem>>[vector<16xi32>], vector<16xf32>,
      %gather3A_501 = tpu.memref_slice %arg8[%mul3A_497] : memref<32768xf32, #tpu.memory_space<vmem>> -> memref<128xf32, #tpu.memory_space<vmem>>
      %gather3A_502 = tpu.vector_load_idx %gather3A_501[%get3A_7] : memref<128xf32, #tpu.memory_space<vmem>>[vector<16xi32>], vector<16xf32>,
      %gather3A_503 = tpu.memref_slice %arg8[%mul3A_497] : memref<32768xf32, #tpu.memory_space<vmem>> -> memref<128xf32, #tpu.memory_space<vmem>>
      %gather3A_504 = tpu.vector_load_idx %gather3A_503[%get3A_9] : memref<128xf32, #tpu.memory_space<vmem>>[vector<16xi32>], vector<16xf32>,
      %gather3A_505 = tpu.memref_slice %arg8[%mul3A_497] : memref<32768xf32, #tpu.memory_space<vmem>> -> memref<128xf32, #tpu.memory_space<vmem>>
      %gather3A_506 = tpu.vector_load_idx %gather3A_505[%get3A_11] : memref<128xf32, #tpu.memory_space<vmem>>[vector<16xi32>], vector<16xf32>,
      %gather3A_507 = tpu.memref_slice %arg8[%mul3A_497] : memref<32768xf32, #tpu.memory_space<vmem>> -> memref<128xf32, #tpu.memory_space<vmem>>
      %gather3A_508 = tpu.vector_load_idx %gather3A_507[%get3A_13] : memref<128xf32, #tpu.memory_space<vmem>>[vector<16xi32>], vector<16xf32>,
      %gather3A_509 = tpu.memref_slice %arg8[%mul3A_497] : memref<32768xf32, #tpu.memory_space<vmem>> -> memref<128xf32, #tpu.memory_space<vmem>>
      %gather3A_510 = tpu.vector_load_idx %gather3A_509[%get3A_15] : memref<128xf32, #tpu.memory_space<vmem>>[vector<16xi32>], vector<16xf32>,
      %gather3A_511 = tpu.memref_slice %arg8[%mul3A_497] : memref<32768xf32, #tpu.memory_space<vmem>> -> memref<128xf32, #tpu.memory_space<vmem>>
      %gather3A_512 = tpu.vector_load_idx %gather3A_511[%get3A_17] : memref<128xf32, #tpu.memory_space<vmem>>[vector<16xi32>], vector<16xf32>,
      %mul3A_513 = arith.constant 128 : i32
      %mul3A_514 = arith.muli %scan3A_495, %mul3A_513 : i32
      %add3A_515 = arith.constant 0 : i32
      %add3A_516 = arith.addi %mul3A_514, %add3A_515 : i32
      %swap3A = arith.index_cast %add3A_516 : i32 to index
      %swap3A_517 = tpu.vector_load %arg8[%swap3A] {strides = array<i32>} : memref<32768xf32, #tpu.memory_space<vmem>>, vector<16xf32>,
      tpu.vector_store %arg8[%swap3A], %gather3A_498 {strides = array<i32>} : memref<32768xf32, #tpu.memory_space<vmem>>, vector<16xf32>,
      %mul3A_518 = arith.constant 128 : i32
      %mul3A_519 = arith.muli %scan3A_495, %mul3A_518 : i32
      %add3A_520 = arith.constant 16 : i32
      %add3A_521 = arith.addi %mul3A_519, %add3A_520 : i32
      %swap3A_522 = arith.index_cast %add3A_521 : i32 to index
      %swap3A_523 = tpu.vector_load %arg8[%swap3A_522] {strides = array<i32>} : memref<32768xf32, #tpu.memory_space<vmem>>, vector<16xf32>,
      tpu.vector_store %arg8[%swap3A_522], %gather3A_500 {strides = array<i32>} : memref<32768xf32, #tpu.memory_space<vmem>>, vector<16xf32>,
      %mul3A_524 = arith.constant 128 : i32
      %mul3A_525 = arith.muli %scan3A_495, %mul3A_524 : i32
      %add3A_526 = arith.constant 32 : i32
      %add3A_527 = arith.addi %mul3A_525, %add3A_526 : i32
      %swap3A_528 = arith.index_cast %add3A_527 : i32 to index
      %swap3A_529 = tpu.vector_load %arg8[%swap3A_528] {strides = array<i32>} : memref<32768xf32, #tpu.memory_space<vmem>>, vector<16xf32>,
      tpu.vector_store %arg8[%swap3A_528], %gather3A_502 {strides = array<i32>} : memref<32768xf32, #tpu.memory_space<vmem>>, vector<16xf32>,
      %mul3A_530 = arith.constant 128 : i32
      %mul3A_531 = arith.muli %scan3A_495, %mul3A_530 : i32
      %add3A_532 = arith.constant 48 : i32
      %add3A_533 = arith.addi %mul3A_531, %add3A_532 : i32
      %swap3A_534 = arith.index_cast %add3A_533 : i32 to index
      %swap3A_535 = tpu.vector_load %arg8[%swap3A_534] {strides = array<i32>} : memref<32768xf32, #tpu.memory_space<vmem>>, vector<16xf32>,
      tpu.vector_store %arg8[%swap3A_534], %gather3A_504 {strides = array<i32>} : memref<32768xf32, #tpu.memory_space<vmem>>, vector<16xf32>,
      %mul3A_536 = arith.constant 128 : i32
      %mul3A_537 = arith.muli %scan3A_495, %mul3A_536 : i32
      %add3A_538 = arith.constant 64 : i32
      %add3A_539 = arith.addi %mul3A_537, %add3A_538 : i32
      %swap3A_540 = arith.index_cast %add3A_539 : i32 to index
      %swap3A_541 = tpu.vector_load %arg8[%swap3A_540] {strides = array<i32>} : memref<32768xf32, #tpu.memory_space<vmem>>, vector<16xf32>,
      tpu.vector_store %arg8[%swap3A_540], %gather3A_506 {strides = array<i32>} : memref<32768xf32, #tpu.memory_space<vmem>>, vector<16xf32>,
      %mul3A_542 = arith.constant 128 : i32
      %mul3A_543 = arith.muli %scan3A_495, %mul3A_542 : i32
      %add3A_544 = arith.constant 80 : i32
      %add3A_545 = arith.addi %mul3A_543, %add3A_544 : i32
      %swap3A_546 = arith.index_cast %add3A_545 : i32 to index
      %swap3A_547 = tpu.vector_load %arg8[%swap3A_546] {strides = array<i32>} : memref<32768xf32, #tpu.memory_space<vmem>>, vector<16xf32>,
      tpu.vector_store %arg8[%swap3A_546], %gather3A_508 {strides = array<i32>} : memref<32768xf32, #tpu.memory_space<vmem>>, vector<16xf32>,
      %mul3A_548 = arith.constant 128 : i32
      %mul3A_549 = arith.muli %scan3A_495, %mul3A_548 : i32
      %add3A_550 = arith.constant 96 : i32
      %add3A_551 = arith.addi %mul3A_549, %add3A_550 : i32
      %swap3A_552 = arith.index_cast %add3A_551 : i32 to index
      %swap3A_553 = tpu.vector_load %arg8[%swap3A_552] {strides = array<i32>} : memref<32768xf32, #tpu.memory_space<vmem>>, vector<16xf32>,
      tpu.vector_store %arg8[%swap3A_552], %gather3A_510 {strides = array<i32>} : memref<32768xf32, #tpu.memory_space<vmem>>, vector<16xf32>,
      %mul3A_554 = arith.constant 128 : i32
      %mul3A_555 = arith.muli %scan3A_495, %mul3A_554 : i32
      %add3A_556 = arith.constant 112 : i32
      %add3A_557 = arith.addi %mul3A_555, %add3A_556 : i32
      %swap3A_558 = arith.index_cast %add3A_557 : i32 to index
      %swap3A_559 = tpu.vector_load %arg8[%swap3A_558] {strides = array<i32>} : memref<32768xf32, #tpu.memory_space<vmem>>, vector<16xf32>,
      tpu.vector_store %arg8[%swap3A_558], %gather3A_512 {strides = array<i32>} : memref<32768xf32, #tpu.memory_space<vmem>>, vector<16xf32>,
    }
    %scan3A_272 = arith.constant 256 : i32
    %add3A_273 = arith.constant 2048 : i32
    %add3A_274 = arith.addi %mul3A_2, %add3A_273 : i32
    %mul3A_275 = arith.constant 128 : i32
    %mul3A_276 = arith.muli %add3A_274, %mul3A_275 : i32
    %dma_start3A_277 = tpu.memref_slice %arg4[%mul3A_276] : memref<16777216xf32, #tpu.memory_space<hbm>> -> memref<32768xf32, #tpu.memory_space<hbm>>
    %dma_start3A_278 = tpu.memref_slice %arg4[%mul3A_276] : memref<16777216xf32, #tpu.memory_space<hbm>> -> memref<32768xf32, #tpu.memory_space<hbm>>
    tpu.enqueue_dma source(%arg8 : memref<32768xf32, #tpu.memory_space<vmem>>) target(%dma_start3A_278 : memref<32768xf32, #tpu.memory_space<hbm>>) target_semaphore(%arg14 : memref<!tpu.dma_semaphore, #tpu.memory_space<semaphore_mem>>)
    %add3A_279 = arith.constant 1792 : i32
    %add3A_280 = arith.addi %mul3A_2, %add3A_279 : i32
    %mul3A_281 = arith.constant 128 : i32
    %mul3A_282 = arith.muli %add3A_280, %mul3A_281 : i32
    %dma_wait3A_283 = tpu.memref_slice %arg4[%mul3A_282] : memref<16777216xf32, #tpu.memory_space<hbm>> -> memref<32768xf32, #tpu.memory_space<hbm>>
    %dma_wait3A_284 = tpu.memref_slice %arg4[%mul3A_282] : memref<16777216xf32, #tpu.memory_space<hbm>> -> memref<32768xf32, #tpu.memory_space<hbm>>
    tpu.wait_dma2 semaphore(%arg13 : memref<!tpu.dma_semaphore, #tpu.memory_space<semaphore_mem>>) src(%arg7 : memref<32768xf32, #tpu.memory_space<vmem>>) dst(%dma_wait3A_284 : memref<32768xf32, #tpu.memory_space<hbm>>)
    %add3A_285 = arith.constant 2560 : i32
    %add3A_286 = arith.addi %mul3A_2, %add3A_285 : i32
    %mul3A_287 = arith.constant 128 : i32
    %mul3A_288 = arith.muli %add3A_286, %mul3A_287 : i32
    %dma_start3A_289 = tpu.memref_slice %arg2[%mul3A_288] : memref<16777216xf32, #tpu.memory_space<hbm>> -> memref<32768xf32, #tpu.memory_space<hbm>>
    %dma_start3A_290 = tpu.memref_slice %arg2[%mul3A_288] : memref<16777216xf32, #tpu.memory_space<hbm>> -> memref<32768xf32, #tpu.memory_space<hbm>>
    tpu.enqueue_dma source(%dma_start3A_290 : memref<32768xf32, #tpu.memory_space<hbm>>) target(%arg7 : memref<32768xf32, #tpu.memory_space<vmem>>) target_semaphore(%arg10 : memref<!tpu.dma_semaphore, #tpu.memory_space<semaphore_mem>>)
    %add3A_291 = arith.constant 2304 : i32
    %add3A_292 = arith.addi %mul3A_2, %add3A_291 : i32
    %mul3A_293 = arith.constant 128 : i32
    %mul3A_294 = arith.muli %add3A_292, %mul3A_293 : i32
    %dma_wait3A_295 = tpu.memref_slice %arg2[%mul3A_294] : memref<16777216xf32, #tpu.memory_space<hbm>> -> memref<32768xf32, #tpu.memory_space<hbm>>
    %dma_wait3A_296 = tpu.memref_slice %arg2[%mul3A_294] : memref<16777216xf32, #tpu.memory_space<hbm>> -> memref<32768xf32, #tpu.memory_space<hbm>>
    tpu.wait_dma2 semaphore(%arg9 : memref<!tpu.dma_semaphore, #tpu.memory_space<semaphore_mem>>) src(%dma_wait3A_296 : memref<32768xf32, #tpu.memory_space<hbm>>) dst(%arg6 : memref<32768xf32, #tpu.memory_space<vmem>>)
    %scan3A_297 = arith.constant 0 : i32
    %scan3A_298 = arith.constant 0 : i32
    %scan3A_299 = arith.constant 256 : i32
    %scan3A_300 = arith.addi %scan3A_298, %scan3A_299 : i32
    %scan3A_301 = arith.constant 1 : i32
    scf.for %scan3A_495 = %scan3A_298 to %scan3A_300 step %scan3A_301  : i32 {
      %mul3A_496 = arith.constant 128 : i32
      %mul3A_497 = arith.muli %scan3A_495, %mul3A_496 : i32
      %gather3A = tpu.memref_slice %arg6[%mul3A_497] : memref<32768xf32, #tpu.memory_space<vmem>> -> memref<128xf32, #tpu.memory_space<vmem>>
      %gather3A_498 = tpu.vector_load_idx %gather3A[%get3A_3] : memref<128xf32, #tpu.memory_space<vmem>>[vector<16xi32>], vector<16xf32>,
      %gather3A_499 = tpu.memref_slice %arg6[%mul3A_497] : memref<32768xf32, #tpu.memory_space<vmem>> -> memref<128xf32, #tpu.memory_space<vmem>>
      %gather3A_500 = tpu.vector_load_idx %gather3A_499[%get3A_5] : memref<128xf32, #tpu.memory_space<vmem>>[vector<16xi32>], vector<16xf32>,
      %gather3A_501 = tpu.memref_slice %arg6[%mul3A_497] : memref<32768xf32, #tpu.memory_space<vmem>> -> memref<128xf32, #tpu.memory_space<vmem>>
      %gather3A_502 = tpu.vector_load_idx %gather3A_501[%get3A_7] : memref<128xf32, #tpu.memory_space<vmem>>[vector<16xi32>], vector<16xf32>,
      %gather3A_503 = tpu.memref_slice %arg6[%mul3A_497] : memref<32768xf32, #tpu.memory_space<vmem>> -> memref<128xf32, #tpu.memory_space<vmem>>
      %gather3A_504 = tpu.vector_load_idx %gather3A_503[%get3A_9] : memref<128xf32, #tpu.memory_space<vmem>>[vector<16xi32>], vector<16xf32>,
      %gather3A_505 = tpu.memref_slice %arg6[%mul3A_497] : memref<32768xf32, #tpu.memory_space<vmem>> -> memref<128xf32, #tpu.memory_space<vmem>>
      %gather3A_506 = tpu.vector_load_idx %gather3A_505[%get3A_11] : memref<128xf32, #tpu.memory_space<vmem>>[vector<16xi32>], vector<16xf32>,
      %gather3A_507 = tpu.memref_slice %arg6[%mul3A_497] : memref<32768xf32, #tpu.memory_space<vmem>> -> memref<128xf32, #tpu.memory_space<vmem>>
      %gather3A_508 = tpu.vector_load_idx %gather3A_507[%get3A_13] : memref<128xf32, #tpu.memory_space<vmem>>[vector<16xi32>], vector<16xf32>,
      %gather3A_509 = tpu.memref_slice %arg6[%mul3A_497] : memref<32768xf32, #tpu.memory_space<vmem>> -> memref<128xf32, #tpu.memory_space<vmem>>
      %gather3A_510 = tpu.vector_load_idx %gather3A_509[%get3A_15] : memref<128xf32, #tpu.memory_space<vmem>>[vector<16xi32>], vector<16xf32>,
      %gather3A_511 = tpu.memref_slice %arg6[%mul3A_497] : memref<32768xf32, #tpu.memory_space<vmem>> -> memref<128xf32, #tpu.memory_space<vmem>>
      %gather3A_512 = tpu.vector_load_idx %gather3A_511[%get3A_17] : memref<128xf32, #tpu.memory_space<vmem>>[vector<16xi32>], vector<16xf32>,
      %mul3A_513 = arith.constant 128 : i32
      %mul3A_514 = arith.muli %scan3A_495, %mul3A_513 : i32
      %add3A_515 = arith.constant 0 : i32
      %add3A_516 = arith.addi %mul3A_514, %add3A_515 : i32
      %swap3A = arith.index_cast %add3A_516 : i32 to index
      %swap3A_517 = tpu.vector_load %arg6[%swap3A] {strides = array<i32>} : memref<32768xf32, #tpu.memory_space<vmem>>, vector<16xf32>,
      tpu.vector_store %arg6[%swap3A], %gather3A_498 {strides = array<i32>} : memref<32768xf32, #tpu.memory_space<vmem>>, vector<16xf32>,
      %mul3A_518 = arith.constant 128 : i32
      %mul3A_519 = arith.muli %scan3A_495, %mul3A_518 : i32
      %add3A_520 = arith.constant 16 : i32
      %add3A_521 = arith.addi %mul3A_519, %add3A_520 : i32
      %swap3A_522 = arith.index_cast %add3A_521 : i32 to index
      %swap3A_523 = tpu.vector_load %arg6[%swap3A_522] {strides = array<i32>} : memref<32768xf32, #tpu.memory_space<vmem>>, vector<16xf32>,
      tpu.vector_store %arg6[%swap3A_522], %gather3A_500 {strides = array<i32>} : memref<32768xf32, #tpu.memory_space<vmem>>, vector<16xf32>,
      %mul3A_524 = arith.constant 128 : i32
      %mul3A_525 = arith.muli %scan3A_495, %mul3A_524 : i32
      %add3A_526 = arith.constant 32 : i32
      %add3A_527 = arith.addi %mul3A_525, %add3A_526 : i32
      %swap3A_528 = arith.index_cast %add3A_527 : i32 to index
      %swap3A_529 = tpu.vector_load %arg6[%swap3A_528] {strides = array<i32>} : memref<32768xf32, #tpu.memory_space<vmem>>, vector<16xf32>,
      tpu.vector_store %arg6[%swap3A_528], %gather3A_502 {strides = array<i32>} : memref<32768xf32, #tpu.memory_space<vmem>>, vector<16xf32>,
      %mul3A_530 = arith.constant 128 : i32
      %mul3A_531 = arith.muli %scan3A_495, %mul3A_530 : i32
      %add3A_532 = arith.constant 48 : i32
      %add3A_533 = arith.addi %mul3A_531, %add3A_532 : i32
      %swap3A_534 = arith.index_cast %add3A_533 : i32 to index
      %swap3A_535 = tpu.vector_load %arg6[%swap3A_534] {strides = array<i32>} : memref<32768xf32, #tpu.memory_space<vmem>>, vector<16xf32>,
      tpu.vector_store %arg6[%swap3A_534], %gather3A_504 {strides = array<i32>} : memref<32768xf32, #tpu.memory_space<vmem>>, vector<16xf32>,
      %mul3A_536 = arith.constant 128 : i32
      %mul3A_537 = arith.muli %scan3A_495, %mul3A_536 : i32
      %add3A_538 = arith.constant 64 : i32
      %add3A_539 = arith.addi %mul3A_537, %add3A_538 : i32
      %swap3A_540 = arith.index_cast %add3A_539 : i32 to index
      %swap3A_541 = tpu.vector_load %arg6[%swap3A_540] {strides = array<i32>} : memref<32768xf32, #tpu.memory_space<vmem>>, vector<16xf32>,
      tpu.vector_store %arg6[%swap3A_540], %gather3A_506 {strides = array<i32>} : memref<32768xf32, #tpu.memory_space<vmem>>, vector<16xf32>,
      %mul3A_542 = arith.constant 128 : i32
      %mul3A_543 = arith.muli %scan3A_495, %mul3A_542 : i32
      %add3A_544 = arith.constant 80 : i32
      %add3A_545 = arith.addi %mul3A_543, %add3A_544 : i32
      %swap3A_546 = arith.index_cast %add3A_545 : i32 to index
      %swap3A_547 = tpu.vector_load %arg6[%swap3A_546] {strides = array<i32>} : memref<32768xf32, #tpu.memory_space<vmem>>, vector<16xf32>,
      tpu.vector_store %arg6[%swap3A_546], %gather3A_508 {strides = array<i32>} : memref<32768xf32, #tpu.memory_space<vmem>>, vector<16xf32>,
      %mul3A_548 = arith.constant 128 : i32
      %mul3A_549 = arith.muli %scan3A_495, %mul3A_548 : i32
      %add3A_550 = arith.constant 96 : i32
      %add3A_551 = arith.addi %mul3A_549, %add3A_550 : i32
      %swap3A_552 = arith.index_cast %add3A_551 : i32 to index
      %swap3A_553 = tpu.vector_load %arg6[%swap3A_552] {strides = array<i32>} : memref<32768xf32, #tpu.memory_space<vmem>>, vector<16xf32>,
      tpu.vector_store %arg6[%swap3A_552], %gather3A_510 {strides = array<i32>} : memref<32768xf32, #tpu.memory_space<vmem>>, vector<16xf32>,
      %mul3A_554 = arith.constant 128 : i32
      %mul3A_555 = arith.muli %scan3A_495, %mul3A_554 : i32
      %add3A_556 = arith.constant 112 : i32
      %add3A_557 = arith.addi %mul3A_555, %add3A_556 : i32
      %swap3A_558 = arith.index_cast %add3A_557 : i32 to index
      %swap3A_559 = tpu.vector_load %arg6[%swap3A_558] {strides = array<i32>} : memref<32768xf32, #tpu.memory_space<vmem>>, vector<16xf32>,
      tpu.vector_store %arg6[%swap3A_558], %gather3A_512 {strides = array<i32>} : memref<32768xf32, #tpu.memory_space<vmem>>, vector<16xf32>,
    }
    %scan3A_302 = arith.constant 256 : i32
    %add3A_303 = arith.constant 2304 : i32
    %add3A_304 = arith.addi %mul3A_2, %add3A_303 : i32
    %mul3A_305 = arith.constant 128 : i32
    %mul3A_306 = arith.muli %add3A_304, %mul3A_305 : i32
    %dma_start3A_307 = tpu.memref_slice %arg4[%mul3A_306] : memref<16777216xf32, #tpu.memory_space<hbm>> -> memref<32768xf32, #tpu.memory_space<hbm>>
    %dma_start3A_308 = tpu.memref_slice %arg4[%mul3A_306] : memref<16777216xf32, #tpu.memory_space<hbm>> -> memref<32768xf32, #tpu.memory_space<hbm>>
    tpu.enqueue_dma source(%arg6 : memref<32768xf32, #tpu.memory_space<vmem>>) target(%dma_start3A_308 : memref<32768xf32, #tpu.memory_space<hbm>>) target_semaphore(%arg12 : memref<!tpu.dma_semaphore, #tpu.memory_space<semaphore_mem>>)
    %add3A_309 = arith.constant 2048 : i32
    %add3A_310 = arith.addi %mul3A_2, %add3A_309 : i32
    %mul3A_311 = arith.constant 128 : i32
    %mul3A_312 = arith.muli %add3A_310, %mul3A_311 : i32
    %dma_wait3A_313 = tpu.memref_slice %arg4[%mul3A_312] : memref<16777216xf32, #tpu.memory_space<hbm>> -> memref<32768xf32, #tpu.memory_space<hbm>>
    %dma_wait3A_314 = tpu.memref_slice %arg4[%mul3A_312] : memref<16777216xf32, #tpu.memory_space<hbm>> -> memref<32768xf32, #tpu.memory_space<hbm>>
    tpu.wait_dma2 semaphore(%arg14 : memref<!tpu.dma_semaphore, #tpu.memory_space<semaphore_mem>>) src(%arg8 : memref<32768xf32, #tpu.memory_space<vmem>>) dst(%dma_wait3A_314 : memref<32768xf32, #tpu.memory_space<hbm>>)
    %add3A_315 = arith.constant 2816 : i32
    %add3A_316 = arith.addi %mul3A_2, %add3A_315 : i32
    %mul3A_317 = arith.constant 128 : i32
    %mul3A_318 = arith.muli %add3A_316, %mul3A_317 : i32
    %dma_start3A_319 = tpu.memref_slice %arg2[%mul3A_318] : memref<16777216xf32, #tpu.memory_space<hbm>> -> memref<32768xf32, #tpu.memory_space<hbm>>
    %dma_start3A_320 = tpu.memref_slice %arg2[%mul3A_318] : memref<16777216xf32, #tpu.memory_space<hbm>> -> memref<32768xf32, #tpu.memory_space<hbm>>
    tpu.enqueue_dma source(%dma_start3A_320 : memref<32768xf32, #tpu.memory_space<hbm>>) target(%arg8 : memref<32768xf32, #tpu.memory_space<vmem>>) target_semaphore(%arg11 : memref<!tpu.dma_semaphore, #tpu.memory_space<semaphore_mem>>)
    %add3A_321 = arith.constant 2560 : i32
    %add3A_322 = arith.addi %mul3A_2, %add3A_321 : i32
    %mul3A_323 = arith.constant 128 : i32
    %mul3A_324 = arith.muli %add3A_322, %mul3A_323 : i32
    %dma_wait3A_325 = tpu.memref_slice %arg2[%mul3A_324] : memref<16777216xf32, #tpu.memory_space<hbm>> -> memref<32768xf32, #tpu.memory_space<hbm>>
    %dma_wait3A_326 = tpu.memref_slice %arg2[%mul3A_324] : memref<16777216xf32, #tpu.memory_space<hbm>> -> memref<32768xf32, #tpu.memory_space<hbm>>
    tpu.wait_dma2 semaphore(%arg10 : memref<!tpu.dma_semaphore, #tpu.memory_space<semaphore_mem>>) src(%dma_wait3A_326 : memref<32768xf32, #tpu.memory_space<hbm>>) dst(%arg7 : memref<32768xf32, #tpu.memory_space<vmem>>)
    %scan3A_327 = arith.constant 0 : i32
    %scan3A_328 = arith.constant 0 : i32
    %scan3A_329 = arith.constant 256 : i32
    %scan3A_330 = arith.addi %scan3A_328, %scan3A_329 : i32
    %scan3A_331 = arith.constant 1 : i32
    scf.for %scan3A_495 = %scan3A_328 to %scan3A_330 step %scan3A_331  : i32 {
      %mul3A_496 = arith.constant 128 : i32
      %mul3A_497 = arith.muli %scan3A_495, %mul3A_496 : i32
      %gather3A = tpu.memref_slice %arg7[%mul3A_497] : memref<32768xf32, #tpu.memory_space<vmem>> -> memref<128xf32, #tpu.memory_space<vmem>>
      %gather3A_498 = tpu.vector_load_idx %gather3A[%get3A_3] : memref<128xf32, #tpu.memory_space<vmem>>[vector<16xi32>], vector<16xf32>,
      %gather3A_499 = tpu.memref_slice %arg7[%mul3A_497] : memref<32768xf32, #tpu.memory_space<vmem>> -> memref<128xf32, #tpu.memory_space<vmem>>
      %gather3A_500 = tpu.vector_load_idx %gather3A_499[%get3A_5] : memref<128xf32, #tpu.memory_space<vmem>>[vector<16xi32>], vector<16xf32>,
      %gather3A_501 = tpu.memref_slice %arg7[%mul3A_497] : memref<32768xf32, #tpu.memory_space<vmem>> -> memref<128xf32, #tpu.memory_space<vmem>>
      %gather3A_502 = tpu.vector_load_idx %gather3A_501[%get3A_7] : memref<128xf32, #tpu.memory_space<vmem>>[vector<16xi32>], vector<16xf32>,
      %gather3A_503 = tpu.memref_slice %arg7[%mul3A_497] : memref<32768xf32, #tpu.memory_space<vmem>> -> memref<128xf32, #tpu.memory_space<vmem>>
      %gather3A_504 = tpu.vector_load_idx %gather3A_503[%get3A_9] : memref<128xf32, #tpu.memory_space<vmem>>[vector<16xi32>], vector<16xf32>,
      %gather3A_505 = tpu.memref_slice %arg7[%mul3A_497] : memref<32768xf32, #tpu.memory_space<vmem>> -> memref<128xf32, #tpu.memory_space<vmem>>
      %gather3A_506 = tpu.vector_load_idx %gather3A_505[%get3A_11] : memref<128xf32, #tpu.memory_space<vmem>>[vector<16xi32>], vector<16xf32>,
      %gather3A_507 = tpu.memref_slice %arg7[%mul3A_497] : memref<32768xf32, #tpu.memory_space<vmem>> -> memref<128xf32, #tpu.memory_space<vmem>>
      %gather3A_508 = tpu.vector_load_idx %gather3A_507[%get3A_13] : memref<128xf32, #tpu.memory_space<vmem>>[vector<16xi32>], vector<16xf32>,
      %gather3A_509 = tpu.memref_slice %arg7[%mul3A_497] : memref<32768xf32, #tpu.memory_space<vmem>> -> memref<128xf32, #tpu.memory_space<vmem>>
      %gather3A_510 = tpu.vector_load_idx %gather3A_509[%get3A_15] : memref<128xf32, #tpu.memory_space<vmem>>[vector<16xi32>], vector<16xf32>,
      %gather3A_511 = tpu.memref_slice %arg7[%mul3A_497] : memref<32768xf32, #tpu.memory_space<vmem>> -> memref<128xf32, #tpu.memory_space<vmem>>
      %gather3A_512 = tpu.vector_load_idx %gather3A_511[%get3A_17] : memref<128xf32, #tpu.memory_space<vmem>>[vector<16xi32>], vector<16xf32>,
      %mul3A_513 = arith.constant 128 : i32
      %mul3A_514 = arith.muli %scan3A_495, %mul3A_513 : i32
      %add3A_515 = arith.constant 0 : i32
      %add3A_516 = arith.addi %mul3A_514, %add3A_515 : i32
      %swap3A = arith.index_cast %add3A_516 : i32 to index
      %swap3A_517 = tpu.vector_load %arg7[%swap3A] {strides = array<i32>} : memref<32768xf32, #tpu.memory_space<vmem>>, vector<16xf32>,
      tpu.vector_store %arg7[%swap3A], %gather3A_498 {strides = array<i32>} : memref<32768xf32, #tpu.memory_space<vmem>>, vector<16xf32>,
      %mul3A_518 = arith.constant 128 : i32
      %mul3A_519 = arith.muli %scan3A_495, %mul3A_518 : i32
      %add3A_520 = arith.constant 16 : i32
      %add3A_521 = arith.addi %mul3A_519, %add3A_520 : i32
      %swap3A_522 = arith.index_cast %add3A_521 : i32 to index
      %swap3A_523 = tpu.vector_load %arg7[%swap3A_522] {strides = array<i32>} : memref<32768xf32, #tpu.memory_space<vmem>>, vector<16xf32>,
      tpu.vector_store %arg7[%swap3A_522], %gather3A_500 {strides = array<i32>} : memref<32768xf32, #tpu.memory_space<vmem>>, vector<16xf32>,
      %mul3A_524 = arith.constant 128 : i32
      %mul3A_525 = arith.muli %scan3A_495, %mul3A_524 : i32
      %add3A_526 = arith.constant 32 : i32
      %add3A_527 = arith.addi %mul3A_525, %add3A_526 : i32
      %swap3A_528 = arith.index_cast %add3A_527 : i32 to index
      %swap3A_529 = tpu.vector_load %arg7[%swap3A_528] {strides = array<i32>} : memref<32768xf32, #tpu.memory_space<vmem>>, vector<16xf32>,
      tpu.vector_store %arg7[%swap3A_528], %gather3A_502 {strides = array<i32>} : memref<32768xf32, #tpu.memory_space<vmem>>, vector<16xf32>,
      %mul3A_530 = arith.constant 128 : i32
      %mul3A_531 = arith.muli %scan3A_495, %mul3A_530 : i32
      %add3A_532 = arith.constant 48 : i32
      %add3A_533 = arith.addi %mul3A_531, %add3A_532 : i32
      %swap3A_534 = arith.index_cast %add3A_533 : i32 to index
      %swap3A_535 = tpu.vector_load %arg7[%swap3A_534] {strides = array<i32>} : memref<32768xf32, #tpu.memory_space<vmem>>, vector<16xf32>,
      tpu.vector_store %arg7[%swap3A_534], %gather3A_504 {strides = array<i32>} : memref<32768xf32, #tpu.memory_space<vmem>>, vector<16xf32>,
      %mul3A_536 = arith.constant 128 : i32
      %mul3A_537 = arith.muli %scan3A_495, %mul3A_536 : i32
      %add3A_538 = arith.constant 64 : i32
      %add3A_539 = arith.addi %mul3A_537, %add3A_538 : i32
      %swap3A_540 = arith.index_cast %add3A_539 : i32 to index
      %swap3A_541 = tpu.vector_load %arg7[%swap3A_540] {strides = array<i32>} : memref<32768xf32, #tpu.memory_space<vmem>>, vector<16xf32>,
      tpu.vector_store %arg7[%swap3A_540], %gather3A_506 {strides = array<i32>} : memref<32768xf32, #tpu.memory_space<vmem>>, vector<16xf32>,
      %mul3A_542 = arith.constant 128 : i32
      %mul3A_543 = arith.muli %scan3A_495, %mul3A_542 : i32
      %add3A_544 = arith.constant 80 : i32
      %add3A_545 = arith.addi %mul3A_543, %add3A_544 : i32
      %swap3A_546 = arith.index_cast %add3A_545 : i32 to index
      %swap3A_547 = tpu.vector_load %arg7[%swap3A_546] {strides = array<i32>} : memref<32768xf32, #tpu.memory_space<vmem>>, vector<16xf32>,
      tpu.vector_store %arg7[%swap3A_546], %gather3A_508 {strides = array<i32>} : memref<32768xf32, #tpu.memory_space<vmem>>, vector<16xf32>,
      %mul3A_548 = arith.constant 128 : i32
      %mul3A_549 = arith.muli %scan3A_495, %mul3A_548 : i32
      %add3A_550 = arith.constant 96 : i32
      %add3A_551 = arith.addi %mul3A_549, %add3A_550 : i32
      %swap3A_552 = arith.index_cast %add3A_551 : i32 to index
      %swap3A_553 = tpu.vector_load %arg7[%swap3A_552] {strides = array<i32>} : memref<32768xf32, #tpu.memory_space<vmem>>, vector<16xf32>,
      tpu.vector_store %arg7[%swap3A_552], %gather3A_510 {strides = array<i32>} : memref<32768xf32, #tpu.memory_space<vmem>>, vector<16xf32>,
      %mul3A_554 = arith.constant 128 : i32
      %mul3A_555 = arith.muli %scan3A_495, %mul3A_554 : i32
      %add3A_556 = arith.constant 112 : i32
      %add3A_557 = arith.addi %mul3A_555, %add3A_556 : i32
      %swap3A_558 = arith.index_cast %add3A_557 : i32 to index
      %swap3A_559 = tpu.vector_load %arg7[%swap3A_558] {strides = array<i32>} : memref<32768xf32, #tpu.memory_space<vmem>>, vector<16xf32>,
      tpu.vector_store %arg7[%swap3A_558], %gather3A_512 {strides = array<i32>} : memref<32768xf32, #tpu.memory_space<vmem>>, vector<16xf32>,
    }
    %scan3A_332 = arith.constant 256 : i32
    %add3A_333 = arith.constant 2560 : i32
    %add3A_334 = arith.addi %mul3A_2, %add3A_333 : i32
    %mul3A_335 = arith.constant 128 : i32
    %mul3A_336 = arith.muli %add3A_334, %mul3A_335 : i32
    %dma_start3A_337 = tpu.memref_slice %arg4[%mul3A_336] : memref<16777216xf32, #tpu.memory_space<hbm>> -> memref<32768xf32, #tpu.memory_space<hbm>>
    %dma_start3A_338 = tpu.memref_slice %arg4[%mul3A_336] : memref<16777216xf32, #tpu.memory_space<hbm>> -> memref<32768xf32, #tpu.memory_space<hbm>>
    tpu.enqueue_dma source(%arg7 : memref<32768xf32, #tpu.memory_space<vmem>>) target(%dma_start3A_338 : memref<32768xf32, #tpu.memory_space<hbm>>) target_semaphore(%arg13 : memref<!tpu.dma_semaphore, #tpu.memory_space<semaphore_mem>>)
    %add3A_339 = arith.constant 2304 : i32
    %add3A_340 = arith.addi %mul3A_2, %add3A_339 : i32
    %mul3A_341 = arith.constant 128 : i32
    %mul3A_342 = arith.muli %add3A_340, %mul3A_341 : i32
    %dma_wait3A_343 = tpu.memref_slice %arg4[%mul3A_342] : memref<16777216xf32, #tpu.memory_space<hbm>> -> memref<32768xf32, #tpu.memory_space<hbm>>
    %dma_wait3A_344 = tpu.memref_slice %arg4[%mul3A_342] : memref<16777216xf32, #tpu.memory_space<hbm>> -> memref<32768xf32, #tpu.memory_space<hbm>>
    tpu.wait_dma2 semaphore(%arg12 : memref<!tpu.dma_semaphore, #tpu.memory_space<semaphore_mem>>) src(%arg6 : memref<32768xf32, #tpu.memory_space<vmem>>) dst(%dma_wait3A_344 : memref<32768xf32, #tpu.memory_space<hbm>>)
    %add3A_345 = arith.constant 3072 : i32
    %add3A_346 = arith.addi %mul3A_2, %add3A_345 : i32
    %mul3A_347 = arith.constant 128 : i32
    %mul3A_348 = arith.muli %add3A_346, %mul3A_347 : i32
    %dma_start3A_349 = tpu.memref_slice %arg2[%mul3A_348] : memref<16777216xf32, #tpu.memory_space<hbm>> -> memref<32768xf32, #tpu.memory_space<hbm>>
    %dma_start3A_350 = tpu.memref_slice %arg2[%mul3A_348] : memref<16777216xf32, #tpu.memory_space<hbm>> -> memref<32768xf32, #tpu.memory_space<hbm>>
    tpu.enqueue_dma source(%dma_start3A_350 : memref<32768xf32, #tpu.memory_space<hbm>>) target(%arg6 : memref<32768xf32, #tpu.memory_space<vmem>>) target_semaphore(%arg9 : memref<!tpu.dma_semaphore, #tpu.memory_space<semaphore_mem>>)
    %add3A_351 = arith.constant 2816 : i32
    %add3A_352 = arith.addi %mul3A_2, %add3A_351 : i32
    %mul3A_353 = arith.constant 128 : i32
    %mul3A_354 = arith.muli %add3A_352, %mul3A_353 : i32
    %dma_wait3A_355 = tpu.memref_slice %arg2[%mul3A_354] : memref<16777216xf32, #tpu.memory_space<hbm>> -> memref<32768xf32, #tpu.memory_space<hbm>>
    %dma_wait3A_356 = tpu.memref_slice %arg2[%mul3A_354] : memref<16777216xf32, #tpu.memory_space<hbm>> -> memref<32768xf32, #tpu.memory_space<hbm>>
    tpu.wait_dma2 semaphore(%arg11 : memref<!tpu.dma_semaphore, #tpu.memory_space<semaphore_mem>>) src(%dma_wait3A_356 : memref<32768xf32, #tpu.memory_space<hbm>>) dst(%arg8 : memref<32768xf32, #tpu.memory_space<vmem>>)
    %scan3A_357 = arith.constant 0 : i32
    %scan3A_358 = arith.constant 0 : i32
    %scan3A_359 = arith.constant 256 : i32
    %scan3A_360 = arith.addi %scan3A_358, %scan3A_359 : i32
    %scan3A_361 = arith.constant 1 : i32
    scf.for %scan3A_495 = %scan3A_358 to %scan3A_360 step %scan3A_361  : i32 {
      %mul3A_496 = arith.constant 128 : i32
      %mul3A_497 = arith.muli %scan3A_495, %mul3A_496 : i32
      %gather3A = tpu.memref_slice %arg8[%mul3A_497] : memref<32768xf32, #tpu.memory_space<vmem>> -> memref<128xf32, #tpu.memory_space<vmem>>
      %gather3A_498 = tpu.vector_load_idx %gather3A[%get3A_3] : memref<128xf32, #tpu.memory_space<vmem>>[vector<16xi32>], vector<16xf32>,
      %gather3A_499 = tpu.memref_slice %arg8[%mul3A_497] : memref<32768xf32, #tpu.memory_space<vmem>> -> memref<128xf32, #tpu.memory_space<vmem>>
      %gather3A_500 = tpu.vector_load_idx %gather3A_499[%get3A_5] : memref<128xf32, #tpu.memory_space<vmem>>[vector<16xi32>], vector<16xf32>,
      %gather3A_501 = tpu.memref_slice %arg8[%mul3A_497] : memref<32768xf32, #tpu.memory_space<vmem>> -> memref<128xf32, #tpu.memory_space<vmem>>
      %gather3A_502 = tpu.vector_load_idx %gather3A_501[%get3A_7] : memref<128xf32, #tpu.memory_space<vmem>>[vector<16xi32>], vector<16xf32>,
      %gather3A_503 = tpu.memref_slice %arg8[%mul3A_497] : memref<32768xf32, #tpu.memory_space<vmem>> -> memref<128xf32, #tpu.memory_space<vmem>>
      %gather3A_504 = tpu.vector_load_idx %gather3A_503[%get3A_9] : memref<128xf32, #tpu.memory_space<vmem>>[vector<16xi32>], vector<16xf32>,
      %gather3A_505 = tpu.memref_slice %arg8[%mul3A_497] : memref<32768xf32, #tpu.memory_space<vmem>> -> memref<128xf32, #tpu.memory_space<vmem>>
      %gather3A_506 = tpu.vector_load_idx %gather3A_505[%get3A_11] : memref<128xf32, #tpu.memory_space<vmem>>[vector<16xi32>], vector<16xf32>,
      %gather3A_507 = tpu.memref_slice %arg8[%mul3A_497] : memref<32768xf32, #tpu.memory_space<vmem>> -> memref<128xf32, #tpu.memory_space<vmem>>
      %gather3A_508 = tpu.vector_load_idx %gather3A_507[%get3A_13] : memref<128xf32, #tpu.memory_space<vmem>>[vector<16xi32>], vector<16xf32>,
      %gather3A_509 = tpu.memref_slice %arg8[%mul3A_497] : memref<32768xf32, #tpu.memory_space<vmem>> -> memref<128xf32, #tpu.memory_space<vmem>>
      %gather3A_510 = tpu.vector_load_idx %gather3A_509[%get3A_15] : memref<128xf32, #tpu.memory_space<vmem>>[vector<16xi32>], vector<16xf32>,
      %gather3A_511 = tpu.memref_slice %arg8[%mul3A_497] : memref<32768xf32, #tpu.memory_space<vmem>> -> memref<128xf32, #tpu.memory_space<vmem>>
      %gather3A_512 = tpu.vector_load_idx %gather3A_511[%get3A_17] : memref<128xf32, #tpu.memory_space<vmem>>[vector<16xi32>], vector<16xf32>,
      %mul3A_513 = arith.constant 128 : i32
      %mul3A_514 = arith.muli %scan3A_495, %mul3A_513 : i32
      %add3A_515 = arith.constant 0 : i32
      %add3A_516 = arith.addi %mul3A_514, %add3A_515 : i32
      %swap3A = arith.index_cast %add3A_516 : i32 to index
      %swap3A_517 = tpu.vector_load %arg8[%swap3A] {strides = array<i32>} : memref<32768xf32, #tpu.memory_space<vmem>>, vector<16xf32>,
      tpu.vector_store %arg8[%swap3A], %gather3A_498 {strides = array<i32>} : memref<32768xf32, #tpu.memory_space<vmem>>, vector<16xf32>,
      %mul3A_518 = arith.constant 128 : i32
      %mul3A_519 = arith.muli %scan3A_495, %mul3A_518 : i32
      %add3A_520 = arith.constant 16 : i32
      %add3A_521 = arith.addi %mul3A_519, %add3A_520 : i32
      %swap3A_522 = arith.index_cast %add3A_521 : i32 to index
      %swap3A_523 = tpu.vector_load %arg8[%swap3A_522] {strides = array<i32>} : memref<32768xf32, #tpu.memory_space<vmem>>, vector<16xf32>,
      tpu.vector_store %arg8[%swap3A_522], %gather3A_500 {strides = array<i32>} : memref<32768xf32, #tpu.memory_space<vmem>>, vector<16xf32>,
      %mul3A_524 = arith.constant 128 : i32
      %mul3A_525 = arith.muli %scan3A_495, %mul3A_524 : i32
      %add3A_526 = arith.constant 32 : i32
      %add3A_527 = arith.addi %mul3A_525, %add3A_526 : i32
      %swap3A_528 = arith.index_cast %add3A_527 : i32 to index
      %swap3A_529 = tpu.vector_load %arg8[%swap3A_528] {strides = array<i32>} : memref<32768xf32, #tpu.memory_space<vmem>>, vector<16xf32>,
      tpu.vector_store %arg8[%swap3A_528], %gather3A_502 {strides = array<i32>} : memref<32768xf32, #tpu.memory_space<vmem>>, vector<16xf32>,
      %mul3A_530 = arith.constant 128 : i32
      %mul3A_531 = arith.muli %scan3A_495, %mul3A_530 : i32
      %add3A_532 = arith.constant 48 : i32
      %add3A_533 = arith.addi %mul3A_531, %add3A_532 : i32
      %swap3A_534 = arith.index_cast %add3A_533 : i32 to index
      %swap3A_535 = tpu.vector_load %arg8[%swap3A_534] {strides = array<i32>} : memref<32768xf32, #tpu.memory_space<vmem>>, vector<16xf32>,
      tpu.vector_store %arg8[%swap3A_534], %gather3A_504 {strides = array<i32>} : memref<32768xf32, #tpu.memory_space<vmem>>, vector<16xf32>,
      %mul3A_536 = arith.constant 128 : i32
      %mul3A_537 = arith.muli %scan3A_495, %mul3A_536 : i32
      %add3A_538 = arith.constant 64 : i32
      %add3A_539 = arith.addi %mul3A_537, %add3A_538 : i32
      %swap3A_540 = arith.index_cast %add3A_539 : i32 to index
      %swap3A_541 = tpu.vector_load %arg8[%swap3A_540] {strides = array<i32>} : memref<32768xf32, #tpu.memory_space<vmem>>, vector<16xf32>,
      tpu.vector_store %arg8[%swap3A_540], %gather3A_506 {strides = array<i32>} : memref<32768xf32, #tpu.memory_space<vmem>>, vector<16xf32>,
      %mul3A_542 = arith.constant 128 : i32
      %mul3A_543 = arith.muli %scan3A_495, %mul3A_542 : i32
      %add3A_544 = arith.constant 80 : i32
      %add3A_545 = arith.addi %mul3A_543, %add3A_544 : i32
      %swap3A_546 = arith.index_cast %add3A_545 : i32 to index
      %swap3A_547 = tpu.vector_load %arg8[%swap3A_546] {strides = array<i32>} : memref<32768xf32, #tpu.memory_space<vmem>>, vector<16xf32>,
      tpu.vector_store %arg8[%swap3A_546], %gather3A_508 {strides = array<i32>} : memref<32768xf32, #tpu.memory_space<vmem>>, vector<16xf32>,
      %mul3A_548 = arith.constant 128 : i32
      %mul3A_549 = arith.muli %scan3A_495, %mul3A_548 : i32
      %add3A_550 = arith.constant 96 : i32
      %add3A_551 = arith.addi %mul3A_549, %add3A_550 : i32
      %swap3A_552 = arith.index_cast %add3A_551 : i32 to index
      %swap3A_553 = tpu.vector_load %arg8[%swap3A_552] {strides = array<i32>} : memref<32768xf32, #tpu.memory_space<vmem>>, vector<16xf32>,
      tpu.vector_store %arg8[%swap3A_552], %gather3A_510 {strides = array<i32>} : memref<32768xf32, #tpu.memory_space<vmem>>, vector<16xf32>,
      %mul3A_554 = arith.constant 128 : i32
      %mul3A_555 = arith.muli %scan3A_495, %mul3A_554 : i32
      %add3A_556 = arith.constant 112 : i32
      %add3A_557 = arith.addi %mul3A_555, %add3A_556 : i32
      %swap3A_558 = arith.index_cast %add3A_557 : i32 to index
      %swap3A_559 = tpu.vector_load %arg8[%swap3A_558] {strides = array<i32>} : memref<32768xf32, #tpu.memory_space<vmem>>, vector<16xf32>,
      tpu.vector_store %arg8[%swap3A_558], %gather3A_512 {strides = array<i32>} : memref<32768xf32, #tpu.memory_space<vmem>>, vector<16xf32>,
    }
    %scan3A_362 = arith.constant 256 : i32
    %add3A_363 = arith.constant 2816 : i32
    %add3A_364 = arith.addi %mul3A_2, %add3A_363 : i32
    %mul3A_365 = arith.constant 128 : i32
    %mul3A_366 = arith.muli %add3A_364, %mul3A_365 : i32
    %dma_start3A_367 = tpu.memref_slice %arg4[%mul3A_366] : memref<16777216xf32, #tpu.memory_space<hbm>> -> memref<32768xf32, #tpu.memory_space<hbm>>
    %dma_start3A_368 = tpu.memref_slice %arg4[%mul3A_366] : memref<16777216xf32, #tpu.memory_space<hbm>> -> memref<32768xf32, #tpu.memory_space<hbm>>
    tpu.enqueue_dma source(%arg8 : memref<32768xf32, #tpu.memory_space<vmem>>) target(%dma_start3A_368 : memref<32768xf32, #tpu.memory_space<hbm>>) target_semaphore(%arg14 : memref<!tpu.dma_semaphore, #tpu.memory_space<semaphore_mem>>)
    %add3A_369 = arith.constant 2560 : i32
    %add3A_370 = arith.addi %mul3A_2, %add3A_369 : i32
    %mul3A_371 = arith.constant 128 : i32
    %mul3A_372 = arith.muli %add3A_370, %mul3A_371 : i32
    %dma_wait3A_373 = tpu.memref_slice %arg4[%mul3A_372] : memref<16777216xf32, #tpu.memory_space<hbm>> -> memref<32768xf32, #tpu.memory_space<hbm>>
    %dma_wait3A_374 = tpu.memref_slice %arg4[%mul3A_372] : memref<16777216xf32, #tpu.memory_space<hbm>> -> memref<32768xf32, #tpu.memory_space<hbm>>
    tpu.wait_dma2 semaphore(%arg13 : memref<!tpu.dma_semaphore, #tpu.memory_space<semaphore_mem>>) src(%arg7 : memref<32768xf32, #tpu.memory_space<vmem>>) dst(%dma_wait3A_374 : memref<32768xf32, #tpu.memory_space<hbm>>)
    %add3A_375 = arith.constant 3328 : i32
    %add3A_376 = arith.addi %mul3A_2, %add3A_375 : i32
    %mul3A_377 = arith.constant 128 : i32
    %mul3A_378 = arith.muli %add3A_376, %mul3A_377 : i32
    %dma_start3A_379 = tpu.memref_slice %arg2[%mul3A_378] : memref<16777216xf32, #tpu.memory_space<hbm>> -> memref<32768xf32, #tpu.memory_space<hbm>>
    %dma_start3A_380 = tpu.memref_slice %arg2[%mul3A_378] : memref<16777216xf32, #tpu.memory_space<hbm>> -> memref<32768xf32, #tpu.memory_space<hbm>>
    tpu.enqueue_dma source(%dma_start3A_380 : memref<32768xf32, #tpu.memory_space<hbm>>) target(%arg7 : memref<32768xf32, #tpu.memory_space<vmem>>) target_semaphore(%arg10 : memref<!tpu.dma_semaphore, #tpu.memory_space<semaphore_mem>>)
    %add3A_381 = arith.constant 3072 : i32
    %add3A_382 = arith.addi %mul3A_2, %add3A_381 : i32
    %mul3A_383 = arith.constant 128 : i32
    %mul3A_384 = arith.muli %add3A_382, %mul3A_383 : i32
    %dma_wait3A_385 = tpu.memref_slice %arg2[%mul3A_384] : memref<16777216xf32, #tpu.memory_space<hbm>> -> memref<32768xf32, #tpu.memory_space<hbm>>
    %dma_wait3A_386 = tpu.memref_slice %arg2[%mul3A_384] : memref<16777216xf32, #tpu.memory_space<hbm>> -> memref<32768xf32, #tpu.memory_space<hbm>>
    tpu.wait_dma2 semaphore(%arg9 : memref<!tpu.dma_semaphore, #tpu.memory_space<semaphore_mem>>) src(%dma_wait3A_386 : memref<32768xf32, #tpu.memory_space<hbm>>) dst(%arg6 : memref<32768xf32, #tpu.memory_space<vmem>>)
    %scan3A_387 = arith.constant 0 : i32
    %scan3A_388 = arith.constant 0 : i32
    %scan3A_389 = arith.constant 256 : i32
    %scan3A_390 = arith.addi %scan3A_388, %scan3A_389 : i32
    %scan3A_391 = arith.constant 1 : i32
    scf.for %scan3A_495 = %scan3A_388 to %scan3A_390 step %scan3A_391  : i32 {
      %mul3A_496 = arith.constant 128 : i32
      %mul3A_497 = arith.muli %scan3A_495, %mul3A_496 : i32
      %gather3A = tpu.memref_slice %arg6[%mul3A_497] : memref<32768xf32, #tpu.memory_space<vmem>> -> memref<128xf32, #tpu.memory_space<vmem>>
      %gather3A_498 = tpu.vector_load_idx %gather3A[%get3A_3] : memref<128xf32, #tpu.memory_space<vmem>>[vector<16xi32>], vector<16xf32>,
      %gather3A_499 = tpu.memref_slice %arg6[%mul3A_497] : memref<32768xf32, #tpu.memory_space<vmem>> -> memref<128xf32, #tpu.memory_space<vmem>>
      %gather3A_500 = tpu.vector_load_idx %gather3A_499[%get3A_5] : memref<128xf32, #tpu.memory_space<vmem>>[vector<16xi32>], vector<16xf32>,
      %gather3A_501 = tpu.memref_slice %arg6[%mul3A_497] : memref<32768xf32, #tpu.memory_space<vmem>> -> memref<128xf32, #tpu.memory_space<vmem>>
      %gather3A_502 = tpu.vector_load_idx %gather3A_501[%get3A_7] : memref<128xf32, #tpu.memory_space<vmem>>[vector<16xi32>], vector<16xf32>,
      %gather3A_503 = tpu.memref_slice %arg6[%mul3A_497] : memref<32768xf32, #tpu.memory_space<vmem>> -> memref<128xf32, #tpu.memory_space<vmem>>
      %gather3A_504 = tpu.vector_load_idx %gather3A_503[%get3A_9] : memref<128xf32, #tpu.memory_space<vmem>>[vector<16xi32>], vector<16xf32>,
      %gather3A_505 = tpu.memref_slice %arg6[%mul3A_497] : memref<32768xf32, #tpu.memory_space<vmem>> -> memref<128xf32, #tpu.memory_space<vmem>>
      %gather3A_506 = tpu.vector_load_idx %gather3A_505[%get3A_11] : memref<128xf32, #tpu.memory_space<vmem>>[vector<16xi32>], vector<16xf32>,
      %gather3A_507 = tpu.memref_slice %arg6[%mul3A_497] : memref<32768xf32, #tpu.memory_space<vmem>> -> memref<128xf32, #tpu.memory_space<vmem>>
      %gather3A_508 = tpu.vector_load_idx %gather3A_507[%get3A_13] : memref<128xf32, #tpu.memory_space<vmem>>[vector<16xi32>], vector<16xf32>,
      %gather3A_509 = tpu.memref_slice %arg6[%mul3A_497] : memref<32768xf32, #tpu.memory_space<vmem>> -> memref<128xf32, #tpu.memory_space<vmem>>
      %gather3A_510 = tpu.vector_load_idx %gather3A_509[%get3A_15] : memref<128xf32, #tpu.memory_space<vmem>>[vector<16xi32>], vector<16xf32>,
      %gather3A_511 = tpu.memref_slice %arg6[%mul3A_497] : memref<32768xf32, #tpu.memory_space<vmem>> -> memref<128xf32, #tpu.memory_space<vmem>>
      %gather3A_512 = tpu.vector_load_idx %gather3A_511[%get3A_17] : memref<128xf32, #tpu.memory_space<vmem>>[vector<16xi32>], vector<16xf32>,
      %mul3A_513 = arith.constant 128 : i32
      %mul3A_514 = arith.muli %scan3A_495, %mul3A_513 : i32
      %add3A_515 = arith.constant 0 : i32
      %add3A_516 = arith.addi %mul3A_514, %add3A_515 : i32
      %swap3A = arith.index_cast %add3A_516 : i32 to index
      %swap3A_517 = tpu.vector_load %arg6[%swap3A] {strides = array<i32>} : memref<32768xf32, #tpu.memory_space<vmem>>, vector<16xf32>,
      tpu.vector_store %arg6[%swap3A], %gather3A_498 {strides = array<i32>} : memref<32768xf32, #tpu.memory_space<vmem>>, vector<16xf32>,
      %mul3A_518 = arith.constant 128 : i32
      %mul3A_519 = arith.muli %scan3A_495, %mul3A_518 : i32
      %add3A_520 = arith.constant 16 : i32
      %add3A_521 = arith.addi %mul3A_519, %add3A_520 : i32
      %swap3A_522 = arith.index_cast %add3A_521 : i32 to index
      %swap3A_523 = tpu.vector_load %arg6[%swap3A_522] {strides = array<i32>} : memref<32768xf32, #tpu.memory_space<vmem>>, vector<16xf32>,
      tpu.vector_store %arg6[%swap3A_522], %gather3A_500 {strides = array<i32>} : memref<32768xf32, #tpu.memory_space<vmem>>, vector<16xf32>,
      %mul3A_524 = arith.constant 128 : i32
      %mul3A_525 = arith.muli %scan3A_495, %mul3A_524 : i32
      %add3A_526 = arith.constant 32 : i32
      %add3A_527 = arith.addi %mul3A_525, %add3A_526 : i32
      %swap3A_528 = arith.index_cast %add3A_527 : i32 to index
      %swap3A_529 = tpu.vector_load %arg6[%swap3A_528] {strides = array<i32>} : memref<32768xf32, #tpu.memory_space<vmem>>, vector<16xf32>,
      tpu.vector_store %arg6[%swap3A_528], %gather3A_502 {strides = array<i32>} : memref<32768xf32, #tpu.memory_space<vmem>>, vector<16xf32>,
      %mul3A_530 = arith.constant 128 : i32
      %mul3A_531 = arith.muli %scan3A_495, %mul3A_530 : i32
      %add3A_532 = arith.constant 48 : i32
      %add3A_533 = arith.addi %mul3A_531, %add3A_532 : i32
      %swap3A_534 = arith.index_cast %add3A_533 : i32 to index
      %swap3A_535 = tpu.vector_load %arg6[%swap3A_534] {strides = array<i32>} : memref<32768xf32, #tpu.memory_space<vmem>>, vector<16xf32>,
      tpu.vector_store %arg6[%swap3A_534], %gather3A_504 {strides = array<i32>} : memref<32768xf32, #tpu.memory_space<vmem>>, vector<16xf32>,
      %mul3A_536 = arith.constant 128 : i32
      %mul3A_537 = arith.muli %scan3A_495, %mul3A_536 : i32
      %add3A_538 = arith.constant 64 : i32
      %add3A_539 = arith.addi %mul3A_537, %add3A_538 : i32
      %swap3A_540 = arith.index_cast %add3A_539 : i32 to index
      %swap3A_541 = tpu.vector_load %arg6[%swap3A_540] {strides = array<i32>} : memref<32768xf32, #tpu.memory_space<vmem>>, vector<16xf32>,
      tpu.vector_store %arg6[%swap3A_540], %gather3A_506 {strides = array<i32>} : memref<32768xf32, #tpu.memory_space<vmem>>, vector<16xf32>,
      %mul3A_542 = arith.constant 128 : i32
      %mul3A_543 = arith.muli %scan3A_495, %mul3A_542 : i32
      %add3A_544 = arith.constant 80 : i32
      %add3A_545 = arith.addi %mul3A_543, %add3A_544 : i32
      %swap3A_546 = arith.index_cast %add3A_545 : i32 to index
      %swap3A_547 = tpu.vector_load %arg6[%swap3A_546] {strides = array<i32>} : memref<32768xf32, #tpu.memory_space<vmem>>, vector<16xf32>,
      tpu.vector_store %arg6[%swap3A_546], %gather3A_508 {strides = array<i32>} : memref<32768xf32, #tpu.memory_space<vmem>>, vector<16xf32>,
      %mul3A_548 = arith.constant 128 : i32
      %mul3A_549 = arith.muli %scan3A_495, %mul3A_548 : i32
      %add3A_550 = arith.constant 96 : i32
      %add3A_551 = arith.addi %mul3A_549, %add3A_550 : i32
      %swap3A_552 = arith.index_cast %add3A_551 : i32 to index
      %swap3A_553 = tpu.vector_load %arg6[%swap3A_552] {strides = array<i32>} : memref<32768xf32, #tpu.memory_space<vmem>>, vector<16xf32>,
      tpu.vector_store %arg6[%swap3A_552], %gather3A_510 {strides = array<i32>} : memref<32768xf32, #tpu.memory_space<vmem>>, vector<16xf32>,
      %mul3A_554 = arith.constant 128 : i32
      %mul3A_555 = arith.muli %scan3A_495, %mul3A_554 : i32
      %add3A_556 = arith.constant 112 : i32
      %add3A_557 = arith.addi %mul3A_555, %add3A_556 : i32
      %swap3A_558 = arith.index_cast %add3A_557 : i32 to index
      %swap3A_559 = tpu.vector_load %arg6[%swap3A_558] {strides = array<i32>} : memref<32768xf32, #tpu.memory_space<vmem>>, vector<16xf32>,
      tpu.vector_store %arg6[%swap3A_558], %gather3A_512 {strides = array<i32>} : memref<32768xf32, #tpu.memory_space<vmem>>, vector<16xf32>,
    }
    %scan3A_392 = arith.constant 256 : i32
    %add3A_393 = arith.constant 3072 : i32
    %add3A_394 = arith.addi %mul3A_2, %add3A_393 : i32
    %mul3A_395 = arith.constant 128 : i32
    %mul3A_396 = arith.muli %add3A_394, %mul3A_395 : i32
    %dma_start3A_397 = tpu.memref_slice %arg4[%mul3A_396] : memref<16777216xf32, #tpu.memory_space<hbm>> -> memref<32768xf32, #tpu.memory_space<hbm>>
    %dma_start3A_398 = tpu.memref_slice %arg4[%mul3A_396] : memref<16777216xf32, #tpu.memory_space<hbm>> -> memref<32768xf32, #tpu.memory_space<hbm>>
    tpu.enqueue_dma source(%arg6 : memref<32768xf32, #tpu.memory_space<vmem>>) target(%dma_start3A_398 : memref<32768xf32, #tpu.memory_space<hbm>>) target_semaphore(%arg12 : memref<!tpu.dma_semaphore, #tpu.memory_space<semaphore_mem>>)
    %add3A_399 = arith.constant 2816 : i32
    %add3A_400 = arith.addi %mul3A_2, %add3A_399 : i32
    %mul3A_401 = arith.constant 128 : i32
    %mul3A_402 = arith.muli %add3A_400, %mul3A_401 : i32
    %dma_wait3A_403 = tpu.memref_slice %arg4[%mul3A_402] : memref<16777216xf32, #tpu.memory_space<hbm>> -> memref<32768xf32, #tpu.memory_space<hbm>>
    %dma_wait3A_404 = tpu.memref_slice %arg4[%mul3A_402] : memref<16777216xf32, #tpu.memory_space<hbm>> -> memref<32768xf32, #tpu.memory_space<hbm>>
    tpu.wait_dma2 semaphore(%arg14 : memref<!tpu.dma_semaphore, #tpu.memory_space<semaphore_mem>>) src(%arg8 : memref<32768xf32, #tpu.memory_space<vmem>>) dst(%dma_wait3A_404 : memref<32768xf32, #tpu.memory_space<hbm>>)
    %add3A_405 = arith.constant 3584 : i32
    %add3A_406 = arith.addi %mul3A_2, %add3A_405 : i32
    %mul3A_407 = arith.constant 128 : i32
    %mul3A_408 = arith.muli %add3A_406, %mul3A_407 : i32
    %dma_start3A_409 = tpu.memref_slice %arg2[%mul3A_408] : memref<16777216xf32, #tpu.memory_space<hbm>> -> memref<32768xf32, #tpu.memory_space<hbm>>
    %dma_start3A_410 = tpu.memref_slice %arg2[%mul3A_408] : memref<16777216xf32, #tpu.memory_space<hbm>> -> memref<32768xf32, #tpu.memory_space<hbm>>
    tpu.enqueue_dma source(%dma_start3A_410 : memref<32768xf32, #tpu.memory_space<hbm>>) target(%arg8 : memref<32768xf32, #tpu.memory_space<vmem>>) target_semaphore(%arg11 : memref<!tpu.dma_semaphore, #tpu.memory_space<semaphore_mem>>)
    %add3A_411 = arith.constant 3328 : i32
    %add3A_412 = arith.addi %mul3A_2, %add3A_411 : i32
    %mul3A_413 = arith.constant 128 : i32
    %mul3A_414 = arith.muli %add3A_412, %mul3A_413 : i32
    %dma_wait3A_415 = tpu.memref_slice %arg2[%mul3A_414] : memref<16777216xf32, #tpu.memory_space<hbm>> -> memref<32768xf32, #tpu.memory_space<hbm>>
    %dma_wait3A_416 = tpu.memref_slice %arg2[%mul3A_414] : memref<16777216xf32, #tpu.memory_space<hbm>> -> memref<32768xf32, #tpu.memory_space<hbm>>
    tpu.wait_dma2 semaphore(%arg10 : memref<!tpu.dma_semaphore, #tpu.memory_space<semaphore_mem>>) src(%dma_wait3A_416 : memref<32768xf32, #tpu.memory_space<hbm>>) dst(%arg7 : memref<32768xf32, #tpu.memory_space<vmem>>)
    %scan3A_417 = arith.constant 0 : i32
    %scan3A_418 = arith.constant 0 : i32
    %scan3A_419 = arith.constant 256 : i32
    %scan3A_420 = arith.addi %scan3A_418, %scan3A_419 : i32
    %scan3A_421 = arith.constant 1 : i32
    scf.for %scan3A_495 = %scan3A_418 to %scan3A_420 step %scan3A_421  : i32 {
      %mul3A_496 = arith.constant 128 : i32
      %mul3A_497 = arith.muli %scan3A_495, %mul3A_496 : i32
      %gather3A = tpu.memref_slice %arg7[%mul3A_497] : memref<32768xf32, #tpu.memory_space<vmem>> -> memref<128xf32, #tpu.memory_space<vmem>>
      %gather3A_498 = tpu.vector_load_idx %gather3A[%get3A_3] : memref<128xf32, #tpu.memory_space<vmem>>[vector<16xi32>], vector<16xf32>,
      %gather3A_499 = tpu.memref_slice %arg7[%mul3A_497] : memref<32768xf32, #tpu.memory_space<vmem>> -> memref<128xf32, #tpu.memory_space<vmem>>
      %gather3A_500 = tpu.vector_load_idx %gather3A_499[%get3A_5] : memref<128xf32, #tpu.memory_space<vmem>>[vector<16xi32>], vector<16xf32>,
      %gather3A_501 = tpu.memref_slice %arg7[%mul3A_497] : memref<32768xf32, #tpu.memory_space<vmem>> -> memref<128xf32, #tpu.memory_space<vmem>>
      %gather3A_502 = tpu.vector_load_idx %gather3A_501[%get3A_7] : memref<128xf32, #tpu.memory_space<vmem>>[vector<16xi32>], vector<16xf32>,
      %gather3A_503 = tpu.memref_slice %arg7[%mul3A_497] : memref<32768xf32, #tpu.memory_space<vmem>> -> memref<128xf32, #tpu.memory_space<vmem>>
      %gather3A_504 = tpu.vector_load_idx %gather3A_503[%get3A_9] : memref<128xf32, #tpu.memory_space<vmem>>[vector<16xi32>], vector<16xf32>,
      %gather3A_505 = tpu.memref_slice %arg7[%mul3A_497] : memref<32768xf32, #tpu.memory_space<vmem>> -> memref<128xf32, #tpu.memory_space<vmem>>
      %gather3A_506 = tpu.vector_load_idx %gather3A_505[%get3A_11] : memref<128xf32, #tpu.memory_space<vmem>>[vector<16xi32>], vector<16xf32>,
      %gather3A_507 = tpu.memref_slice %arg7[%mul3A_497] : memref<32768xf32, #tpu.memory_space<vmem>> -> memref<128xf32, #tpu.memory_space<vmem>>
      %gather3A_508 = tpu.vector_load_idx %gather3A_507[%get3A_13] : memref<128xf32, #tpu.memory_space<vmem>>[vector<16xi32>], vector<16xf32>,
      %gather3A_509 = tpu.memref_slice %arg7[%mul3A_497] : memref<32768xf32, #tpu.memory_space<vmem>> -> memref<128xf32, #tpu.memory_space<vmem>>
      %gather3A_510 = tpu.vector_load_idx %gather3A_509[%get3A_15] : memref<128xf32, #tpu.memory_space<vmem>>[vector<16xi32>], vector<16xf32>,
      %gather3A_511 = tpu.memref_slice %arg7[%mul3A_497] : memref<32768xf32, #tpu.memory_space<vmem>> -> memref<128xf32, #tpu.memory_space<vmem>>
      %gather3A_512 = tpu.vector_load_idx %gather3A_511[%get3A_17] : memref<128xf32, #tpu.memory_space<vmem>>[vector<16xi32>], vector<16xf32>,
      %mul3A_513 = arith.constant 128 : i32
      %mul3A_514 = arith.muli %scan3A_495, %mul3A_513 : i32
      %add3A_515 = arith.constant 0 : i32
      %add3A_516 = arith.addi %mul3A_514, %add3A_515 : i32
      %swap3A = arith.index_cast %add3A_516 : i32 to index
      %swap3A_517 = tpu.vector_load %arg7[%swap3A] {strides = array<i32>} : memref<32768xf32, #tpu.memory_space<vmem>>, vector<16xf32>,
      tpu.vector_store %arg7[%swap3A], %gather3A_498 {strides = array<i32>} : memref<32768xf32, #tpu.memory_space<vmem>>, vector<16xf32>,
      %mul3A_518 = arith.constant 128 : i32
      %mul3A_519 = arith.muli %scan3A_495, %mul3A_518 : i32
      %add3A_520 = arith.constant 16 : i32
      %add3A_521 = arith.addi %mul3A_519, %add3A_520 : i32
      %swap3A_522 = arith.index_cast %add3A_521 : i32 to index
      %swap3A_523 = tpu.vector_load %arg7[%swap3A_522] {strides = array<i32>} : memref<32768xf32, #tpu.memory_space<vmem>>, vector<16xf32>,
      tpu.vector_store %arg7[%swap3A_522], %gather3A_500 {strides = array<i32>} : memref<32768xf32, #tpu.memory_space<vmem>>, vector<16xf32>,
      %mul3A_524 = arith.constant 128 : i32
      %mul3A_525 = arith.muli %scan3A_495, %mul3A_524 : i32
      %add3A_526 = arith.constant 32 : i32
      %add3A_527 = arith.addi %mul3A_525, %add3A_526 : i32
      %swap3A_528 = arith.index_cast %add3A_527 : i32 to index
      %swap3A_529 = tpu.vector_load %arg7[%swap3A_528] {strides = array<i32>} : memref<32768xf32, #tpu.memory_space<vmem>>, vector<16xf32>,
      tpu.vector_store %arg7[%swap3A_528], %gather3A_502 {strides = array<i32>} : memref<32768xf32, #tpu.memory_space<vmem>>, vector<16xf32>,
      %mul3A_530 = arith.constant 128 : i32
      %mul3A_531 = arith.muli %scan3A_495, %mul3A_530 : i32
      %add3A_532 = arith.constant 48 : i32
      %add3A_533 = arith.addi %mul3A_531, %add3A_532 : i32
      %swap3A_534 = arith.index_cast %add3A_533 : i32 to index
      %swap3A_535 = tpu.vector_load %arg7[%swap3A_534] {strides = array<i32>} : memref<32768xf32, #tpu.memory_space<vmem>>, vector<16xf32>,
      tpu.vector_store %arg7[%swap3A_534], %gather3A_504 {strides = array<i32>} : memref<32768xf32, #tpu.memory_space<vmem>>, vector<16xf32>,
      %mul3A_536 = arith.constant 128 : i32
      %mul3A_537 = arith.muli %scan3A_495, %mul3A_536 : i32
      %add3A_538 = arith.constant 64 : i32
      %add3A_539 = arith.addi %mul3A_537, %add3A_538 : i32
      %swap3A_540 = arith.index_cast %add3A_539 : i32 to index
      %swap3A_541 = tpu.vector_load %arg7[%swap3A_540] {strides = array<i32>} : memref<32768xf32, #tpu.memory_space<vmem>>, vector<16xf32>,
      tpu.vector_store %arg7[%swap3A_540], %gather3A_506 {strides = array<i32>} : memref<32768xf32, #tpu.memory_space<vmem>>, vector<16xf32>,
      %mul3A_542 = arith.constant 128 : i32
      %mul3A_543 = arith.muli %scan3A_495, %mul3A_542 : i32
      %add3A_544 = arith.constant 80 : i32
      %add3A_545 = arith.addi %mul3A_543, %add3A_544 : i32
      %swap3A_546 = arith.index_cast %add3A_545 : i32 to index
      %swap3A_547 = tpu.vector_load %arg7[%swap3A_546] {strides = array<i32>} : memref<32768xf32, #tpu.memory_space<vmem>>, vector<16xf32>,
      tpu.vector_store %arg7[%swap3A_546], %gather3A_508 {strides = array<i32>} : memref<32768xf32, #tpu.memory_space<vmem>>, vector<16xf32>,
      %mul3A_548 = arith.constant 128 : i32
      %mul3A_549 = arith.muli %scan3A_495, %mul3A_548 : i32
      %add3A_550 = arith.constant 96 : i32
      %add3A_551 = arith.addi %mul3A_549, %add3A_550 : i32
      %swap3A_552 = arith.index_cast %add3A_551 : i32 to index
      %swap3A_553 = tpu.vector_load %arg7[%swap3A_552] {strides = array<i32>} : memref<32768xf32, #tpu.memory_space<vmem>>, vector<16xf32>,
      tpu.vector_store %arg7[%swap3A_552], %gather3A_510 {strides = array<i32>} : memref<32768xf32, #tpu.memory_space<vmem>>, vector<16xf32>,
      %mul3A_554 = arith.constant 128 : i32
      %mul3A_555 = arith.muli %scan3A_495, %mul3A_554 : i32
      %add3A_556 = arith.constant 112 : i32
      %add3A_557 = arith.addi %mul3A_555, %add3A_556 : i32
      %swap3A_558 = arith.index_cast %add3A_557 : i32 to index
      %swap3A_559 = tpu.vector_load %arg7[%swap3A_558] {strides = array<i32>} : memref<32768xf32, #tpu.memory_space<vmem>>, vector<16xf32>,
      tpu.vector_store %arg7[%swap3A_558], %gather3A_512 {strides = array<i32>} : memref<32768xf32, #tpu.memory_space<vmem>>, vector<16xf32>,
    }
    %scan3A_422 = arith.constant 256 : i32
    %add3A_423 = arith.constant 3328 : i32
    %add3A_424 = arith.addi %mul3A_2, %add3A_423 : i32
    %mul3A_425 = arith.constant 128 : i32
    %mul3A_426 = arith.muli %add3A_424, %mul3A_425 : i32
    %dma_start3A_427 = tpu.memref_slice %arg4[%mul3A_426] : memref<16777216xf32, #tpu.memory_space<hbm>> -> memref<32768xf32, #tpu.memory_space<hbm>>
    %dma_start3A_428 = tpu.memref_slice %arg4[%mul3A_426] : memref<16777216xf32, #tpu.memory_space<hbm>> -> memref<32768xf32, #tpu.memory_space<hbm>>
    tpu.enqueue_dma source(%arg7 : memref<32768xf32, #tpu.memory_space<vmem>>) target(%dma_start3A_428 : memref<32768xf32, #tpu.memory_space<hbm>>) target_semaphore(%arg13 : memref<!tpu.dma_semaphore, #tpu.memory_space<semaphore_mem>>)
    %add3A_429 = arith.constant 3072 : i32
    %add3A_430 = arith.addi %mul3A_2, %add3A_429 : i32
    %mul3A_431 = arith.constant 128 : i32
    %mul3A_432 = arith.muli %add3A_430, %mul3A_431 : i32
    %dma_wait3A_433 = tpu.memref_slice %arg4[%mul3A_432] : memref<16777216xf32, #tpu.memory_space<hbm>> -> memref<32768xf32, #tpu.memory_space<hbm>>
    %dma_wait3A_434 = tpu.memref_slice %arg4[%mul3A_432] : memref<16777216xf32, #tpu.memory_space<hbm>> -> memref<32768xf32, #tpu.memory_space<hbm>>
    tpu.wait_dma2 semaphore(%arg12 : memref<!tpu.dma_semaphore, #tpu.memory_space<semaphore_mem>>) src(%arg6 : memref<32768xf32, #tpu.memory_space<vmem>>) dst(%dma_wait3A_434 : memref<32768xf32, #tpu.memory_space<hbm>>)
    %add3A_435 = arith.constant 3840 : i32
    %add3A_436 = arith.addi %mul3A_2, %add3A_435 : i32
    %mul3A_437 = arith.constant 128 : i32
    %mul3A_438 = arith.muli %add3A_436, %mul3A_437 : i32
    %dma_start3A_439 = tpu.memref_slice %arg2[%mul3A_438] : memref<16777216xf32, #tpu.memory_space<hbm>> -> memref<32768xf32, #tpu.memory_space<hbm>>
    %dma_start3A_440 = tpu.memref_slice %arg2[%mul3A_438] : memref<16777216xf32, #tpu.memory_space<hbm>> -> memref<32768xf32, #tpu.memory_space<hbm>>
    tpu.enqueue_dma source(%dma_start3A_440 : memref<32768xf32, #tpu.memory_space<hbm>>) target(%arg6 : memref<32768xf32, #tpu.memory_space<vmem>>) target_semaphore(%arg9 : memref<!tpu.dma_semaphore, #tpu.memory_space<semaphore_mem>>)
    %add3A_441 = arith.constant 3584 : i32
    %add3A_442 = arith.addi %mul3A_2, %add3A_441 : i32
    %mul3A_443 = arith.constant 128 : i32
    %mul3A_444 = arith.muli %add3A_442, %mul3A_443 : i32
    %dma_wait3A_445 = tpu.memref_slice %arg2[%mul3A_444] : memref<16777216xf32, #tpu.memory_space<hbm>> -> memref<32768xf32, #tpu.memory_space<hbm>>
    %dma_wait3A_446 = tpu.memref_slice %arg2[%mul3A_444] : memref<16777216xf32, #tpu.memory_space<hbm>> -> memref<32768xf32, #tpu.memory_space<hbm>>
    tpu.wait_dma2 semaphore(%arg11 : memref<!tpu.dma_semaphore, #tpu.memory_space<semaphore_mem>>) src(%dma_wait3A_446 : memref<32768xf32, #tpu.memory_space<hbm>>) dst(%arg8 : memref<32768xf32, #tpu.memory_space<vmem>>)
    %scan3A_447 = arith.constant 0 : i32
    %scan3A_448 = arith.constant 0 : i32
    %scan3A_449 = arith.constant 256 : i32
    %scan3A_450 = arith.addi %scan3A_448, %scan3A_449 : i32
    %scan3A_451 = arith.constant 1 : i32
    scf.for %scan3A_495 = %scan3A_448 to %scan3A_450 step %scan3A_451  : i32 {
      %mul3A_496 = arith.constant 128 : i32
      %mul3A_497 = arith.muli %scan3A_495, %mul3A_496 : i32
      %gather3A = tpu.memref_slice %arg8[%mul3A_497] : memref<32768xf32, #tpu.memory_space<vmem>> -> memref<128xf32, #tpu.memory_space<vmem>>
      %gather3A_498 = tpu.vector_load_idx %gather3A[%get3A_3] : memref<128xf32, #tpu.memory_space<vmem>>[vector<16xi32>], vector<16xf32>,
      %gather3A_499 = tpu.memref_slice %arg8[%mul3A_497] : memref<32768xf32, #tpu.memory_space<vmem>> -> memref<128xf32, #tpu.memory_space<vmem>>
      %gather3A_500 = tpu.vector_load_idx %gather3A_499[%get3A_5] : memref<128xf32, #tpu.memory_space<vmem>>[vector<16xi32>], vector<16xf32>,
      %gather3A_501 = tpu.memref_slice %arg8[%mul3A_497] : memref<32768xf32, #tpu.memory_space<vmem>> -> memref<128xf32, #tpu.memory_space<vmem>>
      %gather3A_502 = tpu.vector_load_idx %gather3A_501[%get3A_7] : memref<128xf32, #tpu.memory_space<vmem>>[vector<16xi32>], vector<16xf32>,
      %gather3A_503 = tpu.memref_slice %arg8[%mul3A_497] : memref<32768xf32, #tpu.memory_space<vmem>> -> memref<128xf32, #tpu.memory_space<vmem>>
      %gather3A_504 = tpu.vector_load_idx %gather3A_503[%get3A_9] : memref<128xf32, #tpu.memory_space<vmem>>[vector<16xi32>], vector<16xf32>,
      %gather3A_505 = tpu.memref_slice %arg8[%mul3A_497] : memref<32768xf32, #tpu.memory_space<vmem>> -> memref<128xf32, #tpu.memory_space<vmem>>
      %gather3A_506 = tpu.vector_load_idx %gather3A_505[%get3A_11] : memref<128xf32, #tpu.memory_space<vmem>>[vector<16xi32>], vector<16xf32>,
      %gather3A_507 = tpu.memref_slice %arg8[%mul3A_497] : memref<32768xf32, #tpu.memory_space<vmem>> -> memref<128xf32, #tpu.memory_space<vmem>>
      %gather3A_508 = tpu.vector_load_idx %gather3A_507[%get3A_13] : memref<128xf32, #tpu.memory_space<vmem>>[vector<16xi32>], vector<16xf32>,
      %gather3A_509 = tpu.memref_slice %arg8[%mul3A_497] : memref<32768xf32, #tpu.memory_space<vmem>> -> memref<128xf32, #tpu.memory_space<vmem>>
      %gather3A_510 = tpu.vector_load_idx %gather3A_509[%get3A_15] : memref<128xf32, #tpu.memory_space<vmem>>[vector<16xi32>], vector<16xf32>,
      %gather3A_511 = tpu.memref_slice %arg8[%mul3A_497] : memref<32768xf32, #tpu.memory_space<vmem>> -> memref<128xf32, #tpu.memory_space<vmem>>
      %gather3A_512 = tpu.vector_load_idx %gather3A_511[%get3A_17] : memref<128xf32, #tpu.memory_space<vmem>>[vector<16xi32>], vector<16xf32>,
      %mul3A_513 = arith.constant 128 : i32
      %mul3A_514 = arith.muli %scan3A_495, %mul3A_513 : i32
      %add3A_515 = arith.constant 0 : i32
      %add3A_516 = arith.addi %mul3A_514, %add3A_515 : i32
      %swap3A = arith.index_cast %add3A_516 : i32 to index
      %swap3A_517 = tpu.vector_load %arg8[%swap3A] {strides = array<i32>} : memref<32768xf32, #tpu.memory_space<vmem>>, vector<16xf32>,
      tpu.vector_store %arg8[%swap3A], %gather3A_498 {strides = array<i32>} : memref<32768xf32, #tpu.memory_space<vmem>>, vector<16xf32>,
      %mul3A_518 = arith.constant 128 : i32
      %mul3A_519 = arith.muli %scan3A_495, %mul3A_518 : i32
      %add3A_520 = arith.constant 16 : i32
      %add3A_521 = arith.addi %mul3A_519, %add3A_520 : i32
      %swap3A_522 = arith.index_cast %add3A_521 : i32 to index
      %swap3A_523 = tpu.vector_load %arg8[%swap3A_522] {strides = array<i32>} : memref<32768xf32, #tpu.memory_space<vmem>>, vector<16xf32>,
      tpu.vector_store %arg8[%swap3A_522], %gather3A_500 {strides = array<i32>} : memref<32768xf32, #tpu.memory_space<vmem>>, vector<16xf32>,
      %mul3A_524 = arith.constant 128 : i32
      %mul3A_525 = arith.muli %scan3A_495, %mul3A_524 : i32
      %add3A_526 = arith.constant 32 : i32
      %add3A_527 = arith.addi %mul3A_525, %add3A_526 : i32
      %swap3A_528 = arith.index_cast %add3A_527 : i32 to index
      %swap3A_529 = tpu.vector_load %arg8[%swap3A_528] {strides = array<i32>} : memref<32768xf32, #tpu.memory_space<vmem>>, vector<16xf32>,
      tpu.vector_store %arg8[%swap3A_528], %gather3A_502 {strides = array<i32>} : memref<32768xf32, #tpu.memory_space<vmem>>, vector<16xf32>,
      %mul3A_530 = arith.constant 128 : i32
      %mul3A_531 = arith.muli %scan3A_495, %mul3A_530 : i32
      %add3A_532 = arith.constant 48 : i32
      %add3A_533 = arith.addi %mul3A_531, %add3A_532 : i32
      %swap3A_534 = arith.index_cast %add3A_533 : i32 to index
      %swap3A_535 = tpu.vector_load %arg8[%swap3A_534] {strides = array<i32>} : memref<32768xf32, #tpu.memory_space<vmem>>, vector<16xf32>,
      tpu.vector_store %arg8[%swap3A_534], %gather3A_504 {strides = array<i32>} : memref<32768xf32, #tpu.memory_space<vmem>>, vector<16xf32>,
      %mul3A_536 = arith.constant 128 : i32
      %mul3A_537 = arith.muli %scan3A_495, %mul3A_536 : i32
      %add3A_538 = arith.constant 64 : i32
      %add3A_539 = arith.addi %mul3A_537, %add3A_538 : i32
      %swap3A_540 = arith.index_cast %add3A_539 : i32 to index
      %swap3A_541 = tpu.vector_load %arg8[%swap3A_540] {strides = array<i32>} : memref<32768xf32, #tpu.memory_space<vmem>>, vector<16xf32>,
      tpu.vector_store %arg8[%swap3A_540], %gather3A_506 {strides = array<i32>} : memref<32768xf32, #tpu.memory_space<vmem>>, vector<16xf32>,
      %mul3A_542 = arith.constant 128 : i32
      %mul3A_543 = arith.muli %scan3A_495, %mul3A_542 : i32
      %add3A_544 = arith.constant 80 : i32
      %add3A_545 = arith.addi %mul3A_543, %add3A_544 : i32
      %swap3A_546 = arith.index_cast %add3A_545 : i32 to index
      %swap3A_547 = tpu.vector_load %arg8[%swap3A_546] {strides = array<i32>} : memref<32768xf32, #tpu.memory_space<vmem>>, vector<16xf32>,
      tpu.vector_store %arg8[%swap3A_546], %gather3A_508 {strides = array<i32>} : memref<32768xf32, #tpu.memory_space<vmem>>, vector<16xf32>,
      %mul3A_548 = arith.constant 128 : i32
      %mul3A_549 = arith.muli %scan3A_495, %mul3A_548 : i32
      %add3A_550 = arith.constant 96 : i32
      %add3A_551 = arith.addi %mul3A_549, %add3A_550 : i32
      %swap3A_552 = arith.index_cast %add3A_551 : i32 to index
      %swap3A_553 = tpu.vector_load %arg8[%swap3A_552] {strides = array<i32>} : memref<32768xf32, #tpu.memory_space<vmem>>, vector<16xf32>,
      tpu.vector_store %arg8[%swap3A_552], %gather3A_510 {strides = array<i32>} : memref<32768xf32, #tpu.memory_space<vmem>>, vector<16xf32>,
      %mul3A_554 = arith.constant 128 : i32
      %mul3A_555 = arith.muli %scan3A_495, %mul3A_554 : i32
      %add3A_556 = arith.constant 112 : i32
      %add3A_557 = arith.addi %mul3A_555, %add3A_556 : i32
      %swap3A_558 = arith.index_cast %add3A_557 : i32 to index
      %swap3A_559 = tpu.vector_load %arg8[%swap3A_558] {strides = array<i32>} : memref<32768xf32, #tpu.memory_space<vmem>>, vector<16xf32>,
      tpu.vector_store %arg8[%swap3A_558], %gather3A_512 {strides = array<i32>} : memref<32768xf32, #tpu.memory_space<vmem>>, vector<16xf32>,
    }
    %scan3A_452 = arith.constant 256 : i32
    %add3A_453 = arith.constant 3584 : i32
    %add3A_454 = arith.addi %mul3A_2, %add3A_453 : i32
    %mul3A_455 = arith.constant 128 : i32
    %mul3A_456 = arith.muli %add3A_454, %mul3A_455 : i32
    %dma_start3A_457 = tpu.memref_slice %arg4[%mul3A_456] : memref<16777216xf32, #tpu.memory_space<hbm>> -> memref<32768xf32, #tpu.memory_space<hbm>>
    %dma_start3A_458 = tpu.memref_slice %arg4[%mul3A_456] : memref<16777216xf32, #tpu.memory_space<hbm>> -> memref<32768xf32, #tpu.memory_space<hbm>>
    tpu.enqueue_dma source(%arg8 : memref<32768xf32, #tpu.memory_space<vmem>>) target(%dma_start3A_458 : memref<32768xf32, #tpu.memory_space<hbm>>) target_semaphore(%arg14 : memref<!tpu.dma_semaphore, #tpu.memory_space<semaphore_mem>>)
    %add3A_459 = arith.constant 3840 : i32
    %add3A_460 = arith.addi %mul3A_2, %add3A_459 : i32
    %mul3A_461 = arith.constant 128 : i32
    %mul3A_462 = arith.muli %add3A_460, %mul3A_461 : i32
    %dma_wait3A_463 = tpu.memref_slice %arg2[%mul3A_462] : memref<16777216xf32, #tpu.memory_space<hbm>> -> memref<32768xf32, #tpu.memory_space<hbm>>
    %dma_wait3A_464 = tpu.memref_slice %arg2[%mul3A_462] : memref<16777216xf32, #tpu.memory_space<hbm>> -> memref<32768xf32, #tpu.memory_space<hbm>>
    tpu.wait_dma2 semaphore(%arg9 : memref<!tpu.dma_semaphore, #tpu.memory_space<semaphore_mem>>) src(%dma_wait3A_464 : memref<32768xf32, #tpu.memory_space<hbm>>) dst(%arg6 : memref<32768xf32, #tpu.memory_space<vmem>>)
    %scan3A_465 = arith.constant 0 : i32
    %scan3A_466 = arith.constant 0 : i32
    %scan3A_467 = arith.constant 256 : i32
    %scan3A_468 = arith.addi %scan3A_466, %scan3A_467 : i32
    %scan3A_469 = arith.constant 1 : i32
    scf.for %scan3A_495 = %scan3A_466 to %scan3A_468 step %scan3A_469  : i32 {
      %mul3A_496 = arith.constant 128 : i32
      %mul3A_497 = arith.muli %scan3A_495, %mul3A_496 : i32
      %gather3A = tpu.memref_slice %arg6[%mul3A_497] : memref<32768xf32, #tpu.memory_space<vmem>> -> memref<128xf32, #tpu.memory_space<vmem>>
      %gather3A_498 = tpu.vector_load_idx %gather3A[%get3A_3] : memref<128xf32, #tpu.memory_space<vmem>>[vector<16xi32>], vector<16xf32>,
      %gather3A_499 = tpu.memref_slice %arg6[%mul3A_497] : memref<32768xf32, #tpu.memory_space<vmem>> -> memref<128xf32, #tpu.memory_space<vmem>>
      %gather3A_500 = tpu.vector_load_idx %gather3A_499[%get3A_5] : memref<128xf32, #tpu.memory_space<vmem>>[vector<16xi32>], vector<16xf32>,
      %gather3A_501 = tpu.memref_slice %arg6[%mul3A_497] : memref<32768xf32, #tpu.memory_space<vmem>> -> memref<128xf32, #tpu.memory_space<vmem>>
      %gather3A_502 = tpu.vector_load_idx %gather3A_501[%get3A_7] : memref<128xf32, #tpu.memory_space<vmem>>[vector<16xi32>], vector<16xf32>,
      %gather3A_503 = tpu.memref_slice %arg6[%mul3A_497] : memref<32768xf32, #tpu.memory_space<vmem>> -> memref<128xf32, #tpu.memory_space<vmem>>
      %gather3A_504 = tpu.vector_load_idx %gather3A_503[%get3A_9] : memref<128xf32, #tpu.memory_space<vmem>>[vector<16xi32>], vector<16xf32>,
      %gather3A_505 = tpu.memref_slice %arg6[%mul3A_497] : memref<32768xf32, #tpu.memory_space<vmem>> -> memref<128xf32, #tpu.memory_space<vmem>>
      %gather3A_506 = tpu.vector_load_idx %gather3A_505[%get3A_11] : memref<128xf32, #tpu.memory_space<vmem>>[vector<16xi32>], vector<16xf32>,
      %gather3A_507 = tpu.memref_slice %arg6[%mul3A_497] : memref<32768xf32, #tpu.memory_space<vmem>> -> memref<128xf32, #tpu.memory_space<vmem>>
      %gather3A_508 = tpu.vector_load_idx %gather3A_507[%get3A_13] : memref<128xf32, #tpu.memory_space<vmem>>[vector<16xi32>], vector<16xf32>,
      %gather3A_509 = tpu.memref_slice %arg6[%mul3A_497] : memref<32768xf32, #tpu.memory_space<vmem>> -> memref<128xf32, #tpu.memory_space<vmem>>
      %gather3A_510 = tpu.vector_load_idx %gather3A_509[%get3A_15] : memref<128xf32, #tpu.memory_space<vmem>>[vector<16xi32>], vector<16xf32>,
      %gather3A_511 = tpu.memref_slice %arg6[%mul3A_497] : memref<32768xf32, #tpu.memory_space<vmem>> -> memref<128xf32, #tpu.memory_space<vmem>>
      %gather3A_512 = tpu.vector_load_idx %gather3A_511[%get3A_17] : memref<128xf32, #tpu.memory_space<vmem>>[vector<16xi32>], vector<16xf32>,
      %mul3A_513 = arith.constant 128 : i32
      %mul3A_514 = arith.muli %scan3A_495, %mul3A_513 : i32
      %add3A_515 = arith.constant 0 : i32
      %add3A_516 = arith.addi %mul3A_514, %add3A_515 : i32
      %swap3A = arith.index_cast %add3A_516 : i32 to index
      %swap3A_517 = tpu.vector_load %arg6[%swap3A] {strides = array<i32>} : memref<32768xf32, #tpu.memory_space<vmem>>, vector<16xf32>,
      tpu.vector_store %arg6[%swap3A], %gather3A_498 {strides = array<i32>} : memref<32768xf32, #tpu.memory_space<vmem>>, vector<16xf32>,
      %mul3A_518 = arith.constant 128 : i32
      %mul3A_519 = arith.muli %scan3A_495, %mul3A_518 : i32
      %add3A_520 = arith.constant 16 : i32
      %add3A_521 = arith.addi %mul3A_519, %add3A_520 : i32
      %swap3A_522 = arith.index_cast %add3A_521 : i32 to index
      %swap3A_523 = tpu.vector_load %arg6[%swap3A_522] {strides = array<i32>} : memref<32768xf32, #tpu.memory_space<vmem>>, vector<16xf32>,
      tpu.vector_store %arg6[%swap3A_522], %gather3A_500 {strides = array<i32>} : memref<32768xf32, #tpu.memory_space<vmem>>, vector<16xf32>,
      %mul3A_524 = arith.constant 128 : i32
      %mul3A_525 = arith.muli %scan3A_495, %mul3A_524 : i32
      %add3A_526 = arith.constant 32 : i32
      %add3A_527 = arith.addi %mul3A_525, %add3A_526 : i32
      %swap3A_528 = arith.index_cast %add3A_527 : i32 to index
      %swap3A_529 = tpu.vector_load %arg6[%swap3A_528] {strides = array<i32>} : memref<32768xf32, #tpu.memory_space<vmem>>, vector<16xf32>,
      tpu.vector_store %arg6[%swap3A_528], %gather3A_502 {strides = array<i32>} : memref<32768xf32, #tpu.memory_space<vmem>>, vector<16xf32>,
      %mul3A_530 = arith.constant 128 : i32
      %mul3A_531 = arith.muli %scan3A_495, %mul3A_530 : i32
      %add3A_532 = arith.constant 48 : i32
      %add3A_533 = arith.addi %mul3A_531, %add3A_532 : i32
      %swap3A_534 = arith.index_cast %add3A_533 : i32 to index
      %swap3A_535 = tpu.vector_load %arg6[%swap3A_534] {strides = array<i32>} : memref<32768xf32, #tpu.memory_space<vmem>>, vector<16xf32>,
      tpu.vector_store %arg6[%swap3A_534], %gather3A_504 {strides = array<i32>} : memref<32768xf32, #tpu.memory_space<vmem>>, vector<16xf32>,
      %mul3A_536 = arith.constant 128 : i32
      %mul3A_537 = arith.muli %scan3A_495, %mul3A_536 : i32
      %add3A_538 = arith.constant 64 : i32
      %add3A_539 = arith.addi %mul3A_537, %add3A_538 : i32
      %swap3A_540 = arith.index_cast %add3A_539 : i32 to index
      %swap3A_541 = tpu.vector_load %arg6[%swap3A_540] {strides = array<i32>} : memref<32768xf32, #tpu.memory_space<vmem>>, vector<16xf32>,
      tpu.vector_store %arg6[%swap3A_540], %gather3A_506 {strides = array<i32>} : memref<32768xf32, #tpu.memory_space<vmem>>, vector<16xf32>,
      %mul3A_542 = arith.constant 128 : i32
      %mul3A_543 = arith.muli %scan3A_495, %mul3A_542 : i32
      %add3A_544 = arith.constant 80 : i32
      %add3A_545 = arith.addi %mul3A_543, %add3A_544 : i32
      %swap3A_546 = arith.index_cast %add3A_545 : i32 to index
      %swap3A_547 = tpu.vector_load %arg6[%swap3A_546] {strides = array<i32>} : memref<32768xf32, #tpu.memory_space<vmem>>, vector<16xf32>,
      tpu.vector_store %arg6[%swap3A_546], %gather3A_508 {strides = array<i32>} : memref<32768xf32, #tpu.memory_space<vmem>>, vector<16xf32>,
      %mul3A_548 = arith.constant 128 : i32
      %mul3A_549 = arith.muli %scan3A_495, %mul3A_548 : i32
      %add3A_550 = arith.constant 96 : i32
      %add3A_551 = arith.addi %mul3A_549, %add3A_550 : i32
      %swap3A_552 = arith.index_cast %add3A_551 : i32 to index
      %swap3A_553 = tpu.vector_load %arg6[%swap3A_552] {strides = array<i32>} : memref<32768xf32, #tpu.memory_space<vmem>>, vector<16xf32>,
      tpu.vector_store %arg6[%swap3A_552], %gather3A_510 {strides = array<i32>} : memref<32768xf32, #tpu.memory_space<vmem>>, vector<16xf32>,
      %mul3A_554 = arith.constant 128 : i32
      %mul3A_555 = arith.muli %scan3A_495, %mul3A_554 : i32
      %add3A_556 = arith.constant 112 : i32
      %add3A_557 = arith.addi %mul3A_555, %add3A_556 : i32
      %swap3A_558 = arith.index_cast %add3A_557 : i32 to index
      %swap3A_559 = tpu.vector_load %arg6[%swap3A_558] {strides = array<i32>} : memref<32768xf32, #tpu.memory_space<vmem>>, vector<16xf32>,
      tpu.vector_store %arg6[%swap3A_558], %gather3A_512 {strides = array<i32>} : memref<32768xf32, #tpu.memory_space<vmem>>, vector<16xf32>,
    }
    %scan3A_470 = arith.constant 256 : i32
    %add3A_471 = arith.constant 3840 : i32
    %add3A_472 = arith.addi %mul3A_2, %add3A_471 : i32
    %mul3A_473 = arith.constant 128 : i32
    %mul3A_474 = arith.muli %add3A_472, %mul3A_473 : i32
    %dma_start3A_475 = tpu.memref_slice %arg4[%mul3A_474] : memref<16777216xf32, #tpu.memory_space<hbm>> -> memref<32768xf32, #tpu.memory_space<hbm>>
    %dma_start3A_476 = tpu.memref_slice %arg4[%mul3A_474] : memref<16777216xf32, #tpu.memory_space<hbm>> -> memref<32768xf32, #tpu.memory_space<hbm>>
    tpu.enqueue_dma source(%arg6 : memref<32768xf32, #tpu.memory_space<vmem>>) target(%dma_start3A_476 : memref<32768xf32, #tpu.memory_space<hbm>>) target_semaphore(%arg12 : memref<!tpu.dma_semaphore, #tpu.memory_space<semaphore_mem>>)
    %add3A_477 = arith.constant 3328 : i32
    %add3A_478 = arith.addi %mul3A_2, %add3A_477 : i32
    %mul3A_479 = arith.constant 128 : i32
    %mul3A_480 = arith.muli %add3A_478, %mul3A_479 : i32
    %dma_wait3A_481 = tpu.memref_slice %arg4[%mul3A_480] : memref<16777216xf32, #tpu.memory_space<hbm>> -> memref<32768xf32, #tpu.memory_space<hbm>>
    %dma_wait3A_482 = tpu.memref_slice %arg4[%mul3A_480] : memref<16777216xf32, #tpu.memory_space<hbm>> -> memref<32768xf32, #tpu.memory_space<hbm>>
    tpu.wait_dma2 semaphore(%arg13 : memref<!tpu.dma_semaphore, #tpu.memory_space<semaphore_mem>>) src(%arg7 : memref<32768xf32, #tpu.memory_space<vmem>>) dst(%dma_wait3A_482 : memref<32768xf32, #tpu.memory_space<hbm>>)
    %add3A_483 = arith.constant 3584 : i32
    %add3A_484 = arith.addi %mul3A_2, %add3A_483 : i32
    %mul3A_485 = arith.constant 128 : i32
    %mul3A_486 = arith.muli %add3A_484, %mul3A_485 : i32
    %dma_wait3A_487 = tpu.memref_slice %arg4[%mul3A_486] : memref<16777216xf32, #tpu.memory_space<hbm>> -> memref<32768xf32, #tpu.memory_space<hbm>>
    %dma_wait3A_488 = tpu.memref_slice %arg4[%mul3A_486] : memref<16777216xf32, #tpu.memory_space<hbm>> -> memref<32768xf32, #tpu.memory_space<hbm>>
    tpu.wait_dma2 semaphore(%arg14 : memref<!tpu.dma_semaphore, #tpu.memory_space<semaphore_mem>>) src(%arg8 : memref<32768xf32, #tpu.memory_space<vmem>>) dst(%dma_wait3A_488 : memref<32768xf32, #tpu.memory_space<hbm>>)
    %add3A_489 = arith.constant 3840 : i32
    %add3A_490 = arith.addi %mul3A_2, %add3A_489 : i32
    %mul3A_491 = arith.constant 128 : i32
    %mul3A_492 = arith.muli %add3A_490, %mul3A_491 : i32
    %dma_wait3A_493 = tpu.memref_slice %arg4[%mul3A_492] : memref<16777216xf32, #tpu.memory_space<hbm>> -> memref<32768xf32, #tpu.memory_space<hbm>>
    %dma_wait3A_494 = tpu.memref_slice %arg4[%mul3A_492] : memref<16777216xf32, #tpu.memory_space<hbm>> -> memref<32768xf32, #tpu.memory_space<hbm>>
    tpu.wait_dma2 semaphore(%arg12 : memref<!tpu.dma_semaphore, #tpu.memory_space<semaphore_mem>>) src(%arg6 : memref<32768xf32, #tpu.memory_space<vmem>>) dst(%dma_wait3A_494 : memref<32768xf32, #tpu.memory_space<hbm>>)
    return
  }
}

</mosaic_0001>

<sc_bundles>
// kernel: _permute.3.cloned.1.call-start
scs
__scs_entry_jumppad:
0x0: {  	(pc) =	sbr.rel $0x88, $3  }
0x1: {  	(tag) =	ssettag $0x0;
	lr =	simm.s32 $0x1  }
0x2: {  	[smem:$0x3F9F] =	sst lr;
	_ =	strace $0xD0000000  }
0x3: {  	_ = 	snop  }
0x4: {  	_ = 	snop  }
0x5: {  	_ = 	snop  }
0x6: {  	_ = 	snop  }
0x7: {  	_ = 	snop  }
__scs_overlays_trampoline_lowered:
0x8: {  	[smem:$0x3FAE] =	sst s0  }
0x9: {  	[smem:$0x3FAF] =	sst s1  }
0xa: {  	[smem:$0x3FB0] =	sst s2  }
0xb: {  	[smem:$0x3FB1] =	sst s3  }
0xc: {  	[smem:$0x3FB2] =	sst s4  }
0xd: {  	[smem:$0x3FB3] =	sst s5  }
0xe: {  	[smem:$0x3FB4] =	sst s6  }
0xf: {  	[smem:$0x3FB5] =	sst s7  }
0x10: {  	[smem:$0x3FB6] =	sst s8  }
0x11: {  	[smem:$0x3FB7] =	sst s9;
	s0 =	simm.s32 @!p0 $0x0  }
0x12: {  	s1 =	sld [smem:$0x3F9D];
	s0 =	simm.s32 @p0 $0x1  }
0x13: {  	[smem:$0x3FB8] =	sst s0;
	s0 =	simm.s32 @!p1 $0x0  }
0x14: {  	s2 =	sld [smem:$0x3F9C];
	s0 =	simm.s32 @p1 $0x1  }
0x15: {  	[smem:$0x3FB9] =	sst s0;
	s0 =	simm.s32 @!p2 $0x0  }
0x16: {  	s3 =	sld [smem:$0x3FDB];
	s0 =	simm.s32 @p2 $0x1  }
0x17: {  	s4 =	simm.s32 $0x1BF5;
	[smem:$0x3FBB] =	sst s0  }
0x18: {  	s0 =	sld [smem:$0x3F9E];
	_ =	swait.ge [sflag:s4], $0x0  }
0x19: {  	s7 =	sld [smem:$0x3F9F]  }
0x1a: {  	s8 =	sadd.s32 $0xFFFFE003, lr  }
0x1b: {  	s9 =	sadd.s32 $0xFFFFFEF7, lr;
	s5 =	simm.s32 $0xFFFFFFFF;
	p2 =	slt.u32 s8, $0xFFFFF086  }
0x1c: {  	p1 =	slt.u32 s9, $0xF7A;
	s5 =	simm.s32 @!p2 $0x0  }
0x1d: {  	s5 =	simm.s32 @p1 $0x1;
	p0 =	seq.s32 s7, s2  }
0x1e: {  	s7 =	smul.u32 @!p0 $0xF7A, s2;
	p2 =	seq.s32 @!p0 s5, $0x0  }
0x1f: {  	s9 =	smul.u32 $0xF7A, s1;
	s8 =	simm.s32 @!p0 $0x1BF5;
	p2 =	por !p2, p0  }
0x20: {  	[sflag:s8] =	ssyncset.s32 @!p0 $0xFFFFF086;
	s6 =	sadd.s32 @!p0 s3, s7;
	s7 =	simm.s32 @!p0 $0x108  }
0x21: {  	s3 =	sadd.s32 s3, s9;
	s6 =	sadd.s32 @!p0 $0x88, s6;
	s7 =	simm.s32 @p2 $0x1082  }
0x22: {  	[simem:s7], [sflag:s8] =	dma.local @!p0 [hbm:s6], $0xF7A  }
0x23: {  	s9 =	sor.u32 $0xD0000000, s2;
	s6 =	simm.s32 $0x108;
	_ =	swait.ge @!p0 [sflag:s8], $0x0  }
0x24: {  	s3 =	sadd.s32 $0x88, s3;
	s6 =	simm.s32 @!p1 $0x1082;
	[sflag:s4] =	ssyncset.s32 $0xFFFFF086  }
0x25: {  	[simem:s6], [sflag:s4] =	dma.local [hbm:s3], $0xF7A  }
0x26: {  	[smem:$0x3F9F] =	sst s1;
	(tag) =	ssettag s2;
	_ =	strace s9  }
0x27: {  	s1 =	sld [smem:$0x3FAF]  }
0x28: {  	s2 =	sld [smem:$0x3FB0]  }
0x29: {  	s4 =	sld [smem:$0x3FB2]  }
0x2a: {  	p0 =	seq.s32 s5, $0x0;
	s5 =	sld [smem:$0x3FB3]  }
0x2b: {  	s6 =	sld [smem:$0x3FB4]  }
0x2c: {  	s7 =	sld [smem:$0x3FB5]  }
0x2d: {  	s3 =	simm.s32 $0x108;
	s8 =	sld [smem:$0x3FB6]  }
0x2e: {  	s3 =	simm.s32 @!p0 $0x1082;
	s9 =	sld [smem:$0x3FB7]  }
0x2f: {  	lr =	sadd.s32 s0, s3;
	s0 =	sld [smem:$0x3FAE]  }
0x30: {  	s3 =	sld [smem:$0x3FB1]  }
0x31: {  	[smem:$0x3FBA] =	sst s10  }
0x32: {  	s10 =	sld [smem:$0x3FB8];
	_ =	sdelay $0x3  }
0x33: {  	p0 =	seq.s32 s10, $0x1;
	s10 =	sld [smem:$0x3FBA];
	_ =	sdelay $0x3  }
0x34: {  	[smem:$0x3FBA] =	sst s10  }
0x35: {  	s10 =	sld [smem:$0x3FB9];
	_ =	sdelay $0x3  }
0x36: {  	p1 =	seq.s32 s10, $0x1;
	s10 =	sld [smem:$0x3FBA];
	_ =	sdelay $0x3  }
0x37: {  	[smem:$0x3FBA] =	sst s10  }
0x38: {  	s10 =	sld [smem:$0x3FBB]  }
0x39: {  	_ = 	snop;
	(pc) =	sbr.ind lr, $3  }
0x3a: {  	_ = 	snop  }
0x3b: {  	_ = 	snop  }
0x3c: {  	p2 =	seq.s32 s10, $0x1;
	s10 =	sld [smem:$0x3FBA]  }
0x3d: {  	_ =	shalt  }
0x3e: {  	_ =	shalt  }
0x3f: {  	_ =	shalt  }
0x40: {  	_ =	shalt  }
0x41: {  	_ =	shalt  }
0x42: {  	_ =	shalt  }
0x43: {  	_ =	shalt  }
0x44: {  	_ =	shalt  }
0x45: {  	_ =	shalt  }
0x46: {  	_ =	shalt  }
0x47: {  	_ =	shalt  }
0x48: {  	_ =	shalt  }
0x49: {  	_ =	shalt  }
0x4a: {  	_ =	shalt  }
0x4b: {  	_ =	shalt  }
0x4c: {  	_ =	shalt  }
0x4d: {  	_ =	shalt  }
0x4e: {  	_ =	shalt  }
0x4f: {  	_ =	shalt  }
0x50: {  	_ =	shalt  }
0x51: {  	_ =	shalt  }
0x52: {  	_ =	shalt  }
0x53: {  	_ =	shalt  }
0x54: {  	_ =	shalt  }
0x55: {  	_ =	shalt  }
0x56: {  	_ =	shalt  }
0x57: {  	_ =	shalt  }
0x58: {  	_ =	shalt  }
0x59: {  	_ =	shalt  }
0x5a: {  	_ =	shalt  }
0x5b: {  	_ =	shalt  }
0x5c: {  	_ =	shalt  }
0x5d: {  	_ =	shalt  }
0x5e: {  	_ =	shalt  }
0x5f: {  	_ =	shalt  }
0x60: {  	_ =	shalt  }
0x61: {  	_ =	shalt  }
0x62: {  	_ =	shalt  }
0x63: {  	_ =	shalt  }
0x64: {  	_ =	shalt  }
0x65: {  	_ =	shalt  }
0x66: {  	_ =	shalt  }
0x67: {  	_ =	shalt  }
0x68: {  	_ =	shalt  }
0x69: {  	_ =	shalt  }
0x6a: {  	_ =	shalt  }
0x6b: {  	_ =	shalt  }
0x6c: {  	_ =	shalt  }
0x6d: {  	_ =	shalt  }
0x6e: {  	_ =	shalt  }
0x6f: {  	_ =	shalt  }
0x70: {  	_ =	shalt  }
0x71: {  	_ =	shalt  }
0x72: {  	_ =	shalt  }
0x73: {  	_ =	shalt  }
0x74: {  	_ =	shalt  }
0x75: {  	_ =	shalt  }
0x76: {  	_ =	shalt  }
0x77: {  	_ =	shalt  }
0x78: {  	_ =	shalt  }
0x79: {  	_ =	shalt  }
0x7a: {  	_ =	shalt  }
0x7b: {  	_ =	shalt  }
0x7c: {  	_ =	shalt  }
0x7d: {  	_ =	shalt  }
0x7e: {  	_ =	shalt  }
0x7f: {  	_ =	shalt  }
0x80: {  	_ =	shalt  }
0x81: {  	_ =	shalt  }
0x82: {  	_ =	shalt  }
0x83: {  	_ =	shalt  }
0x84: {  	_ =	shalt  }
0x85: {  	_ =	shalt  }
0x86: {  	_ =	shalt  }
0x87: {  	_ =	shalt  }
.Lfunc_end0:
.L_simem_size_0:
called_computation_lowered:
.L_overlay_start_0:
0x88: {  	s2 =	sld [smem:$0x3FD9]  }
0x89: {  	s3 =	sld [smem:$0x3FFE];
	_ =	sdelay $0x1  }
0x8a: {  	s1 =	srdreg.scid  }
0x8b: {  	s0 =	sand.u32 $0x1, s1  }
0x8c: {  	s18 =	sshll.u32 s0, $0xA;
	s2 =	sadd.s32 s3, s2  }
0x8d: {  	s2 =	sadd.s32 s2, s18  }
0x8e: {  	[smem:$0x3FC6] =	sst s2  }
0x8f: {  	_ = 	snop  }
0x90: {  	s2 =	sld [smem:$0x3FC9]  }
0x91: {  	s19 =	sld [smem:$0x3FC8]  }
0x92: {  	s4 =	sld [smem:$0x3FD0];
	(tm) =	ssettm $0x1  }
0x93: {  	s5 =	sld [smem:$0x3FFB];
	_ =	sdelay $0x3  }
0x94: {  	_ =	strace s5  }
0x95: {  	s5 =	sld [smem:$0x3FFC];
	_ =	sdelay $0x3  }
0x96: {  	_ =	strace s5  }
0x97: {  	s5 =	sld [smem:$0x3FFD];
	_ =	sdelay $0x3  }
0x98: {  	_ =	strace s5  }
0x99: {  	_ =	strace $0x8FFFFFFF  }
0x9a: {  	s20 =	sld [smem:$0x3FDB];
	_ =	sdelay $0x1  }
0x9b: {  	s6 =	simm.s32 $_scs_section_size  }
0x9c: {  	s7 =	simm.s32 $_size__tile_overlayer_lowered;
	s8 =	simm.s32 $_tile_overlayer_lowered  }
0x9d: {  	s23 =	simm.s32 $0x1BFF;
	s22 =	sshll.u32 s8, $0x1;
	s5 =	sadd.s32 s6, s20  }
0x9e: {  	s9 =	simm.s32 $0x0;
	s21 =	sshll.u32 s7, $0x1;
	s7 =	sadd.s32 s22, s5  }
0x9f: {  	[timem:s9], [sflag:s23] =	dma.local [hbm:s7], s21  }
0xa0: {  	_ =	swait.ge [sflag:s23], s21  }
0xa1: {  	s6 =	ssub.s32 $0x0, s21;
	[sflag:s23] =	ssyncset.done $0x0  }
0xa2: {  	[sflag:s23] =	ssyncadd.s32 s6;
	_ =	sdelay $0x1  }
0xa3: {  	s24 =	simm.s32 $0x1B8B  }
0xa4: {  	_ =	swait.ge [sflag:s24], $0x1  }
0xa5: {  	[sflag:s24] =	ssyncset.done $0x0  }
0xa6: {  	s25 =	simm.s32 $0x1B8E;
	[sflag:s24] =	ssyncadd.s32 $0xFFFFFFFF  }
0xa7: {  	s26 =	simm.s32 $execute0_lowered;
	[smem:$0x3FD2] =	sst s25  }
0xa8: {  	s6 =	sshll.u32 s26, $0x1;
	_ =	strace $0x80000046;
	[dreg:$0x1] =	wrdreg $0xFFFFFFFF  }
0xa9: {  	s28 =	simm.s32 $_size_execute0_lowered;
	s5 =	sadd.s32 s5, s6;
	[dreg:$0x0] =	wrdreg $0x0  }
0xaa: {  	s6 =	sshll.u32 s28, $0x1;
	[dreg:$0x2] =	wrdreg s5  }
0xab: {  	[dreg:$0x3] =	wrdreg s6  }
0xac: {  	[dreg:$0x4] =	wrdreg $0xC0  }
0xad: {  	_ =	task [dreg:s9], $0x5FFFF  }
0xae: {  	[dreg:$0x1] =	wrdreg $0xFFFFFFFF  }
0xaf: {  	[dreg:$0x0] =	wrdreg $0x60  }
0xb0: {  	[dreg:$0x2] =	wrdreg s2  }
0xb1: {  	[dreg:$0x3] =	wrdreg s19  }
0xb2: {  	[dreg:$0x4] =	wrdreg s4  }
0xb3: {  	[dreg:$0x5] =	wrdreg $0x9  }
0xb4: {  	_ =	task.clear_ibuf [dreg:s9], $0x6FFFF;
	_ =	strace $0x90000046  }
0xb5: {  	s29 =	simm.s32 $0x9;
	_ =	strace $0x80000048  }
0xb6: {  	_ =	swait.ge [sflag:s29], $0x1  }
0xb7: {  	[sflag:s29] =	ssyncadd.s32 $0xFFFFFFFF  }
0xb8: {  	_ =	strace $0x90000048  }
0xb9: {  	_ =	sfence  }
0xba: {  	s30 =	sld [smem:$0x0];
	_ =	sdelay $0x2  }
0xbb: {  	s31 =	sshll.u32 s1, $0xD;
	s1 =	sshrl.u32 s1, $0x2  }
0xbc: {  	s3 =	sand.u32 $0x4000, s31;
	s1 =	sadd.s32 s1, s30  }
0xbd: {  	s0 =	sor.u32 s3, s0;
	s1 =	sshll.u32 s1, $0x11  }
0xbe: {  	s0 =	sor.u32 s1, s0  }
0xbf: {  	s0 =	sadd.s32 $0x8F2B, s0  }
0xc0: {  	[sflag:s0] =	ssyncadd.remote.s32 $0x1  }
0xc1: {  	_ =	sfence.sel $0xFFFF  }
0xc2: {  	[dreg:$0x0] =	wrdreg $0xFFFFFFFF;
	(pc) =	sbr.abs _section_cstart, $3  }
0xc3: {  	[dreg:$0x1] =	wrdreg $0xFFFFFFFF  }
0xc4: {  	_ =	task.clear_ibuf [dreg:s9], $0x2FFFF;
	_ =	strace $0x9FFFFFFF  }
0xc5: {  	(tm) =	ssettm $0x7FFFFFFF  }
tec
execute0_lowered:
.L_overlay_start_1:
0x0: {  	(tag) =	ssettag $0x1  }
0x1: {  	s2 =	rddreg [dreg:$0x0];
	s0 =	srdreg.scid  }
0x2: {  	s3 =	rddreg [dreg:$0x2];
	s5 =	stileid.u32;
	s0 =	sand.u32 $0x1, s0  }
0x3: {  	s5 =	sshll.u32 s5, $0x11;
	s4 =	ssub.s32 $0x2, s0;
	s0 =	sshll.u32 s0, $0x10  }
0x4: {  	s1 =	simm.s32 $0x0;
	s6 =	sshrl.u32 s4, $0x1;
	s0 =	sor.u32 s0, s5  }
0x5: {  	[smem:$0x7FF] =	sst s1;
	s4 =	ssub.s32 s4, s6;
	s5 =	sor.u32 $0x1000, s0  }
0x6: {  	s15 =	sor.u32 $0x2000, s0;
	s17 =	sor.u32 $0x3000, s0;
	s19 =	sor.u32 $0x4000, s0  }
0x7: {  	s21 =	sor.u32 $0x5000, s0;
	s23 =	sor.u32 $0x6000, s0;
	s25 =	sor.u32 $0x7000, s0  }
0x8: {  	s8 =	sor.u32 $0x8000, s0;
	s10 =	sor.u32 $0x9000, s0;
	s7 =	sadd.s32 s2, s5  }
0x9: {  	s12 =	sor.u32 $0xA000, s0;
	s16 =	sadd.s32 s2, s15;
	[dreg:$0x4] =	wrdreg s7  }
0xa: {  	s13 =	sor.u32 $0xB000, s0;
	s5 =	sadd.s32 s3, s5;
	[dreg:$0x5] =	wrdreg s16  }
0xb: {  	s14 =	sor.u32 $0xC000, s0;
	s18 =	sadd.s32 s2, s17;
	[dreg:$0x6] =	wrdreg s5  }
0xc: {  	s29 =	sadd.s32 s2, s0;
	s6 =	sadd.s32 s3, s15;
	[dreg:$0x7] =	wrdreg s18  }
0xd: {  	s31 =	sadd.s32 s3, s0;
	s20 =	sadd.s32 s2, s19;
	[dreg:$0x8] =	wrdreg s6  }
0xe: {  	s22 =	sadd.s32 s2, s21;
	s24 =	sadd.s32 s2, s23;
	[dreg:$0x9] =	wrdreg s20  }
0xf: {  	s26 =	sadd.s32 s2, s25;
	s9 =	sadd.s32 s2, s8;
	[dreg:$0xb] =	wrdreg s22  }
0x10: {  	s11 =	sadd.s32 s2, s10;
	s15 =	sor.u32 $0xD000, s0;
	[dreg:$0xd] =	wrdreg s24  }
0x11: {  	s4 =	smax.u32 s4, $0x1;
	s7 =	sadd.s32 s3, s17;
	[dreg:$0xf] =	wrdreg s26  }
0x12: {  	s5 =	sadd.s32 s3, s19;
	s6 =	sadd.s32 s3, s21;
	[dreg:$0x11] =	wrdreg s9  }
0x13: {  	[dreg:$0x13] =	wrdreg s11;
	s18 =	sadd.s32 s3, s8;
	s19 =	sadd.s32 s3, s10  }
0x14: {  	s20 =	sadd.s32 s2, s12;
	s21 =	sadd.s32 s3, s12;
	s22 =	sadd.s32 s2, s13  }
0x15: {  	s24 =	sadd.s32 s2, s14;
	s26 =	sadd.s32 s2, s15;
	s28 =	sadd.s32 s3, s15  }
0x16: {  	s16 =	sor.u32 $0xE000, s0;
	s17 =	sor.u32 $0xF000, s0;
	s8 =	simm.s32 $0x1  }
0x17: {  	s9 =	simm.s32 $0x10080;
	s10 =	simm.s32 $0x2;
	[dreg:$0xa] =	wrdreg s7  }
0x18: {  	s11 =	simm.s32 $0x4;
	s12 =	simm.s32 $0x3;
	[dreg:$0xc] =	wrdreg s5  }
0x19: {  	s15 =	simm.s32 $0x0;
	[dreg:$0xe] =	wrdreg s6;
	s7 =	sadd.s32 s3, s23  }
0x1a: {  	s5 =	sadd.s32 s3, s25;
	s23 =	sadd.s32 s3, s13;
	s25 =	sadd.s32 s3, s14  }
0x1b: {  	s0 =	sadd.s32 s2, s16;
	s30 =	sadd.s32 s2, s17;
	s2 =	sadd.s32 s3, s16  }
0x1c: {  	s3 =	sadd.s32 s3, s17;
	s6 =	simm.s32 $0x80;
	[dreg:$0x10] =	wrdreg s7  }
0x1d: {  	s13 =	simm.s32 $0x5;
	s14 =	simm.s32 $0x6;
	[dreg:$0x12] =	wrdreg s5  }
0x1e: {  	s5 =	simm.s32 $0x7;
	s7 =	simm.s32 $0x8080;
	_ =	strace $0x80000047  }
.LBB2_1:
0x1f: {  	s16 =	rddreg [dreg:$0x1]  }
0x20: {  	[tilespmem:s1], [sflag:$0x7] =	stream.linear.gather [hbm4b:s16+s1], $0x80, $0x38;
	[tilespmem:$0x18080] =	vst v63  }
0x21: {  	_ =	swait.ge [sflag:s5], $0x80  }
0x22: {  	[sflag:s5] =	ssyncset.done $0x0  }
0x23: {  	[sflag:s5] =	ssyncadd.s32 $0xFFFFFF80  }
0x24: {  	v6 =	vld [tilespmem:$0x0]  }
0x25: {  	v0 =	vld [tilespmem:$0x10]  }
0x26: {  	v1 =	vld [tilespmem:$0x20]  }
0x27: {  	v2 =	vld [tilespmem:$0x30]  }
0x28: {  	v3 =	vld [tilespmem:$0x40]  }
0x29: {  	v4 =	vld [tilespmem:$0x50]  }
0x2a: {  	v7 =	vld [tilespmem:$0x70]  }
0x2b: {  	v5 =	vld [tilespmem:$0x60];
	[tilespmem:s6], [sflag:$0x1] =	stream.linear.gather [hbm4b:s29+s1], $0x8000, $0x38  }
0x2c: {  	s17 =	rddreg [dreg:$0x4]  }
0x2d: {  	[tilespmem:s7], [sflag:$0x2] =	stream.linear.gather [hbm4b:s17+s1], $0x8000, $0x38;
	[tilespmem:$0x18080] =	vst v63  }
0x2e: {  	_ =	swait.ge [sflag:s8], $0x8000  }
0x2f: {  	[sflag:s8] =	ssyncset.done $0x0  }
0x30: {  	s16 =	simm.s32 $0x0;
	[sflag:s8] =	ssyncadd.s32 $0xFFFF8000  }
0x31: {  	s17 =	simm.s32 $0x200;
	v8 =	vld.idx.msk [tilespmem:v6+s16+$0x80], $0xffff  }
.LBB2_2:
0x32: {  	p0 =	sne.s32 s17, $0x1FE00;
	v9 =	vld.idx.msk [tilespmem:v7+s16+$0x80], $0xffff  }
0x33: {  	v10 =	vld.idx.msk [tilespmem:v0+s16+$0x80], $0xffff  }
0x34: {  	v11 =	vld.idx.msk [tilespmem:v1+s16+$0x80], $0xffff  }
0x35: {  	v12 =	vld.idx.msk [tilespmem:v2+s16+$0x80], $0xffff  }
0x36: {  	v13 =	vld.idx.msk [tilespmem:v3+s16+$0x80], $0xffff  }
0x37: {  	v14 =	vld.idx.msk [tilespmem:v4+s16+$0x80], $0xffff  }
0x38: {  	v15 =	vld.idx.msk [tilespmem:v5+s16+$0x80], $0xffff;
	[tilespmem:s16+$0xF0] =	vst v9  }
0x39: {  	[tilespmem:s16+$0x80] =	vst v8  }
0x3a: {  	[tilespmem:s16+$0x90] =	vst v10  }
0x3b: {  	[tilespmem:s16+$0xA0] =	vst v11  }
.Ltmp0:
0x3c: {  	[tilespmem:s16+$0xB0] =	vst v12;
	(pc) =	sbr.rel @p0 .LBB2_2-.Ltmp0, $4  }
0x3d: {  	[tilespmem:s16+$0xC0] =	vst v13  }
0x3e: {  	[tilespmem:s16+$0xD0] =	vst v14  }
0x3f: {  	[tilespmem:s16+$0xE0] =	vst v15;
	s16 =	sshra.s32 s17, $0x2  }
0x40: {  	s17 =	sadd.s32 $0x200, s17;
	v8 =	vld.idx.msk [tilespmem:v6+s16+$0x80], $0xffff  }
0x41: {  	_ =	sdelay $0x3  }
0x42: {  	v9 =	vld.idx.msk [tilespmem:v7+s16+$0x80], $0xffff  }
0x43: {  	v10 =	vld.idx.msk [tilespmem:v0+s16+$0x80], $0xffff  }
0x44: {  	v11 =	vld.idx.msk [tilespmem:v1+s16+$0x80], $0xffff  }
0x45: {  	v12 =	vld.idx.msk [tilespmem:v2+s16+$0x80], $0xffff  }
0x46: {  	v13 =	vld.idx.msk [tilespmem:v3+s16+$0x80], $0xffff  }
0x47: {  	v14 =	vld.idx.msk [tilespmem:v4+s16+$0x80], $0xffff  }
0x48: {  	v15 =	vld.idx.msk [tilespmem:v5+s16+$0x80], $0xffff;
	[tilespmem:s16+$0x80] =	vst v8  }
0x49: {  	[tilespmem:s16+$0xF0] =	vst v9  }
0x4a: {  	[tilespmem:s16+$0x90] =	vst v10  }
0x4b: {  	[tilespmem:s16+$0xA0] =	vst v11  }
0x4c: {  	[tilespmem:s16+$0xB0] =	vst v12  }
0x4d: {  	[tilespmem:s16+$0xC0] =	vst v13  }
0x4e: {  	[tilespmem:s16+$0xD0] =	vst v14  }
0x4f: {  	[tilespmem:s16+$0xE0] =	vst v15;
	s16 =	simm.s32 $0x0  }
0x50: {  	[hbm4b:s31+s16] =	stream.linear.scatter [tilespmem:s6], [sflag:$0x4], $0x8000, $0x38;
	[tilespmem:$0x18080] =	vst v63  }
0x51: {  	s17 =	rddreg [dreg:$0x5]  }
0x52: {  	[tilespmem:s9], [sflag:$0x3] =	stream.linear.gather [hbm4b:s17+s16], $0x8000, $0x38;
	[tilespmem:$0x18080] =	vst v63  }
0x53: {  	_ =	swait.ge [sflag:s10], $0x8000  }
0x54: {  	[sflag:s10] =	ssyncset.done $0x0  }
0x55: {  	s16 =	simm.s32 $0x0;
	[sflag:s10] =	ssyncadd.s32 $0xFFFF8000  }
0x56: {  	s17 =	simm.s32 $0x200;
	v8 =	vld.idx.msk [tilespmem:v6+s16+$0x8080], $0xffff  }
.LBB2_4:
0x57: {  	p0 =	sne.s32 s17, $0x1FE00;
	v9 =	vld.idx.msk [tilespmem:v7+s16+$0x8080], $0xffff  }
0x58: {  	v10 =	vld.idx.msk [tilespmem:v0+s16+$0x8080], $0xffff  }
0x59: {  	v11 =	vld.idx.msk [tilespmem:v1+s16+$0x8080], $0xffff  }
0x5a: {  	v12 =	vld.idx.msk [tilespmem:v2+s16+$0x8080], $0xffff  }
0x5b: {  	v13 =	vld.idx.msk [tilespmem:v3+s16+$0x8080], $0xffff  }
0x5c: {  	v14 =	vld.idx.msk [tilespmem:v4+s16+$0x8080], $0xffff  }
0x5d: {  	v15 =	vld.idx.msk [tilespmem:v5+s16+$0x8080], $0xffff;
	[tilespmem:s16+$0x80F0] =	vst v9  }
0x5e: {  	[tilespmem:s16+$0x8080] =	vst v8  }
0x5f: {  	[tilespmem:s16+$0x8090] =	vst v10  }
0x60: {  	[tilespmem:s16+$0x80A0] =	vst v11  }
.Ltmp1:
0x61: {  	[tilespmem:s16+$0x80B0] =	vst v12;
	(pc) =	sbr.rel @p0 .LBB2_4-.Ltmp1, $4  }
0x62: {  	[tilespmem:s16+$0x80C0] =	vst v13  }
0x63: {  	[tilespmem:s16+$0x80D0] =	vst v14  }
0x64: {  	[tilespmem:s16+$0x80E0] =	vst v15;
	s16 =	sshra.s32 s17, $0x2  }
0x65: {  	s17 =	sadd.s32 $0x200, s17;
	v8 =	vld.idx.msk [tilespmem:v6+s16+$0x8080], $0xffff  }
0x66: {  	_ =	sdelay $0x3  }
0x67: {  	v9 =	vld.idx.msk [tilespmem:v7+s16+$0x8080], $0xffff  }
0x68: {  	v10 =	vld.idx.msk [tilespmem:v0+s16+$0x8080], $0xffff  }
0x69: {  	v11 =	vld.idx.msk [tilespmem:v1+s16+$0x8080], $0xffff  }
0x6a: {  	v12 =	vld.idx.msk [tilespmem:v2+s16+$0x8080], $0xffff  }
0x6b: {  	v13 =	vld.idx.msk [tilespmem:v3+s16+$0x8080], $0xffff  }
0x6c: {  	v14 =	vld.idx.msk [tilespmem:v4+s16+$0x8080], $0xffff  }
0x6d: {  	v15 =	vld.idx.msk [tilespmem:v5+s16+$0x8080], $0xffff;
	[tilespmem:s16+$0x8080] =	vst v8  }
0x6e: {  	[tilespmem:s16+$0x80F0] =	vst v9  }
0x6f: {  	[tilespmem:s16+$0x8090] =	vst v10  }
0x70: {  	[tilespmem:s16+$0x80A0] =	vst v11  }
0x71: {  	[tilespmem:s16+$0x80B0] =	vst v12  }
0x72: {  	[tilespmem:s16+$0x80C0] =	vst v13  }
0x73: {  	[tilespmem:s16+$0x80D0] =	vst v14  }
0x74: {  	s17 =	rddreg [dreg:$0x6];
	[tilespmem:s16+$0x80E0] =	vst v15;
	s16 =	simm.s32 $0x0  }
0x75: {  	[hbm4b:s17+s16] =	stream.linear.scatter [tilespmem:s7], [sflag:$0x5], $0x8000, $0x38;
	[tilespmem:$0x18080] =	vst v63  }
0x76: {  	_ =	swait.ge [sflag:s11], $0x8000  }
0x77: {  	[sflag:s11] =	ssyncset.done $0x0  }
0x78: {  	s17 =	rddreg [dreg:$0x7];
	[sflag:s11] =	ssyncadd.s32 $0xFFFF8000  }
0x79: {  	[tilespmem:s6], [sflag:$0x1] =	stream.linear.gather [hbm4b:s17+s16], $0x8000, $0x38;
	[tilespmem:$0x18080] =	vst v63  }
0x7a: {  	_ =	swait.ge [sflag:s12], $0x8000  }
0x7b: {  	[sflag:s12] =	ssyncset.done $0x0  }
0x7c: {  	s16 =	simm.s32 $0x0;
	[sflag:s12] =	ssyncadd.s32 $0xFFFF8000  }
0x7d: {  	s17 =	simm.s32 $0x200;
	v8 =	vld.idx.msk [tilespmem:v6+s16+$0x10080], $0xffff  }
.LBB2_6:
0x7e: {  	p0 =	sne.s32 s17, $0x1FE00;
	v9 =	vld.idx.msk [tilespmem:v7+s16+$0x10080], $0xffff  }
0x7f: {  	v10 =	vld.idx.msk [tilespmem:v0+s16+$0x10080], $0xffff  }
0x80: {  	v11 =	vld.idx.msk [tilespmem:v1+s16+$0x10080], $0xffff  }
0x81: {  	v12 =	vld.idx.msk [tilespmem:v2+s16+$0x10080], $0xffff  }
0x82: {  	v13 =	vld.idx.msk [tilespmem:v3+s16+$0x10080], $0xffff  }
0x83: {  	v14 =	vld.idx.msk [tilespmem:v4+s16+$0x10080], $0xffff  }
0x84: {  	v15 =	vld.idx.msk [tilespmem:v5+s16+$0x10080], $0xffff;
	[tilespmem:s16+$0x100F0] =	vst v9  }
0x85: {  	[tilespmem:s16+$0x10080] =	vst v8  }
0x86: {  	[tilespmem:s16+$0x10090] =	vst v10  }
0x87: {  	[tilespmem:s16+$0x100A0] =	vst v11  }
.Ltmp2:
0x88: {  	[tilespmem:s16+$0x100B0] =	vst v12;
	(pc) =	sbr.rel @p0 .LBB2_6-.Ltmp2, $4  }
0x89: {  	[tilespmem:s16+$0x100C0] =	vst v13  }
0x8a: {  	[tilespmem:s16+$0x100D0] =	vst v14  }
0x8b: {  	[tilespmem:s16+$0x100E0] =	vst v15;
	s16 =	sshra.s32 s17, $0x2  }
0x8c: {  	s17 =	sadd.s32 $0x200, s17;
	v8 =	vld.idx.msk [tilespmem:v6+s16+$0x10080], $0xffff  }
0x8d: {  	_ =	sdelay $0x3  }
0x8e: {  	v9 =	vld.idx.msk [tilespmem:v7+s16+$0x10080], $0xffff  }
0x8f: {  	v10 =	vld.idx.msk [tilespmem:v0+s16+$0x10080], $0xffff  }
0x90: {  	v11 =	vld.idx.msk [tilespmem:v1+s16+$0x10080], $0xffff  }
0x91: {  	v12 =	vld.idx.msk [tilespmem:v2+s16+$0x10080], $0xffff  }
0x92: {  	v13 =	vld.idx.msk [tilespmem:v3+s16+$0x10080], $0xffff  }
0x93: {  	v14 =	vld.idx.msk [tilespmem:v4+s16+$0x10080], $0xffff  }
0x94: {  	v15 =	vld.idx.msk [tilespmem:v5+s16+$0x10080], $0xffff;
	[tilespmem:s16+$0x10080] =	vst v8  }
0x95: {  	[tilespmem:s16+$0x100F0] =	vst v9  }
0x96: {  	[tilespmem:s16+$0x10090] =	vst v10  }
0x97: {  	[tilespmem:s16+$0x100A0] =	vst v11  }
0x98: {  	[tilespmem:s16+$0x100B0] =	vst v12  }
0x99: {  	[tilespmem:s16+$0x100C0] =	vst v13  }
0x9a: {  	[tilespmem:s16+$0x100D0] =	vst v14  }
0x9b: {  	s17 =	rddreg [dreg:$0x8];
	[tilespmem:s16+$0x100E0] =	vst v15;
	s16 =	simm.s32 $0x0  }
0x9c: {  	[hbm4b:s17+s16] =	stream.linear.scatter [tilespmem:s9], [sflag:$0x6], $0x8000, $0x38;
	[tilespmem:$0x18080] =	vst v63  }
0x9d: {  	_ =	swait.ge [sflag:s13], $0x8000  }
0x9e: {  	[sflag:s13] =	ssyncset.done $0x0  }
0x9f: {  	s17 =	rddreg [dreg:$0x9];
	[sflag:s13] =	ssyncadd.s32 $0xFFFF8000  }
0xa0: {  	[tilespmem:s7], [sflag:$0x2] =	stream.linear.gather [hbm4b:s17+s16], $0x8000, $0x38;
	[tilespmem:$0x18080] =	vst v63  }
0xa1: {  	_ =	swait.ge [sflag:s8], $0x8000  }
0xa2: {  	[sflag:s8] =	ssyncset.done $0x0  }
0xa3: {  	s16 =	simm.s32 $0x0;
	[sflag:s8] =	ssyncadd.s32 $0xFFFF8000  }
0xa4: {  	s17 =	simm.s32 $0x200;
	v8 =	vld.idx.msk [tilespmem:v6+s16+$0x80], $0xffff  }
.LBB2_8:
0xa5: {  	p0 =	sne.s32 s17, $0x1FE00;
	v9 =	vld.idx.msk [tilespmem:v7+s16+$0x80], $0xffff  }
0xa6: {  	v10 =	vld.idx.msk [tilespmem:v0+s16+$0x80], $0xffff  }
0xa7: {  	v11 =	vld.idx.msk [tilespmem:v1+s16+$0x80], $0xffff  }
0xa8: {  	v12 =	vld.idx.msk [tilespmem:v2+s16+$0x80], $0xffff  }
0xa9: {  	v13 =	vld.idx.msk [tilespmem:v3+s16+$0x80], $0xffff  }
0xaa: {  	v14 =	vld.idx.msk [tilespmem:v4+s16+$0x80], $0xffff  }
0xab: {  	v15 =	vld.idx.msk [tilespmem:v5+s16+$0x80], $0xffff;
	[tilespmem:s16+$0xF0] =	vst v9  }
0xac: {  	[tilespmem:s16+$0x80] =	vst v8  }
0xad: {  	[tilespmem:s16+$0x90] =	vst v10  }
0xae: {  	[tilespmem:s16+$0xA0] =	vst v11  }
.Ltmp3:
0xaf: {  	[tilespmem:s16+$0xB0] =	vst v12;
	(pc) =	sbr.rel @p0 .LBB2_8-.Ltmp3, $4  }
0xb0: {  	[tilespmem:s16+$0xC0] =	vst v13  }
0xb1: {  	[tilespmem:s16+$0xD0] =	vst v14  }
0xb2: {  	[tilespmem:s16+$0xE0] =	vst v15;
	s16 =	sshra.s32 s17, $0x2  }
0xb3: {  	s17 =	sadd.s32 $0x200, s17;
	v8 =	vld.idx.msk [tilespmem:v6+s16+$0x80], $0xffff  }
0xb4: {  	_ =	sdelay $0x3  }
0xb5: {  	v9 =	vld.idx.msk [tilespmem:v7+s16+$0x80], $0xffff  }
0xb6: {  	v10 =	vld.idx.msk [tilespmem:v0+s16+$0x80], $0xffff  }
0xb7: {  	v11 =	vld.idx.msk [tilespmem:v1+s16+$0x80], $0xffff  }
0xb8: {  	v12 =	vld.idx.msk [tilespmem:v2+s16+$0x80], $0xffff  }
0xb9: {  	v13 =	vld.idx.msk [tilespmem:v3+s16+$0x80], $0xffff  }
0xba: {  	v14 =	vld.idx.msk [tilespmem:v4+s16+$0x80], $0xffff  }
0xbb: {  	v15 =	vld.idx.msk [tilespmem:v5+s16+$0x80], $0xffff;
	[tilespmem:s16+$0x80] =	vst v8  }
0xbc: {  	[tilespmem:s16+$0xF0] =	vst v9  }
0xbd: {  	[tilespmem:s16+$0x90] =	vst v10  }
0xbe: {  	[tilespmem:s16+$0xA0] =	vst v11  }
0xbf: {  	[tilespmem:s16+$0xB0] =	vst v12  }
0xc0: {  	[tilespmem:s16+$0xC0] =	vst v13  }
0xc1: {  	[tilespmem:s16+$0xD0] =	vst v14  }
0xc2: {  	s17 =	rddreg [dreg:$0xa];
	[tilespmem:s16+$0xE0] =	vst v15;
	s16 =	simm.s32 $0x0  }
0xc3: {  	[hbm4b:s17+s16] =	stream.linear.scatter [tilespmem:s6], [sflag:$0x4], $0x8000, $0x38;
	[tilespmem:$0x18080] =	vst v63  }
0xc4: {  	_ =	swait.ge [sflag:s14], $0x8000  }
0xc5: {  	[sflag:s14] =	ssyncset.done $0x0  }
0xc6: {  	s17 =	rddreg [dreg:$0xb];
	[sflag:s14] =	ssyncadd.s32 $0xFFFF8000  }
0xc7: {  	[tilespmem:s9], [sflag:$0x3] =	stream.linear.gather [hbm4b:s17+s16], $0x8000, $0x38;
	[tilespmem:$0x18080] =	vst v63  }
0xc8: {  	_ =	swait.ge [sflag:s10], $0x8000  }
0xc9: {  	[sflag:s10] =	ssyncset.done $0x0  }
0xca: {  	s16 =	simm.s32 $0x0;
	[sflag:s10] =	ssyncadd.s32 $0xFFFF8000  }
0xcb: {  	s17 =	simm.s32 $0x200;
	v8 =	vld.idx.msk [tilespmem:v6+s16+$0x8080], $0xffff  }
.LBB2_10:
0xcc: {  	p0 =	sne.s32 s17, $0x1FE00;
	v9 =	vld.idx.msk [tilespmem:v7+s16+$0x8080], $0xffff  }
0xcd: {  	v10 =	vld.idx.msk [tilespmem:v0+s16+$0x8080], $0xffff  }
0xce: {  	v11 =	vld.idx.msk [tilespmem:v1+s16+$0x8080], $0xffff  }
0xcf: {  	v12 =	vld.idx.msk [tilespmem:v2+s16+$0x8080], $0xffff  }
0xd0: {  	v13 =	vld.idx.msk [tilespmem:v3+s16+$0x8080], $0xffff  }
0xd1: {  	v14 =	vld.idx.msk [tilespmem:v4+s16+$0x8080], $0xffff  }
0xd2: {  	v15 =	vld.idx.msk [tilespmem:v5+s16+$0x8080], $0xffff;
	[tilespmem:s16+$0x80F0] =	vst v9  }
0xd3: {  	[tilespmem:s16+$0x8080] =	vst v8  }
0xd4: {  	[tilespmem:s16+$0x8090] =	vst v10  }
0xd5: {  	[tilespmem:s16+$0x80A0] =	vst v11  }
.Ltmp4:
0xd6: {  	[tilespmem:s16+$0x80B0] =	vst v12;
	(pc) =	sbr.rel @p0 .LBB2_10-.Ltmp4, $4  }
0xd7: {  	[tilespmem:s16+$0x80C0] =	vst v13  }
0xd8: {  	[tilespmem:s16+$0x80D0] =	vst v14  }
0xd9: {  	[tilespmem:s16+$0x80E0] =	vst v15;
	s16 =	sshra.s32 s17, $0x2  }
0xda: {  	s17 =	sadd.s32 $0x200, s17;
	v8 =	vld.idx.msk [tilespmem:v6+s16+$0x8080], $0xffff  }
0xdb: {  	_ =	sdelay $0x3  }
0xdc: {  	v9 =	vld.idx.msk [tilespmem:v7+s16+$0x8080], $0xffff  }
0xdd: {  	v10 =	vld.idx.msk [tilespmem:v0+s16+$0x8080], $0xffff  }
0xde: {  	v11 =	vld.idx.msk [tilespmem:v1+s16+$0x8080], $0xffff  }
0xdf: {  	v12 =	vld.idx.msk [tilespmem:v2+s16+$0x8080], $0xffff  }
0xe0: {  	v13 =	vld.idx.msk [tilespmem:v3+s16+$0x8080], $0xffff  }
0xe1: {  	v14 =	vld.idx.msk [tilespmem:v4+s16+$0x8080], $0xffff  }
0xe2: {  	v15 =	vld.idx.msk [tilespmem:v5+s16+$0x8080], $0xffff;
	[tilespmem:s16+$0x8080] =	vst v8  }
0xe3: {  	[tilespmem:s16+$0x80F0] =	vst v9  }
0xe4: {  	[tilespmem:s16+$0x8090] =	vst v10  }
0xe5: {  	[tilespmem:s16+$0x80A0] =	vst v11  }
0xe6: {  	[tilespmem:s16+$0x80B0] =	vst v12  }
0xe7: {  	[tilespmem:s16+$0x80C0] =	vst v13  }
0xe8: {  	[tilespmem:s16+$0x80D0] =	vst v14  }
0xe9: {  	s17 =	rddreg [dreg:$0xc];
	[tilespmem:s16+$0x80E0] =	vst v15;
	s16 =	simm.s32 $0x0  }
0xea: {  	[hbm4b:s17+s16] =	stream.linear.scatter [tilespmem:s7], [sflag:$0x5], $0x8000, $0x38;
	[tilespmem:$0x18080] =	vst v63  }
0xeb: {  	_ =	swait.ge [sflag:s11], $0x8000  }
0xec: {  	[sflag:s11] =	ssyncset.done $0x0  }
0xed: {  	s17 =	rddreg [dreg:$0xd];
	[sflag:s11] =	ssyncadd.s32 $0xFFFF8000  }
0xee: {  	[tilespmem:s6], [sflag:$0x1] =	stream.linear.gather [hbm4b:s17+s16], $0x8000, $0x38;
	[tilespmem:$0x18080] =	vst v63  }
0xef: {  	_ =	swait.ge [sflag:s12], $0x8000  }
0xf0: {  	[sflag:s12] =	ssyncset.done $0x0  }
0xf1: {  	s16 =	simm.s32 $0x0;
	[sflag:s12] =	ssyncadd.s32 $0xFFFF8000  }
0xf2: {  	s17 =	simm.s32 $0x200;
	v8 =	vld.idx.msk [tilespmem:v6+s16+$0x10080], $0xffff  }
.LBB2_12:
0xf3: {  	p0 =	sne.s32 s17, $0x1FE00;
	v9 =	vld.idx.msk [tilespmem:v7+s16+$0x10080], $0xffff  }
0xf4: {  	v10 =	vld.idx.msk [tilespmem:v0+s16+$0x10080], $0xffff  }
0xf5: {  	v11 =	vld.idx.msk [tilespmem:v1+s16+$0x10080], $0xffff  }
0xf6: {  	v12 =	vld.idx.msk [tilespmem:v2+s16+$0x10080], $0xffff  }
0xf7: {  	v13 =	vld.idx.msk [tilespmem:v3+s16+$0x10080], $0xffff  }
0xf8: {  	v14 =	vld.idx.msk [tilespmem:v4+s16+$0x10080], $0xffff  }
0xf9: {  	v15 =	vld.idx.msk [tilespmem:v5+s16+$0x10080], $0xffff;
	[tilespmem:s16+$0x100F0] =	vst v9  }
0xfa: {  	[tilespmem:s16+$0x10080] =	vst v8  }
0xfb: {  	[tilespmem:s16+$0x10090] =	vst v10  }
0xfc: {  	[tilespmem:s16+$0x100A0] =	vst v11  }
.Ltmp5:
0xfd: {  	[tilespmem:s16+$0x100B0] =	vst v12;
	(pc) =	sbr.rel @p0 .LBB2_12-.Ltmp5, $4  }
0xfe: {  	[tilespmem:s16+$0x100C0] =	vst v13  }
0xff: {  	[tilespmem:s16+$0x100D0] =	vst v14  }
0x100: {  	[tilespmem:s16+$0x100E0] =	vst v15;
	s16 =	sshra.s32 s17, $0x2  }
0x101: {  	s17 =	sadd.s32 $0x200, s17;
	v8 =	vld.idx.msk [tilespmem:v6+s16+$0x10080], $0xffff  }
0x102: {  	_ =	sdelay $0x3  }
0x103: {  	v9 =	vld.idx.msk [tilespmem:v7+s16+$0x10080], $0xffff  }
0x104: {  	v10 =	vld.idx.msk [tilespmem:v0+s16+$0x10080], $0xffff  }
0x105: {  	v11 =	vld.idx.msk [tilespmem:v1+s16+$0x10080], $0xffff  }
0x106: {  	v12 =	vld.idx.msk [tilespmem:v2+s16+$0x10080], $0xffff  }
0x107: {  	v13 =	vld.idx.msk [tilespmem:v3+s16+$0x10080], $0xffff  }
0x108: {  	v14 =	vld.idx.msk [tilespmem:v4+s16+$0x10080], $0xffff  }
0x109: {  	v15 =	vld.idx.msk [tilespmem:v5+s16+$0x10080], $0xffff;
	[tilespmem:s16+$0x10080] =	vst v8  }
0x10a: {  	[tilespmem:s16+$0x100F0] =	vst v9  }
0x10b: {  	[tilespmem:s16+$0x10090] =	vst v10  }
0x10c: {  	[tilespmem:s16+$0x100A0] =	vst v11  }
0x10d: {  	[tilespmem:s16+$0x100B0] =	vst v12  }
0x10e: {  	[tilespmem:s16+$0x100C0] =	vst v13  }
0x10f: {  	[tilespmem:s16+$0x100D0] =	vst v14  }
0x110: {  	s17 =	rddreg [dreg:$0xe];
	[tilespmem:s16+$0x100E0] =	vst v15;
	s16 =	simm.s32 $0x0  }
0x111: {  	[hbm4b:s17+s16] =	stream.linear.scatter [tilespmem:s9], [sflag:$0x6], $0x8000, $0x38;
	[tilespmem:$0x18080] =	vst v63  }
0x112: {  	_ =	swait.ge [sflag:s13], $0x8000  }
0x113: {  	[sflag:s13] =	ssyncset.done $0x0  }
0x114: {  	s17 =	rddreg [dreg:$0xf];
	[sflag:s13] =	ssyncadd.s32 $0xFFFF8000  }
0x115: {  	[tilespmem:s7], [sflag:$0x2] =	stream.linear.gather [hbm4b:s17+s16], $0x8000, $0x38;
	[tilespmem:$0x18080] =	vst v63  }
0x116: {  	_ =	swait.ge [sflag:s8], $0x8000  }
0x117: {  	[sflag:s8] =	ssyncset.done $0x0  }
0x118: {  	s16 =	simm.s32 $0x0;
	[sflag:s8] =	ssyncadd.s32 $0xFFFF8000  }
0x119: {  	s17 =	simm.s32 $0x200;
	v8 =	vld.idx.msk [tilespmem:v6+s16+$0x80], $0xffff  }
.LBB2_14:
0x11a: {  	p0 =	sne.s32 s17, $0x1FE00;
	v9 =	vld.idx.msk [tilespmem:v7+s16+$0x80], $0xffff  }
0x11b: {  	v10 =	vld.idx.msk [tilespmem:v0+s16+$0x80], $0xffff  }
0x11c: {  	v11 =	vld.idx.msk [tilespmem:v1+s16+$0x80], $0xffff  }
0x11d: {  	v12 =	vld.idx.msk [tilespmem:v2+s16+$0x80], $0xffff  }
0x11e: {  	v13 =	vld.idx.msk [tilespmem:v3+s16+$0x80], $0xffff  }
0x11f: {  	v14 =	vld.idx.msk [tilespmem:v4+s16+$0x80], $0xffff  }
0x120: {  	v15 =	vld.idx.msk [tilespmem:v5+s16+$0x80], $0xffff;
	[tilespmem:s16+$0xF0] =	vst v9  }
0x121: {  	[tilespmem:s16+$0x80] =	vst v8  }
0x122: {  	[tilespmem:s16+$0x90] =	vst v10  }
0x123: {  	[tilespmem:s16+$0xA0] =	vst v11  }
.Ltmp6:
0x124: {  	[tilespmem:s16+$0xB0] =	vst v12;
	(pc) =	sbr.rel @p0 .LBB2_14-.Ltmp6, $4  }
0x125: {  	[tilespmem:s16+$0xC0] =	vst v13  }
0x126: {  	[tilespmem:s16+$0xD0] =	vst v14  }
0x127: {  	[tilespmem:s16+$0xE0] =	vst v15;
	s16 =	sshra.s32 s17, $0x2  }
0x128: {  	s17 =	sadd.s32 $0x200, s17;
	v8 =	vld.idx.msk [tilespmem:v6+s16+$0x80], $0xffff  }
0x129: {  	_ =	sdelay $0x3  }
0x12a: {  	v9 =	vld.idx.msk [tilespmem:v7+s16+$0x80], $0xffff  }
0x12b: {  	v10 =	vld.idx.msk [tilespmem:v0+s16+$0x80], $0xffff  }
0x12c: {  	v11 =	vld.idx.msk [tilespmem:v1+s16+$0x80], $0xffff  }
0x12d: {  	v12 =	vld.idx.msk [tilespmem:v2+s16+$0x80], $0xffff  }
0x12e: {  	v13 =	vld.idx.msk [tilespmem:v3+s16+$0x80], $0xffff  }
0x12f: {  	v14 =	vld.idx.msk [tilespmem:v4+s16+$0x80], $0xffff  }
0x130: {  	v15 =	vld.idx.msk [tilespmem:v5+s16+$0x80], $0xffff;
	[tilespmem:s16+$0x80] =	vst v8  }
0x131: {  	[tilespmem:s16+$0xF0] =	vst v9  }
0x132: {  	[tilespmem:s16+$0x90] =	vst v10  }
0x133: {  	[tilespmem:s16+$0xA0] =	vst v11  }
0x134: {  	[tilespmem:s16+$0xB0] =	vst v12  }
0x135: {  	[tilespmem:s16+$0xC0] =	vst v13  }
0x136: {  	[tilespmem:s16+$0xD0] =	vst v14  }
0x137: {  	s17 =	rddreg [dreg:$0x10];
	[tilespmem:s16+$0xE0] =	vst v15;
	s16 =	simm.s32 $0x0  }
0x138: {  	[hbm4b:s17+s16] =	stream.linear.scatter [tilespmem:s6], [sflag:$0x4], $0x8000, $0x38;
	[tilespmem:$0x18080] =	vst v63  }
0x139: {  	_ =	swait.ge [sflag:s14], $0x8000  }
0x13a: {  	[sflag:s14] =	ssyncset.done $0x0  }
0x13b: {  	s17 =	rddreg [dreg:$0x11];
	[sflag:s14] =	ssyncadd.s32 $0xFFFF8000  }
0x13c: {  	[tilespmem:s9], [sflag:$0x3] =	stream.linear.gather [hbm4b:s17+s16], $0x8000, $0x38;
	[tilespmem:$0x18080] =	vst v63  }
0x13d: {  	_ =	swait.ge [sflag:s10], $0x8000  }
0x13e: {  	[sflag:s10] =	ssyncset.done $0x0  }
0x13f: {  	s16 =	simm.s32 $0x0;
	[sflag:s10] =	ssyncadd.s32 $0xFFFF8000  }
0x140: {  	s17 =	simm.s32 $0x200;
	v8 =	vld.idx.msk [tilespmem:v6+s16+$0x8080], $0xffff  }
.LBB2_16:
0x141: {  	p0 =	sne.s32 s17, $0x1FE00;
	v9 =	vld.idx.msk [tilespmem:v7+s16+$0x8080], $0xffff  }
0x142: {  	v10 =	vld.idx.msk [tilespmem:v0+s16+$0x8080], $0xffff  }
0x143: {  	v11 =	vld.idx.msk [tilespmem:v1+s16+$0x8080], $0xffff  }
0x144: {  	v12 =	vld.idx.msk [tilespmem:v2+s16+$0x8080], $0xffff  }
0x145: {  	v13 =	vld.idx.msk [tilespmem:v3+s16+$0x8080], $0xffff  }
0x146: {  	v14 =	vld.idx.msk [tilespmem:v4+s16+$0x8080], $0xffff  }
0x147: {  	v15 =	vld.idx.msk [tilespmem:v5+s16+$0x8080], $0xffff;
	[tilespmem:s16+$0x80F0] =	vst v9  }
0x148: {  	[tilespmem:s16+$0x8080] =	vst v8  }
0x149: {  	[tilespmem:s16+$0x8090] =	vst v10  }
0x14a: {  	[tilespmem:s16+$0x80A0] =	vst v11  }
.Ltmp7:
0x14b: {  	[tilespmem:s16+$0x80B0] =	vst v12;
	(pc) =	sbr.rel @p0 .LBB2_16-.Ltmp7, $4  }
0x14c: {  	[tilespmem:s16+$0x80C0] =	vst v13  }
0x14d: {  	[tilespmem:s16+$0x80D0] =	vst v14  }
0x14e: {  	[tilespmem:s16+$0x80E0] =	vst v15;
	s16 =	sshra.s32 s17, $0x2  }
0x14f: {  	s17 =	sadd.s32 $0x200, s17;
	v8 =	vld.idx.msk [tilespmem:v6+s16+$0x8080], $0xffff  }
0x150: {  	_ =	sdelay $0x3  }
0x151: {  	v9 =	vld.idx.msk [tilespmem:v7+s16+$0x8080], $0xffff  }
0x152: {  	v10 =	vld.idx.msk [tilespmem:v0+s16+$0x8080], $0xffff  }
0x153: {  	v11 =	vld.idx.msk [tilespmem:v1+s16+$0x8080], $0xffff  }
0x154: {  	v12 =	vld.idx.msk [tilespmem:v2+s16+$0x8080], $0xffff  }
0x155: {  	v13 =	vld.idx.msk [tilespmem:v3+s16+$0x8080], $0xffff  }
0x156: {  	v14 =	vld.idx.msk [tilespmem:v4+s16+$0x8080], $0xffff  }
0x157: {  	v15 =	vld.idx.msk [tilespmem:v5+s16+$0x8080], $0xffff;
	[tilespmem:s16+$0x8080] =	vst v8  }
0x158: {  	[tilespmem:s16+$0x80F0] =	vst v9  }
0x159: {  	[tilespmem:s16+$0x8090] =	vst v10  }
0x15a: {  	[tilespmem:s16+$0x80A0] =	vst v11  }
0x15b: {  	[tilespmem:s16+$0x80B0] =	vst v12  }
0x15c: {  	[tilespmem:s16+$0x80C0] =	vst v13  }
0x15d: {  	[tilespmem:s16+$0x80D0] =	vst v14  }
0x15e: {  	s17 =	rddreg [dreg:$0x12];
	[tilespmem:s16+$0x80E0] =	vst v15;
	s16 =	simm.s32 $0x0  }
0x15f: {  	[hbm4b:s17+s16] =	stream.linear.scatter [tilespmem:s7], [sflag:$0x5], $0x8000, $0x38;
	[tilespmem:$0x18080] =	vst v63  }
0x160: {  	_ =	swait.ge [sflag:s11], $0x8000  }
0x161: {  	[sflag:s11] =	ssyncset.done $0x0  }
0x162: {  	s17 =	rddreg [dreg:$0x13];
	[sflag:s11] =	ssyncadd.s32 $0xFFFF8000  }
0x163: {  	[tilespmem:s6], [sflag:$0x1] =	stream.linear.gather [hbm4b:s17+s16], $0x8000, $0x38;
	[tilespmem:$0x18080] =	vst v63  }
0x164: {  	_ =	swait.ge [sflag:s12], $0x8000  }
0x165: {  	[sflag:s12] =	ssyncset.done $0x0  }
0x166: {  	s16 =	simm.s32 $0x0;
	[sflag:s12] =	ssyncadd.s32 $0xFFFF8000  }
0x167: {  	s17 =	simm.s32 $0x200;
	v8 =	vld.idx.msk [tilespmem:v6+s16+$0x10080], $0xffff  }
.LBB2_18:
0x168: {  	p0 =	sne.s32 s17, $0x1FE00;
	v9 =	vld.idx.msk [tilespmem:v7+s16+$0x10080], $0xffff  }
0x169: {  	v10 =	vld.idx.msk [tilespmem:v0+s16+$0x10080], $0xffff  }
0x16a: {  	v11 =	vld.idx.msk [tilespmem:v1+s16+$0x10080], $0xffff  }
0x16b: {  	v12 =	vld.idx.msk [tilespmem:v2+s16+$0x10080], $0xffff  }
0x16c: {  	v13 =	vld.idx.msk [tilespmem:v3+s16+$0x10080], $0xffff  }
0x16d: {  	v14 =	vld.idx.msk [tilespmem:v4+s16+$0x10080], $0xffff  }
0x16e: {  	v15 =	vld.idx.msk [tilespmem:v5+s16+$0x10080], $0xffff;
	[tilespmem:s16+$0x100F0] =	vst v9  }
0x16f: {  	[tilespmem:s16+$0x10080] =	vst v8  }
0x170: {  	[tilespmem:s16+$0x10090] =	vst v10  }
0x171: {  	[tilespmem:s16+$0x100A0] =	vst v11  }
.Ltmp8:
0x172: {  	[tilespmem:s16+$0x100B0] =	vst v12;
	(pc) =	sbr.rel @p0 .LBB2_18-.Ltmp8, $4  }
0x173: {  	[tilespmem:s16+$0x100C0] =	vst v13  }
0x174: {  	[tilespmem:s16+$0x100D0] =	vst v14  }
0x175: {  	[tilespmem:s16+$0x100E0] =	vst v15;
	s16 =	sshra.s32 s17, $0x2  }
0x176: {  	s17 =	sadd.s32 $0x200, s17;
	v8 =	vld.idx.msk [tilespmem:v6+s16+$0x10080], $0xffff  }
0x177: {  	_ =	sdelay $0x3  }
0x178: {  	v9 =	vld.idx.msk [tilespmem:v7+s16+$0x10080], $0xffff  }
0x179: {  	v10 =	vld.idx.msk [tilespmem:v0+s16+$0x10080], $0xffff  }
0x17a: {  	v11 =	vld.idx.msk [tilespmem:v1+s16+$0x10080], $0xffff  }
0x17b: {  	v12 =	vld.idx.msk [tilespmem:v2+s16+$0x10080], $0xffff  }
0x17c: {  	v13 =	vld.idx.msk [tilespmem:v3+s16+$0x10080], $0xffff  }
0x17d: {  	v14 =	vld.idx.msk [tilespmem:v4+s16+$0x10080], $0xffff  }
0x17e: {  	v15 =	vld.idx.msk [tilespmem:v5+s16+$0x10080], $0xffff;
	[tilespmem:s16+$0x10080] =	vst v8  }
0x17f: {  	[tilespmem:s16+$0x100F0] =	vst v9  }
0x180: {  	[tilespmem:s16+$0x10090] =	vst v10  }
0x181: {  	[tilespmem:s16+$0x100A0] =	vst v11  }
0x182: {  	[tilespmem:s16+$0x100B0] =	vst v12  }
0x183: {  	[tilespmem:s16+$0x100C0] =	vst v13  }
0x184: {  	[tilespmem:s16+$0x100D0] =	vst v14  }
0x185: {  	s17 =	simm.s32 $0x0;
	[tilespmem:s16+$0x100E0] =	vst v15  }
0x186: {  	[hbm4b:s18+s17] =	stream.linear.scatter [tilespmem:s9], [sflag:$0x6], $0x8000, $0x38;
	[tilespmem:$0x18080] =	vst v63  }
0x187: {  	_ =	swait.ge [sflag:s13], $0x8000  }
0x188: {  	[sflag:s13] =	ssyncset.done $0x0  }
0x189: {  	[sflag:s13] =	ssyncadd.s32 $0xFFFF8000  }
0x18a: {  	[tilespmem:s7], [sflag:$0x2] =	stream.linear.gather [hbm4b:s20+s17], $0x8000, $0x38;
	[tilespmem:$0x18080] =	vst v63  }
0x18b: {  	_ =	swait.ge [sflag:s8], $0x8000  }
0x18c: {  	[sflag:s8] =	ssyncset.done $0x0  }
0x18d: {  	s16 =	simm.s32 $0x0;
	[sflag:s8] =	ssyncadd.s32 $0xFFFF8000  }
0x18e: {  	s17 =	simm.s32 $0x200;
	v8 =	vld.idx.msk [tilespmem:v6+s16+$0x80], $0xffff  }
.LBB2_20:
0x18f: {  	p0 =	sne.s32 s17, $0x1FE00;
	v9 =	vld.idx.msk [tilespmem:v7+s16+$0x80], $0xffff  }
0x190: {  	v10 =	vld.idx.msk [tilespmem:v0+s16+$0x80], $0xffff  }
0x191: {  	v11 =	vld.idx.msk [tilespmem:v1+s16+$0x80], $0xffff  }
0x192: {  	v12 =	vld.idx.msk [tilespmem:v2+s16+$0x80], $0xffff  }
0x193: {  	v13 =	vld.idx.msk [tilespmem:v3+s16+$0x80], $0xffff  }
0x194: {  	v14 =	vld.idx.msk [tilespmem:v4+s16+$0x80], $0xffff  }
0x195: {  	v15 =	vld.idx.msk [tilespmem:v5+s16+$0x80], $0xffff;
	[tilespmem:s16+$0xF0] =	vst v9  }
0x196: {  	[tilespmem:s16+$0x80] =	vst v8  }
0x197: {  	[tilespmem:s16+$0x90] =	vst v10  }
0x198: {  	[tilespmem:s16+$0xA0] =	vst v11  }
.Ltmp9:
0x199: {  	[tilespmem:s16+$0xB0] =	vst v12;
	(pc) =	sbr.rel @p0 .LBB2_20-.Ltmp9, $4  }
0x19a: {  	[tilespmem:s16+$0xC0] =	vst v13  }
0x19b: {  	[tilespmem:s16+$0xD0] =	vst v14  }
0x19c: {  	[tilespmem:s16+$0xE0] =	vst v15;
	s16 =	sshra.s32 s17, $0x2  }
0x19d: {  	s17 =	sadd.s32 $0x200, s17;
	v8 =	vld.idx.msk [tilespmem:v6+s16+$0x80], $0xffff  }
0x19e: {  	_ =	sdelay $0x3  }
0x19f: {  	v9 =	vld.idx.msk [tilespmem:v7+s16+$0x80], $0xffff  }
0x1a0: {  	v10 =	vld.idx.msk [tilespmem:v0+s16+$0x80], $0xffff  }
0x1a1: {  	v11 =	vld.idx.msk [tilespmem:v1+s16+$0x80], $0xffff  }
0x1a2: {  	v12 =	vld.idx.msk [tilespmem:v2+s16+$0x80], $0xffff  }
0x1a3: {  	v13 =	vld.idx.msk [tilespmem:v3+s16+$0x80], $0xffff  }
0x1a4: {  	v14 =	vld.idx.msk [tilespmem:v4+s16+$0x80], $0xffff  }
0x1a5: {  	v15 =	vld.idx.msk [tilespmem:v5+s16+$0x80], $0xffff;
	[tilespmem:s16+$0x80] =	vst v8  }
0x1a6: {  	[tilespmem:s16+$0xF0] =	vst v9  }
0x1a7: {  	[tilespmem:s16+$0x90] =	vst v10  }
0x1a8: {  	[tilespmem:s16+$0xA0] =	vst v11  }
0x1a9: {  	[tilespmem:s16+$0xB0] =	vst v12  }
0x1aa: {  	[tilespmem:s16+$0xC0] =	vst v13  }
0x1ab: {  	[tilespmem:s16+$0xD0] =	vst v14  }
0x1ac: {  	s17 =	simm.s32 $0x0;
	[tilespmem:s16+$0xE0] =	vst v15  }
0x1ad: {  	[hbm4b:s19+s17] =	stream.linear.scatter [tilespmem:s6], [sflag:$0x4], $0x8000, $0x38;
	[tilespmem:$0x18080] =	vst v63  }
0x1ae: {  	_ =	swait.ge [sflag:s14], $0x8000  }
0x1af: {  	[sflag:s14] =	ssyncset.done $0x0  }
0x1b0: {  	[sflag:s14] =	ssyncadd.s32 $0xFFFF8000  }
0x1b1: {  	[tilespmem:s9], [sflag:$0x3] =	stream.linear.gather [hbm4b:s22+s17], $0x8000, $0x38;
	[tilespmem:$0x18080] =	vst v63  }
0x1b2: {  	_ =	swait.ge [sflag:s10], $0x8000  }
0x1b3: {  	[sflag:s10] =	ssyncset.done $0x0  }
0x1b4: {  	s16 =	simm.s32 $0x0;
	[sflag:s10] =	ssyncadd.s32 $0xFFFF8000  }
0x1b5: {  	s17 =	simm.s32 $0x200;
	v8 =	vld.idx.msk [tilespmem:v6+s16+$0x8080], $0xffff  }
.LBB2_22:
0x1b6: {  	p0 =	sne.s32 s17, $0x1FE00;
	v9 =	vld.idx.msk [tilespmem:v7+s16+$0x8080], $0xffff  }
0x1b7: {  	v10 =	vld.idx.msk [tilespmem:v0+s16+$0x8080], $0xffff  }
0x1b8: {  	v11 =	vld.idx.msk [tilespmem:v1+s16+$0x8080], $0xffff  }
0x1b9: {  	v12 =	vld.idx.msk [tilespmem:v2+s16+$0x8080], $0xffff  }
0x1ba: {  	v13 =	vld.idx.msk [tilespmem:v3+s16+$0x8080], $0xffff  }
0x1bb: {  	v14 =	vld.idx.msk [tilespmem:v4+s16+$0x8080], $0xffff  }
0x1bc: {  	v15 =	vld.idx.msk [tilespmem:v5+s16+$0x8080], $0xffff;
	[tilespmem:s16+$0x80F0] =	vst v9  }
0x1bd: {  	[tilespmem:s16+$0x8080] =	vst v8  }
0x1be: {  	[tilespmem:s16+$0x8090] =	vst v10  }
0x1bf: {  	[tilespmem:s16+$0x80A0] =	vst v11  }
.Ltmp10:
0x1c0: {  	[tilespmem:s16+$0x80B0] =	vst v12;
	(pc) =	sbr.rel @p0 .LBB2_22-.Ltmp10, $4  }
0x1c1: {  	[tilespmem:s16+$0x80C0] =	vst v13  }
0x1c2: {  	[tilespmem:s16+$0x80D0] =	vst v14  }
0x1c3: {  	[tilespmem:s16+$0x80E0] =	vst v15;
	s16 =	sshra.s32 s17, $0x2  }
0x1c4: {  	s17 =	sadd.s32 $0x200, s17;
	v8 =	vld.idx.msk [tilespmem:v6+s16+$0x8080], $0xffff  }
0x1c5: {  	_ =	sdelay $0x3  }
0x1c6: {  	v9 =	vld.idx.msk [tilespmem:v7+s16+$0x8080], $0xffff  }
0x1c7: {  	v10 =	vld.idx.msk [tilespmem:v0+s16+$0x8080], $0xffff  }
0x1c8: {  	v11 =	vld.idx.msk [tilespmem:v1+s16+$0x8080], $0xffff  }
0x1c9: {  	v12 =	vld.idx.msk [tilespmem:v2+s16+$0x8080], $0xffff  }
0x1ca: {  	v13 =	vld.idx.msk [tilespmem:v3+s16+$0x8080], $0xffff  }
0x1cb: {  	v14 =	vld.idx.msk [tilespmem:v4+s16+$0x8080], $0xffff  }
0x1cc: {  	v15 =	vld.idx.msk [tilespmem:v5+s16+$0x8080], $0xffff;
	[tilespmem:s16+$0x8080] =	vst v8  }
0x1cd: {  	[tilespmem:s16+$0x80F0] =	vst v9  }
0x1ce: {  	[tilespmem:s16+$0x8090] =	vst v10  }
0x1cf: {  	[tilespmem:s16+$0x80A0] =	vst v11  }
0x1d0: {  	[tilespmem:s16+$0x80B0] =	vst v12  }
0x1d1: {  	[tilespmem:s16+$0x80C0] =	vst v13  }
0x1d2: {  	[tilespmem:s16+$0x80D0] =	vst v14  }
0x1d3: {  	s17 =	simm.s32 $0x0;
	[tilespmem:s16+$0x80E0] =	vst v15  }
0x1d4: {  	[hbm4b:s21+s17] =	stream.linear.scatter [tilespmem:s7], [sflag:$0x5], $0x8000, $0x38;
	[tilespmem:$0x18080] =	vst v63  }
0x1d5: {  	_ =	swait.ge [sflag:s11], $0x8000  }
0x1d6: {  	[sflag:s11] =	ssyncset.done $0x0  }
0x1d7: {  	[sflag:s11] =	ssyncadd.s32 $0xFFFF8000  }
0x1d8: {  	[tilespmem:s6], [sflag:$0x1] =	stream.linear.gather [hbm4b:s24+s17], $0x8000, $0x38;
	[tilespmem:$0x18080] =	vst v63  }
0x1d9: {  	_ =	swait.ge [sflag:s12], $0x8000  }
0x1da: {  	[sflag:s12] =	ssyncset.done $0x0  }
0x1db: {  	s16 =	simm.s32 $0x0;
	[sflag:s12] =	ssyncadd.s32 $0xFFFF8000  }
0x1dc: {  	s17 =	simm.s32 $0x200;
	v8 =	vld.idx.msk [tilespmem:v6+s16+$0x10080], $0xffff  }
.LBB2_24:
0x1dd: {  	p0 =	sne.s32 s17, $0x1FE00;
	v9 =	vld.idx.msk [tilespmem:v7+s16+$0x10080], $0xffff  }
0x1de: {  	v10 =	vld.idx.msk [tilespmem:v0+s16+$0x10080], $0xffff  }
0x1df: {  	v11 =	vld.idx.msk [tilespmem:v1+s16+$0x10080], $0xffff  }
0x1e0: {  	v12 =	vld.idx.msk [tilespmem:v2+s16+$0x10080], $0xffff  }
0x1e1: {  	v13 =	vld.idx.msk [tilespmem:v3+s16+$0x10080], $0xffff  }
0x1e2: {  	v14 =	vld.idx.msk [tilespmem:v4+s16+$0x10080], $0xffff  }
0x1e3: {  	v15 =	vld.idx.msk [tilespmem:v5+s16+$0x10080], $0xffff;
	[tilespmem:s16+$0x100F0] =	vst v9  }
0x1e4: {  	[tilespmem:s16+$0x10080] =	vst v8  }
0x1e5: {  	[tilespmem:s16+$0x10090] =	vst v10  }
0x1e6: {  	[tilespmem:s16+$0x100A0] =	vst v11  }
.Ltmp11:
0x1e7: {  	[tilespmem:s16+$0x100B0] =	vst v12;
	(pc) =	sbr.rel @p0 .LBB2_24-.Ltmp11, $4  }
0x1e8: {  	[tilespmem:s16+$0x100C0] =	vst v13  }
0x1e9: {  	[tilespmem:s16+$0x100D0] =	vst v14  }
0x1ea: {  	[tilespmem:s16+$0x100E0] =	vst v15;
	s16 =	sshra.s32 s17, $0x2  }
0x1eb: {  	s17 =	sadd.s32 $0x200, s17;
	v8 =	vld.idx.msk [tilespmem:v6+s16+$0x10080], $0xffff  }
0x1ec: {  	_ =	sdelay $0x3  }
0x1ed: {  	v9 =	vld.idx.msk [tilespmem:v7+s16+$0x10080], $0xffff  }
0x1ee: {  	v10 =	vld.idx.msk [tilespmem:v0+s16+$0x10080], $0xffff  }
0x1ef: {  	v11 =	vld.idx.msk [tilespmem:v1+s16+$0x10080], $0xffff  }
0x1f0: {  	v12 =	vld.idx.msk [tilespmem:v2+s16+$0x10080], $0xffff  }
0x1f1: {  	v13 =	vld.idx.msk [tilespmem:v3+s16+$0x10080], $0xffff  }
0x1f2: {  	v14 =	vld.idx.msk [tilespmem:v4+s16+$0x10080], $0xffff  }
0x1f3: {  	v15 =	vld.idx.msk [tilespmem:v5+s16+$0x10080], $0xffff;
	[tilespmem:s16+$0x10080] =	vst v8  }
0x1f4: {  	[tilespmem:s16+$0x100F0] =	vst v9  }
0x1f5: {  	[tilespmem:s16+$0x10090] =	vst v10  }
0x1f6: {  	[tilespmem:s16+$0x100A0] =	vst v11  }
0x1f7: {  	[tilespmem:s16+$0x100B0] =	vst v12  }
0x1f8: {  	[tilespmem:s16+$0x100C0] =	vst v13  }
0x1f9: {  	[tilespmem:s16+$0x100D0] =	vst v14  }
0x1fa: {  	s17 =	simm.s32 $0x0;
	[tilespmem:s16+$0x100E0] =	vst v15  }
0x1fb: {  	[hbm4b:s23+s17] =	stream.linear.scatter [tilespmem:s9], [sflag:$0x6], $0x8000, $0x38;
	[tilespmem:$0x18080] =	vst v63  }
0x1fc: {  	_ =	swait.ge [sflag:s13], $0x8000  }
0x1fd: {  	[sflag:s13] =	ssyncset.done $0x0  }
0x1fe: {  	[sflag:s13] =	ssyncadd.s32 $0xFFFF8000  }
0x1ff: {  	[tilespmem:s7], [sflag:$0x2] =	stream.linear.gather [hbm4b:s26+s17], $0x8000, $0x38;
	[tilespmem:$0x18080] =	vst v63  }
0x200: {  	_ =	swait.ge [sflag:s8], $0x8000  }
0x201: {  	[sflag:s8] =	ssyncset.done $0x0  }
0x202: {  	s16 =	simm.s32 $0x0;
	[sflag:s8] =	ssyncadd.s32 $0xFFFF8000  }
0x203: {  	s17 =	simm.s32 $0x200;
	v8 =	vld.idx.msk [tilespmem:v6+s16+$0x80], $0xffff  }
.LBB2_26:
0x204: {  	p0 =	sne.s32 s17, $0x1FE00;
	v9 =	vld.idx.msk [tilespmem:v7+s16+$0x80], $0xffff  }
0x205: {  	v10 =	vld.idx.msk [tilespmem:v0+s16+$0x80], $0xffff  }
0x206: {  	v11 =	vld.idx.msk [tilespmem:v1+s16+$0x80], $0xffff  }
0x207: {  	v12 =	vld.idx.msk [tilespmem:v2+s16+$0x80], $0xffff  }
0x208: {  	v13 =	vld.idx.msk [tilespmem:v3+s16+$0x80], $0xffff  }
0x209: {  	v14 =	vld.idx.msk [tilespmem:v4+s16+$0x80], $0xffff  }
0x20a: {  	v15 =	vld.idx.msk [tilespmem:v5+s16+$0x80], $0xffff;
	[tilespmem:s16+$0xF0] =	vst v9  }
0x20b: {  	[tilespmem:s16+$0x80] =	vst v8  }
0x20c: {  	[tilespmem:s16+$0x90] =	vst v10  }
0x20d: {  	[tilespmem:s16+$0xA0] =	vst v11  }
.Ltmp12:
0x20e: {  	[tilespmem:s16+$0xB0] =	vst v12;
	(pc) =	sbr.rel @p0 .LBB2_26-.Ltmp12, $4  }
0x20f: {  	[tilespmem:s16+$0xC0] =	vst v13  }
0x210: {  	[tilespmem:s16+$0xD0] =	vst v14  }
0x211: {  	[tilespmem:s16+$0xE0] =	vst v15;
	s16 =	sshra.s32 s17, $0x2  }
0x212: {  	s17 =	sadd.s32 $0x200, s17;
	v8 =	vld.idx.msk [tilespmem:v6+s16+$0x80], $0xffff  }
0x213: {  	_ =	sdelay $0x3  }
0x214: {  	v9 =	vld.idx.msk [tilespmem:v7+s16+$0x80], $0xffff  }
0x215: {  	v10 =	vld.idx.msk [tilespmem:v0+s16+$0x80], $0xffff  }
0x216: {  	v11 =	vld.idx.msk [tilespmem:v1+s16+$0x80], $0xffff  }
0x217: {  	v12 =	vld.idx.msk [tilespmem:v2+s16+$0x80], $0xffff  }
0x218: {  	v13 =	vld.idx.msk [tilespmem:v3+s16+$0x80], $0xffff  }
0x219: {  	v14 =	vld.idx.msk [tilespmem:v4+s16+$0x80], $0xffff  }
0x21a: {  	v15 =	vld.idx.msk [tilespmem:v5+s16+$0x80], $0xffff;
	[tilespmem:s16+$0x80] =	vst v8  }
0x21b: {  	[tilespmem:s16+$0xF0] =	vst v9  }
0x21c: {  	[tilespmem:s16+$0x90] =	vst v10  }
0x21d: {  	[tilespmem:s16+$0xA0] =	vst v11  }
0x21e: {  	[tilespmem:s16+$0xB0] =	vst v12  }
0x21f: {  	[tilespmem:s16+$0xC0] =	vst v13  }
0x220: {  	[tilespmem:s16+$0xD0] =	vst v14  }
0x221: {  	s17 =	simm.s32 $0x0;
	[tilespmem:s16+$0xE0] =	vst v15  }
0x222: {  	[hbm4b:s25+s17] =	stream.linear.scatter [tilespmem:s6], [sflag:$0x4], $0x8000, $0x38;
	[tilespmem:$0x18080] =	vst v63  }
0x223: {  	_ =	swait.ge [sflag:s14], $0x8000  }
0x224: {  	[sflag:s14] =	ssyncset.done $0x0  }
0x225: {  	[sflag:s14] =	ssyncadd.s32 $0xFFFF8000  }
0x226: {  	[tilespmem:s9], [sflag:$0x3] =	stream.linear.gather [hbm4b:s0+s17], $0x8000, $0x38;
	[tilespmem:$0x18080] =	vst v63  }
0x227: {  	_ =	swait.ge [sflag:s10], $0x8000  }
0x228: {  	[sflag:s10] =	ssyncset.done $0x0  }
0x229: {  	s16 =	simm.s32 $0x0;
	[sflag:s10] =	ssyncadd.s32 $0xFFFF8000  }
0x22a: {  	s17 =	simm.s32 $0x200;
	v8 =	vld.idx.msk [tilespmem:v6+s16+$0x8080], $0xffff  }
.LBB2_28:
0x22b: {  	p0 =	sne.s32 s17, $0x1FE00;
	v9 =	vld.idx.msk [tilespmem:v7+s16+$0x8080], $0xffff  }
0x22c: {  	v10 =	vld.idx.msk [tilespmem:v0+s16+$0x8080], $0xffff  }
0x22d: {  	v11 =	vld.idx.msk [tilespmem:v1+s16+$0x8080], $0xffff  }
0x22e: {  	v12 =	vld.idx.msk [tilespmem:v2+s16+$0x8080], $0xffff  }
0x22f: {  	v13 =	vld.idx.msk [tilespmem:v3+s16+$0x8080], $0xffff  }
0x230: {  	v14 =	vld.idx.msk [tilespmem:v4+s16+$0x8080], $0xffff  }
0x231: {  	v15 =	vld.idx.msk [tilespmem:v5+s16+$0x8080], $0xffff;
	[tilespmem:s16+$0x80F0] =	vst v9  }
0x232: {  	[tilespmem:s16+$0x8080] =	vst v8  }
0x233: {  	[tilespmem:s16+$0x8090] =	vst v10  }
0x234: {  	[tilespmem:s16+$0x80A0] =	vst v11  }
.Ltmp13:
0x235: {  	[tilespmem:s16+$0x80B0] =	vst v12;
	(pc) =	sbr.rel @p0 .LBB2_28-.Ltmp13, $4  }
0x236: {  	[tilespmem:s16+$0x80C0] =	vst v13  }
0x237: {  	[tilespmem:s16+$0x80D0] =	vst v14  }
0x238: {  	[tilespmem:s16+$0x80E0] =	vst v15;
	s16 =	sshra.s32 s17, $0x2  }
0x239: {  	s17 =	sadd.s32 $0x200, s17;
	v8 =	vld.idx.msk [tilespmem:v6+s16+$0x8080], $0xffff  }
0x23a: {  	_ =	sdelay $0x3  }
0x23b: {  	v9 =	vld.idx.msk [tilespmem:v7+s16+$0x8080], $0xffff  }
0x23c: {  	v10 =	vld.idx.msk [tilespmem:v0+s16+$0x8080], $0xffff  }
0x23d: {  	v11 =	vld.idx.msk [tilespmem:v1+s16+$0x8080], $0xffff  }
0x23e: {  	v12 =	vld.idx.msk [tilespmem:v2+s16+$0x8080], $0xffff  }
0x23f: {  	v13 =	vld.idx.msk [tilespmem:v3+s16+$0x8080], $0xffff  }
0x240: {  	v14 =	vld.idx.msk [tilespmem:v4+s16+$0x8080], $0xffff  }
0x241: {  	v15 =	vld.idx.msk [tilespmem:v5+s16+$0x8080], $0xffff;
	[tilespmem:s16+$0x8080] =	vst v8  }
0x242: {  	[tilespmem:s16+$0x80F0] =	vst v9  }
0x243: {  	[tilespmem:s16+$0x8090] =	vst v10  }
0x244: {  	[tilespmem:s16+$0x80A0] =	vst v11  }
0x245: {  	[tilespmem:s16+$0x80B0] =	vst v12  }
0x246: {  	[tilespmem:s16+$0x80C0] =	vst v13  }
0x247: {  	[tilespmem:s16+$0x80D0] =	vst v14  }
0x248: {  	s17 =	simm.s32 $0x0;
	[tilespmem:s16+$0x80E0] =	vst v15  }
0x249: {  	[hbm4b:s28+s17] =	stream.linear.scatter [tilespmem:s7], [sflag:$0x5], $0x8000, $0x38;
	[tilespmem:$0x18080] =	vst v63  }
0x24a: {  	_ =	swait.ge [sflag:s11], $0x8000  }
0x24b: {  	[sflag:s11] =	ssyncset.done $0x0  }
0x24c: {  	[sflag:s11] =	ssyncadd.s32 $0xFFFF8000  }
0x24d: {  	[tilespmem:s6], [sflag:$0x1] =	stream.linear.gather [hbm4b:s30+s17], $0x8000, $0x38;
	[tilespmem:$0x18080] =	vst v63  }
0x24e: {  	_ =	swait.ge [sflag:s12], $0x8000  }
0x24f: {  	[sflag:s12] =	ssyncset.done $0x0  }
0x250: {  	s16 =	simm.s32 $0x0;
	[sflag:s12] =	ssyncadd.s32 $0xFFFF8000  }
0x251: {  	s17 =	simm.s32 $0x200;
	v8 =	vld.idx.msk [tilespmem:v6+s16+$0x10080], $0xffff  }
.LBB2_30:
0x252: {  	p0 =	sne.s32 s17, $0x1FE00;
	v9 =	vld.idx.msk [tilespmem:v7+s16+$0x10080], $0xffff  }
0x253: {  	v10 =	vld.idx.msk [tilespmem:v0+s16+$0x10080], $0xffff  }
0x254: {  	v11 =	vld.idx.msk [tilespmem:v1+s16+$0x10080], $0xffff  }
0x255: {  	v12 =	vld.idx.msk [tilespmem:v2+s16+$0x10080], $0xffff  }
0x256: {  	v13 =	vld.idx.msk [tilespmem:v3+s16+$0x10080], $0xffff  }
0x257: {  	v14 =	vld.idx.msk [tilespmem:v4+s16+$0x10080], $0xffff  }
0x258: {  	v15 =	vld.idx.msk [tilespmem:v5+s16+$0x10080], $0xffff;
	[tilespmem:s16+$0x100F0] =	vst v9  }
0x259: {  	[tilespmem:s16+$0x10080] =	vst v8  }
0x25a: {  	[tilespmem:s16+$0x10090] =	vst v10  }
0x25b: {  	[tilespmem:s16+$0x100A0] =	vst v11  }
.Ltmp14:
0x25c: {  	[tilespmem:s16+$0x100B0] =	vst v12;
	(pc) =	sbr.rel @p0 .LBB2_30-.Ltmp14, $4  }
0x25d: {  	[tilespmem:s16+$0x100C0] =	vst v13  }
0x25e: {  	[tilespmem:s16+$0x100D0] =	vst v14  }
0x25f: {  	[tilespmem:s16+$0x100E0] =	vst v15;
	s16 =	sshra.s32 s17, $0x2  }
0x260: {  	s17 =	sadd.s32 $0x200, s17;
	v8 =	vld.idx.msk [tilespmem:v6+s16+$0x10080], $0xffff  }
0x261: {  	_ =	sdelay $0x3  }
0x262: {  	v9 =	vld.idx.msk [tilespmem:v7+s16+$0x10080], $0xffff  }
0x263: {  	v10 =	vld.idx.msk [tilespmem:v0+s16+$0x10080], $0xffff  }
0x264: {  	v11 =	vld.idx.msk [tilespmem:v1+s16+$0x10080], $0xffff  }
0x265: {  	v12 =	vld.idx.msk [tilespmem:v2+s16+$0x10080], $0xffff  }
0x266: {  	v13 =	vld.idx.msk [tilespmem:v3+s16+$0x10080], $0xffff  }
0x267: {  	v14 =	vld.idx.msk [tilespmem:v4+s16+$0x10080], $0xffff  }
0x268: {  	v15 =	vld.idx.msk [tilespmem:v5+s16+$0x10080], $0xffff;
	[tilespmem:s16+$0x10080] =	vst v8  }
0x269: {  	[tilespmem:s16+$0x100F0] =	vst v9  }
0x26a: {  	[tilespmem:s16+$0x10090] =	vst v10  }
0x26b: {  	[tilespmem:s16+$0x100A0] =	vst v11  }
0x26c: {  	[tilespmem:s16+$0x100B0] =	vst v12  }
0x26d: {  	[tilespmem:s16+$0x100C0] =	vst v13  }
0x26e: {  	[tilespmem:s16+$0x100D0] =	vst v14  }
0x26f: {  	s17 =	simm.s32 $0x0;
	[tilespmem:s16+$0x100E0] =	vst v15  }
0x270: {  	[hbm4b:s2+s17] =	stream.linear.scatter [tilespmem:s9], [sflag:$0x6], $0x8000, $0x38;
	[tilespmem:$0x18080] =	vst v63  }
0x271: {  	_ =	swait.ge [sflag:s8], $0x8000  }
0x272: {  	[sflag:s8] =	ssyncset.done $0x0  }
0x273: {  	s16 =	simm.s32 $0x0;
	[sflag:s8] =	ssyncadd.s32 $0xFFFF8000  }
0x274: {  	s17 =	simm.s32 $0x200;
	v8 =	vld.idx.msk [tilespmem:v6+s16+$0x80], $0xffff  }
.LBB2_32:
0x275: {  	p0 =	sne.s32 s17, $0x1FE00;
	v9 =	vld.idx.msk [tilespmem:v7+s16+$0x80], $0xffff  }
0x276: {  	v10 =	vld.idx.msk [tilespmem:v0+s16+$0x80], $0xffff  }
0x277: {  	v11 =	vld.idx.msk [tilespmem:v1+s16+$0x80], $0xffff  }
0x278: {  	v12 =	vld.idx.msk [tilespmem:v2+s16+$0x80], $0xffff  }
0x279: {  	v13 =	vld.idx.msk [tilespmem:v3+s16+$0x80], $0xffff  }
0x27a: {  	v14 =	vld.idx.msk [tilespmem:v4+s16+$0x80], $0xffff  }
0x27b: {  	v15 =	vld.idx.msk [tilespmem:v5+s16+$0x80], $0xffff;
	[tilespmem:s16+$0xF0] =	vst v9  }
0x27c: {  	[tilespmem:s16+$0x80] =	vst v8  }
0x27d: {  	[tilespmem:s16+$0x90] =	vst v10  }
0x27e: {  	[tilespmem:s16+$0xA0] =	vst v11  }
.Ltmp15:
0x27f: {  	[tilespmem:s16+$0xB0] =	vst v12;
	(pc) =	sbr.rel @p0 .LBB2_32-.Ltmp15, $4  }
0x280: {  	[tilespmem:s16+$0xC0] =	vst v13  }
0x281: {  	[tilespmem:s16+$0xD0] =	vst v14  }
0x282: {  	[tilespmem:s16+$0xE0] =	vst v15;
	s16 =	sshra.s32 s17, $0x2  }
0x283: {  	s17 =	sadd.s32 $0x200, s17;
	v8 =	vld.idx.msk [tilespmem:v6+s16+$0x80], $0xffff  }
0x284: {  	_ =	sdelay $0x3  }
0x285: {  	v6 =	vld.idx.msk [tilespmem:v7+s16+$0x80], $0xffff  }
0x286: {  	v0 =	vld.idx.msk [tilespmem:v0+s16+$0x80], $0xffff  }
0x287: {  	v1 =	vld.idx.msk [tilespmem:v1+s16+$0x80], $0xffff  }
0x288: {  	v2 =	vld.idx.msk [tilespmem:v2+s16+$0x80], $0xffff  }
0x289: {  	v3 =	vld.idx.msk [tilespmem:v3+s16+$0x80], $0xffff  }
0x28a: {  	v4 =	vld.idx.msk [tilespmem:v4+s16+$0x80], $0xffff  }
0x28b: {  	v5 =	vld.idx.msk [tilespmem:v5+s16+$0x80], $0xffff;
	[tilespmem:s16+$0x80] =	vst v8  }
0x28c: {  	[tilespmem:s16+$0xF0] =	vst v6  }
0x28d: {  	[tilespmem:s16+$0x90] =	vst v0  }
0x28e: {  	[tilespmem:s16+$0xA0] =	vst v1  }
0x28f: {  	[tilespmem:s16+$0xB0] =	vst v2  }
0x290: {  	[tilespmem:s16+$0xC0] =	vst v3  }
0x291: {  	[tilespmem:s16+$0xD0] =	vst v4  }
0x292: {  	[tilespmem:s16+$0xE0] =	vst v5  }
0x293: {  	[hbm4b:s3+s1] =	stream.linear.scatter [tilespmem:s6], [sflag:$0x4], $0x8000, $0x38;
	[tilespmem:$0x18080] =	vst v63  }
0x294: {  	_ =	swait.ge [sflag:s13], $0x8000  }
0x295: {  	[sflag:s13] =	ssyncset.done $0x0  }
0x296: {  	s15 =	sadd.s32 $0x1, s15;
	[sflag:s13] =	ssyncadd.s32 $0xFFFF8000  }
0x297: {  	p0 =	sne.s32 s15, s4;
	_ =	swait.ge [sflag:s14], $0x8000  }
.Ltmp16:
0x298: {  	[sflag:s14] =	ssyncset.done $0x0;
	(pc) =	sbr.rel @p0 .LBB2_1-.Ltmp16, $4  }
0x299: {  	[sflag:s14] =	ssyncadd.s32 $0xFFFF8000  }
0x29a: {  	_ =	swait.ge [sflag:s11], $0x8000  }
0x29b: {  	[sflag:s11] =	ssyncset.done $0x0  }
0x29c: {  	[sflag:s11] =	ssyncadd.s32 $0xFFFF8000  }
0x29d: {  	_ =	sfence.sel $0x180000  }
0x29e: {  	[bflag:$0x0] =	sbarrier.arrive $0xFFFF  }
0x29f: {  	_ =	strace $0x90000047  }
0x2a0: {  	s0 =	stileid.u32;
	[bflag:$0x2] =	sbarrier.arrive $0xFFFF  }
0x2a1: {  	p0 =	sne.s32 s0, $0x0;
	s0 =	rddreg [dreg:$0x3]  }
0x2a2: {  	s0 =	sadd.s32 @!p0 $0x100000, s0  }
0x2a3: {  	[sflag:s0] =	ssyncadd.tile.s32 @!p0 $0x1;
	_ =	shalt  }
.Lfunc_end2:
_tile_overlayer_lowered:
.L_overlay_start_2:
0x2a4: {  	(tag) =	ssettag $0x2  }
0x2a5: {  	s0 =	rddreg [dreg:$0x0];
	s2 =	stileid.u32  }
0x2a6: {  	s1 =	rddreg [dreg:$0x1];
	p0 =	sne.s32 s2, $0x0  }
0x2a7: {  	s3 =	rddreg [dreg:$0x2];
	[bflag:$0x3] =	sbarrier.arrive $0xFFFF;
	s2 =	simm.s32 @!p0 $0x1C07  }
0x2a8: {  	[timem:s3], [sflag:s2] =	dma.local @!p0 [hbm:s0], s1  }
0x2a9: {  	s0 =	simm.s32 @!p0 $0x7  }
0x2aa: {  	_ =	swait.ge @!p0 [sflag:s0], s1  }
0x2ab: {  	s1 =	ssub.s32 @!p0 $0x0, s1;
	[sflag:s0] =	ssyncset.done @!p0 $0x0  }
0x2ac: {  	[sflag:s0] =	ssyncadd.s32 @!p0 s1  }
0x2ad: {  	[bflag:$0x3] =	sbarrier.arrive $0xFFFF  }
0x2ae: {  	_ =	shalt  }

</sc_bundles>
